<compile_context>
chip_gen: v7x
topology: tpu7x:2x2x1
jax: 0.10.2.dev20260603
libtpu: 0.0.44.dev20260713+nightly
codegen_flags: <defaults>
</compile_context>

<pallas_src>
import functools

import jax
import jax.numpy as jnp
from jax import lax
from jax.experimental import pallas as pl
from jax.experimental.pallas import tpu as pltpu
from jax.experimental.pallas import tpu_sc as plsc


def _sc_geometry():
    try:
        info = plsc.get_sparse_core_info()
        return info.num_cores, info.num_subcores
    except Exception:
        return 2, 16


@functools.cache
def _build_gather(num_rows: int, dim: int, bsz: int, fields: int):
    NC, NS = _sc_geometry()
    NW = NC * NS
    BBLK = 128
    CSUB = 8
    assert bsz % (BBLK * NW) == 0 and dim % CSUB == 0
    blk_per_w = bsz // (BBLK * NW)
    assert blk_per_w == 1, "one 128-batch block per worker"
    n_bblk = bsz // BBLK
    NB = 4

    mesh = plsc.VectorSubcoreMesh(core_axis_name="c", subcore_axis_name="s")

    @functools.partial(
        pl.kernel,
        mesh=mesh,
        out_type=jax.ShapeDtypeStruct(
            (fields, dim // CSUB, n_bblk, CSUB, BBLK), jnp.float32),
        scratch_types=(
            [pltpu.VMEM((fields, BBLK), jnp.int32)]
            + [pltpu.VMEM((BBLK, dim), jnp.float32)] * NB
            + [pltpu.VMEM((dim // CSUB, 1, CSUB, BBLK + 1), jnp.float32)] * NB
            + [pltpu.SemaphoreType.DMA] * (2 * NB)
        ),
        compiler_params=pltpu.CompilerParams(
            use_tc_tiling_on_sc=False, needs_layout_passes=False,
            disable_bounds_checks=True),
    )
    def gather_kernel(table_hbm, labt_hbm, out_hbm, *scratch):
        lab_v = scratch[0]
        rows_v = scratch[1:1 + NB]
        tr_v = scratch[1 + NB:1 + 2 * NB]
        row_sem = scratch[1 + 2 * NB:1 + 3 * NB]
        out_sem = scratch[1 + 3 * NB:1 + 4 * NB]
        wid = lax.axis_index("s") * NC + lax.axis_index("c")
        blk = wid * blk_per_w
        n_units = fields * blk_per_w
        assert n_units % NB == 0 and n_units >= 2 * NB

        pltpu.sync_copy(labt_hbm.at[:, pl.ds(blk * BBLK, BBLK)], lab_v)

        def gather_copy(f, s):
            return pltpu.make_async_copy(
                table_hbm.at[lab_v.at[f]], rows_v[s], row_sem[s])

        def out_copy(f, s):
            return pltpu.make_async_copy(
                tr_v[s].at[:, :, :, pl.ds(0, BBLK)],
                out_hbm.at[f, :, pl.ds(blk, 1)],
                out_sem[s])

        lane = jnp.arange(16, dtype=jnp.int32)
        zero16 = jnp.zeros((16,), jnp.int32)

        def transpose_unit(src, dst):
            @plsc.parallel_loop(0, BBLK, unroll=4)
            def bstep(b):
                bv = jnp.full((16,), b, jnp.int32)
                for j in range(dim // 16):
                    c_hi = (lane + 16 * j) // CSUB
                    c_lo = (lane + 16 * j) % CSUB
                    v = src[b, pl.ds(16 * j, 16)]
                    plsc.store_scatter(dst, [c_hi, zero16, c_lo, bv], v)

        gather_copy(0, 0).start()

        def group(g, carry):
            for b_pos in range(NB):
                f = g * NB + b_pos
                s = b_pos
                sn = (b_pos + 1) % NB

                @pl.when(f + 1 < n_units)
                def _():
                    gather_copy(f + 1, sn).start()

                gather_copy(f, s).wait()

                @pl.when(f >= NB)
                def _():
                    out_copy(f - NB, s).wait()

                transpose_unit(rows_v[s], tr_v[s])
                out_copy(f, s).start()
            return carry

        lax.fori_loop(0, n_units // NB, group, 0)

        for j in range(n_units - NB, n_units):
            out_copy(j, j % NB).wait()

    return gather_kernel


def kernel(labels, embeddings):
    bsz, fields = labels.shape
    num_rows, dim = embeddings.shape
    fn = _build_gather(num_rows, dim, bsz, fields)
    out5 = fn(embeddings, labels.T)
    return out5.transpose(2, 4, 0, 1, 3).reshape(bsz, fields, dim)

# --- scband reference (transcript-rebuilt; emitter-appended) ---
"""Pipeline reference for scband-basic-ordinal-embedder-29111288333152 (READ-ONLY COPY).

The authoritative reference and input builder live on the scoring server;
editing this copy changes nothing except your own understanding.
"""

import jax, jax.numpy as jnp
import numpy as np

NUM_CLASSES = 100000
EMBED_DIM = 64
BATCH = 4096
FIELDS = 100


def setup_inputs(seed: int = 0) -> dict:
    key = jax.random.key(seed)
    k1, k2 = jax.random.split(key)
    labels = jax.random.randint(k1, (BATCH, FIELDS), 0, NUM_CLASSES, dtype=jnp.int32)
    embeddings = jax.random.normal(k2, (NUM_CLASSES, EMBED_DIM), dtype=jnp.float32) * 0.02
    return {"labels": labels, "embeddings": embeddings}


def reference(labels, embeddings):
    K = embeddings.shape[0]
    max_idx = float(K - 1)
    lf = labels.astype(embeddings.dtype)
    lf = jnp.minimum(jnp.maximum(lf, 0.0), max_idx)
    lower = jnp.floor(lf)
    upper = jnp.minimum(lower + 1.0, max_idx)
    alpha = (lf - lower)[..., None]
    lower_idx = lower.astype(jnp.int32)
    upper_idx = upper.astype(jnp.int32)
    emb_lo = jnp.take(embeddings, lower_idx, axis=0)
    emb_hi = jnp.take(embeddings, upper_idx, axis=0)
    return emb_lo * (1.0 - alpha) + emb_hi * alpha

if __name__ == "__main__":
    import jax
    _d = setup_inputs()
    print(jax.jit(kernel)(*tuple(_d.values())))

</pallas_src>

<mosaic_0001>
#map = affine_map<(d0, d1) -> (0, 0)>
#map1 = affine_map<(d0, d1) -> (0, 0, 0, 0, 0)>
module attributes {stable_mosaic.version = 14 : i64} {
  func.func @gather_kernel(%arg0: i32, %arg1: i32, %arg2: memref<100000x64xf32, #tpu.memory_space<hbm>>, %arg3: memref<100x4096xi32, #tpu.memory_space<hbm>>, %arg4: memref<100x8x32x8x128xf32, #tpu.memory_space<hbm>>, %arg5: memref<100x128xi32, #tpu.memory_space<vmem>>, %arg6: memref<128x64xf32, #tpu.memory_space<vmem>>, %arg7: memref<128x64xf32, #tpu.memory_space<vmem>>, %arg8: memref<128x64xf32, #tpu.memory_space<vmem>>, %arg9: memref<128x64xf32, #tpu.memory_space<vmem>>, %arg10: memref<8x1x8x129xf32, #tpu.memory_space<vmem>>, %arg11: memref<8x1x8x129xf32, #tpu.memory_space<vmem>>, %arg12: memref<8x1x8x129xf32, #tpu.memory_space<vmem>>, %arg13: memref<8x1x8x129xf32, #tpu.memory_space<vmem>>, %arg14: memref<!tpu.dma_semaphore, #tpu.memory_space<semaphore_mem>>, %arg15: memref<!tpu.dma_semaphore, #tpu.memory_space<semaphore_mem>>, %arg16: memref<!tpu.dma_semaphore, #tpu.memory_space<semaphore_mem>>, %arg17: memref<!tpu.dma_semaphore, #tpu.memory_space<semaphore_mem>>, %arg18: memref<!tpu.dma_semaphore, #tpu.memory_space<semaphore_mem>>, %arg19: memref<!tpu.dma_semaphore, #tpu.memory_space<semaphore_mem>>, %arg20: memref<!tpu.dma_semaphore, #tpu.memory_space<semaphore_mem>>, %arg21: memref<!tpu.dma_semaphore, #tpu.memory_space<semaphore_mem>>) attributes {dimension_semantics = [#tpu.dimension_semantics<core_parallel>, #tpu.dimension_semantics<subcore_parallel>], iteration_bounds = array<i64: 2, 16>, scalar_prefetch = 0 : i64, scratch_operands = 17 : i64, tpu.core_type = #tpu.core_type<sc_vector_subcore>, window_params = [{transform_indices = #map}, {transform_indices = #map}, {transform_indices = #map1}]} {
    %mul3A = arith.constant 2 : i32
    %mul3A_0 = arith.muli %arg1, %mul3A : i32
    %add3A = arith.addi %mul3A_0, %arg0 : i32
    %mul3A_1 = arith.constant 1 : i32
    %mul3A_2 = arith.muli %add3A, %mul3A_1 : i32
    %mul3A_3 = arith.constant 128 : i32
    %mul3A_4 = arith.muli %mul3A_2, %mul3A_3 : i32
    "tpu.region"() ({
      %run_scoped3A = tpu.sem_alloc : memref<!tpu.dma_semaphore, #tpu.memory_space<semaphore_mem>>
      %dma_start3A_100 = arith.constant 0 : i32
      %dma_start3A_101 = tpu.memref_slice %arg3[%dma_start3A_100, %mul3A_4] : memref<100x4096xi32, #tpu.memory_space<hbm>> -> memref<100x128xi32, #tpu.memory_space<hbm>>
      %dma_start3A_102 = arith.constant 0 : i32
      %dma_start3A_103 = tpu.memref_slice %arg3[%dma_start3A_102, %mul3A_4] : memref<100x4096xi32, #tpu.memory_space<hbm>> -> memref<100x128xi32, #tpu.memory_space<hbm>>
      tpu.enqueue_dma source(%dma_start3A_103 : memref<100x128xi32, #tpu.memory_space<hbm>>) target(%arg5 : memref<100x128xi32, #tpu.memory_space<vmem>>) target_semaphore(%run_scoped3A : memref<!tpu.dma_semaphore, #tpu.memory_space<semaphore_mem>>)
      %dma_wait3A_104 = arith.constant 0 : i32
      %dma_wait3A_105 = tpu.memref_slice %arg3[%dma_wait3A_104, %mul3A_4] : memref<100x4096xi32, #tpu.memory_space<hbm>> -> memref<100x128xi32, #tpu.memory_space<hbm>>
      %dma_wait3A_106 = arith.constant 0 : i32
      %dma_wait3A_107 = tpu.memref_slice %arg3[%dma_wait3A_106, %mul3A_4] : memref<100x4096xi32, #tpu.memory_space<hbm>> -> memref<100x128xi32, #tpu.memory_space<hbm>>
      tpu.wait_dma2 semaphore(%run_scoped3A : memref<!tpu.dma_semaphore, #tpu.memory_space<semaphore_mem>>) src(%dma_wait3A_107 : memref<100x128xi32, #tpu.memory_space<hbm>>) dst(%arg5 : memref<100x128xi32, #tpu.memory_space<vmem>>)
      tpu.yield
    }) : () -> ()
    %iota3A = tpu.iota {dimensions = array<i32: 0>} : vector<16xi32>
    %broadcast_in_dim3A = arith.constant 0 : i32
    %broadcast_in_dim3A_5 = vector.broadcast %broadcast_in_dim3A : i32 to vector<16xi32>
    %dma_start3A = arith.constant 0 : i32
    %dma_start3A_6 = arith.constant 0 : i32
    %dma_start3A_7 = tpu.memref_slice %arg5[%dma_start3A, %dma_start3A_6] : memref<100x128xi32, #tpu.memory_space<vmem>> -> memref<1x128xi32, #tpu.memory_space<vmem>>
    %dma_start3A_8 = tpu.memref_squeeze %dma_start3A_7 : memref<1x128xi32, #tpu.memory_space<vmem>> -> memref<128xi32, #tpu.memory_space<vmem>>
    %dma_start3A_9 = arith.constant 0 : i32
    %dma_start3A_10 = arith.constant 0 : i32
    %dma_start3A_11 = tpu.memref_slice %arg2[%dma_start3A_9, %dma_start3A_10] : memref<100000x64xf32, #tpu.memory_space<hbm>> -> memref<100000x64xf32, #tpu.memory_space<hbm>>
    tpu.enqueue_indirect_dma source(%dma_start3A_11 : memref<100000x64xf32, #tpu.memory_space<hbm>>) target(%arg6 : memref<128x64xf32, #tpu.memory_space<vmem>>) offsets(%dma_start3A_8 : memref<128xi32, #tpu.memory_space<vmem>>) semaphore(%arg14 : memref<!tpu.dma_semaphore, #tpu.memory_space<semaphore_mem>>)
    %scan3A = arith.constant 0 : i32
    %scan3A_12 = arith.constant 0 : i32
    %scan3A_13 = arith.constant 25 : i32
    %scan3A_14 = arith.addi %scan3A_12, %scan3A_13 : i32
    %scan3A_15 = arith.constant 1 : i32
    scf.for %scan3A_100 = %scan3A_12 to %scan3A_14 step %scan3A_15  : i32 {
      %mul3A_101 = arith.constant 4 : i32
      %mul3A_102 = arith.muli %scan3A_100, %mul3A_101 : i32
      %add3A_103 = arith.constant 0 : i32
      %add3A_104 = arith.addi %mul3A_102, %add3A_103 : i32
      %add3A_105 = arith.constant 1 : i32
      %add3A_106 = arith.addi %add3A_104, %add3A_105 : i32
      %lt3A = arith.constant 100 : i32
      %lt3A_107 = arith.cmpi slt, %add3A_106, %lt3A : i32
      %convert_element_type3A = arith.extui %lt3A_107 : i1 to i32
      %cond3A = arith.constant 0 : i32
      %cond3A_108 = arith.cmpi ne, %convert_element_type3A, %cond3A : i32
      scf.if %cond3A_108 {
        %add3A_276 = arith.constant 1 : i32
        %add3A_277 = arith.addi %add3A_104, %add3A_276 : i32
        %dma_start3A_278 = arith.constant 0 : i32
        %dma_start3A_279 = tpu.memref_slice %arg5[%add3A_277, %dma_start3A_278] : memref<100x128xi32, #tpu.memory_space<vmem>> -> memref<1x128xi32, #tpu.memory_space<vmem>>
        %dma_start3A_280 = tpu.memref_squeeze %dma_start3A_279 : memref<1x128xi32, #tpu.memory_space<vmem>> -> memref<128xi32, #tpu.memory_space<vmem>>
        %dma_start3A_281 = arith.constant 0 : i32
        %dma_start3A_282 = arith.constant 0 : i32
        %dma_start3A_283 = tpu.memref_slice %arg2[%dma_start3A_281, %dma_start3A_282] : memref<100000x64xf32, #tpu.memory_space<hbm>> -> memref<100000x64xf32, #tpu.memory_space<hbm>>
        tpu.enqueue_indirect_dma source(%dma_start3A_283 : memref<100000x64xf32, #tpu.memory_space<hbm>>) target(%arg7 : memref<128x64xf32, #tpu.memory_space<vmem>>) offsets(%dma_start3A_280 : memref<128xi32, #tpu.memory_space<vmem>>) semaphore(%arg15 : memref<!tpu.dma_semaphore, #tpu.memory_space<semaphore_mem>>)
      } else {
      }
      %dma_wait3A_109 = arith.constant 0 : i32
      %dma_wait3A_110 = tpu.memref_slice %arg5[%add3A_104, %dma_wait3A_109] : memref<100x128xi32, #tpu.memory_space<vmem>> -> memref<1x128xi32, #tpu.memory_space<vmem>>
      %dma_wait3A_111 = tpu.memref_squeeze %dma_wait3A_110 : memref<1x128xi32, #tpu.memory_space<vmem>> -> memref<128xi32, #tpu.memory_space<vmem>>
      %dma_wait3A_112 = arith.constant 0 : i32
      %dma_wait3A_113 = arith.constant 0 : i32
      %dma_wait3A_114 = tpu.memref_slice %arg2[%dma_wait3A_112, %dma_wait3A_113] : memref<100000x64xf32, #tpu.memory_space<hbm>> -> memref<100000x64xf32, #tpu.memory_space<hbm>>
      tpu.wait_indirect_dma semaphore(%arg14 : memref<!tpu.dma_semaphore, #tpu.memory_space<semaphore_mem>>) src(%dma_wait3A_114 : memref<100000x64xf32, #tpu.memory_space<hbm>>) dst(%arg6 : memref<128x64xf32, #tpu.memory_space<vmem>>)
      %ge3A = arith.constant 4 : i32
      %ge3A_115 = arith.cmpi sge, %add3A_104, %ge3A : i32
      %convert_element_type3A_116 = arith.extui %ge3A_115 : i1 to i32
      %cond3A_117 = arith.constant 0 : i32
      %cond3A_118 = arith.cmpi ne, %convert_element_type3A_116, %cond3A_117 : i32
      scf.if %cond3A_118 {
        %sub3A = arith.constant 4 : i32
        %sub3A_276 = arith.subi %add3A_104, %sub3A : i32
        %dma_wait3A_277 = arith.constant 0 : i32
        %dma_wait3A_278 = arith.constant 0 : i32
        %dma_wait3A_279 = arith.constant 0 : i32
        %dma_wait3A_280 = arith.constant 0 : i32
        %dma_wait3A_281 = tpu.memref_slice %arg10[%dma_wait3A_277, %dma_wait3A_278, %dma_wait3A_279, %dma_wait3A_280] : memref<8x1x8x129xf32, #tpu.memory_space<vmem>> -> memref<8x1x8x128xf32, #tpu.memory_space<vmem>>
        %dma_wait3A_282 = arith.constant 0 : i32
        %dma_wait3A_283 = arith.constant 0 : i32
        %dma_wait3A_284 = arith.constant 0 : i32
        %dma_wait3A_285 = tpu.memref_slice %arg4[%sub3A_276, %dma_wait3A_282, %mul3A_2, %dma_wait3A_283, %dma_wait3A_284] : memref<100x8x32x8x128xf32, #tpu.memory_space<hbm>> -> memref<1x8x1x8x128xf32, #tpu.memory_space<hbm>>
        %dma_wait3A_286 = tpu.memref_squeeze %dma_wait3A_285 : memref<1x8x1x8x128xf32, #tpu.memory_space<hbm>> -> memref<8x1x8x128xf32, #tpu.memory_space<hbm>>
        %dma_wait3A_287 = arith.constant 0 : i32
        %dma_wait3A_288 = arith.constant 0 : i32
        %dma_wait3A_289 = arith.constant 0 : i32
        %dma_wait3A_290 = tpu.memref_slice %arg4[%sub3A_276, %dma_wait3A_287, %mul3A_2, %dma_wait3A_288, %dma_wait3A_289] : memref<100x8x32x8x128xf32, #tpu.memory_space<hbm>> -> memref<1x8x1x8x128xf32, #tpu.memory_space<hbm>>
        %dma_wait3A_291 = tpu.memref_squeeze %dma_wait3A_290 : memref<1x8x1x8x128xf32, #tpu.memory_space<hbm>> -> memref<8x1x8x128xf32, #tpu.memory_space<hbm>>
        %dma_wait3A_292 = arith.constant 0 : i32
        %dma_wait3A_293 = arith.constant 0 : i32
        %dma_wait3A_294 = arith.constant 0 : i32
        %dma_wait3A_295 = arith.constant 0 : i32
        %dma_wait3A_296 = tpu.memref_slice %arg10[%dma_wait3A_292, %dma_wait3A_293, %dma_wait3A_294, %dma_wait3A_295] : memref<8x1x8x129xf32, #tpu.memory_space<vmem>> -> memref<8x1x8x128xf32, #tpu.memory_space<vmem>>
        tpu.wait_dma2 semaphore(%arg18 : memref<!tpu.dma_semaphore, #tpu.memory_space<semaphore_mem>>) src(%dma_wait3A_296 : memref<8x1x8x128xf32, #tpu.memory_space<vmem>>) dst(%dma_wait3A_291 : memref<8x1x8x128xf32, #tpu.memory_space<hbm>>)
      } else {
      }
      %parallel_loop3A = arith.constant 0 : i32
      %parallel_loop3A_119 = arith.constant 128 : i32
      %parallel_loop3A_120 = arith.constant 1 : i32
      scf.for %parallel_loop3A_276 = %parallel_loop3A to %parallel_loop3A_119 step %parallel_loop3A_120  : i32 {
        %parallel_loop3A_277 = vector.broadcast %parallel_loop3A_276 : i32 to vector<16xi32>
        %parallel_loop3A_278 = arith.constant 0 : i32
        %parallel_loop3A_279 = vector.broadcast %parallel_loop3A_278 : i32 to vector<16xi32>
        %parallel_loop3A_280 = arith.addi %iota3A, %parallel_loop3A_279 : vector<16xi32>
        %parallel_loop3A_281 = arith.constant 8 : i32
        %parallel_loop3A_282 = vector.broadcast %parallel_loop3A_281 : i32 to vector<16xi32>
        %parallel_loop3A_283 = arith.divsi %parallel_loop3A_280, %parallel_loop3A_282 : vector<16xi32>
        %parallel_loop3A_284 = arith.constant 0 : i32
        %parallel_loop3A_285 = vector.broadcast %parallel_loop3A_284 : i32 to vector<16xi32>
        %parallel_loop3A_286 = arith.cmpi sgt, %parallel_loop3A_280, %parallel_loop3A_285 : vector<16xi32>
        %parallel_loop3A_287 = arith.extui %parallel_loop3A_286 : vector<16xi1> to vector<16xi32>
        %parallel_loop3A_288 = arith.constant 0 : i32
        %parallel_loop3A_289 = vector.broadcast %parallel_loop3A_288 : i32 to vector<16xi32>
        %parallel_loop3A_290 = arith.cmpi slt, %parallel_loop3A_280, %parallel_loop3A_289 : vector<16xi32>
        %parallel_loop3A_291 = arith.extui %parallel_loop3A_290 : vector<16xi1> to vector<16xi32>
        %parallel_loop3A_292 = arith.subi %parallel_loop3A_287, %parallel_loop3A_291 : vector<16xi32>
        %parallel_loop3A_293 = arith.constant 0 : i32
        %parallel_loop3A_294 = arith.cmpi sgt, %parallel_loop3A_281, %parallel_loop3A_293 : i32
        %parallel_loop3A_295 = arith.extui %parallel_loop3A_294 : i1 to i32
        %parallel_loop3A_296 = arith.constant 0 : i32
        %parallel_loop3A_297 = arith.cmpi slt, %parallel_loop3A_281, %parallel_loop3A_296 : i32
        %parallel_loop3A_298 = arith.extui %parallel_loop3A_297 : i1 to i32
        %parallel_loop3A_299 = arith.subi %parallel_loop3A_295, %parallel_loop3A_298 : i32
        %parallel_loop3A_300 = vector.broadcast %parallel_loop3A_299 : i32 to vector<16xi32>
        %parallel_loop3A_301 = arith.cmpi ne, %parallel_loop3A_292, %parallel_loop3A_300 : vector<16xi32>
        %parallel_loop3A_302 = vector.broadcast %parallel_loop3A_281 : i32 to vector<16xi32>
        %parallel_loop3A_303 = arith.remsi %parallel_loop3A_280, %parallel_loop3A_302 : vector<16xi32>
        %parallel_loop3A_304 = arith.constant 0 : i32
        %parallel_loop3A_305 = vector.broadcast %parallel_loop3A_304 : i32 to vector<16xi32>
        %parallel_loop3A_306 = arith.cmpi ne, %parallel_loop3A_303, %parallel_loop3A_305 : vector<16xi32>
        %parallel_loop3A_307 = arith.andi %parallel_loop3A_301, %parallel_loop3A_306 : vector<16xi1>
        %parallel_loop3A_308 = arith.constant 1 : i32
        %parallel_loop3A_309 = vector.broadcast %parallel_loop3A_308 : i32 to vector<16xi32>
        %parallel_loop3A_310 = arith.subi %parallel_loop3A_283, %parallel_loop3A_309 : vector<16xi32>
        %parallel_loop3A_311 = arith.select %parallel_loop3A_307, %parallel_loop3A_310, %parallel_loop3A_283 : vector<16xi1>, vector<16xi32>
        %parallel_loop3A_312 = arith.constant 0 : i32
        %parallel_loop3A_313 = vector.broadcast %parallel_loop3A_312 : i32 to vector<16xi32>
        %parallel_loop3A_314 = arith.addi %iota3A, %parallel_loop3A_313 : vector<16xi32>
        %parallel_loop3A_315 = arith.constant 8 : i32
        %parallel_loop3A_316 = arith.constant 0 : i32
        %parallel_loop3A_317 = arith.cmpi eq, %parallel_loop3A_315, %parallel_loop3A_316 : i32
        %parallel_loop3A_318 = arith.constant 1 : i32
        %parallel_loop3A_319 = arith.select %parallel_loop3A_317, %parallel_loop3A_318, %parallel_loop3A_315 : i32
        %parallel_loop3A_320 = vector.broadcast %parallel_loop3A_319 : i32 to vector<16xi32>
        %parallel_loop3A_321 = arith.remsi %parallel_loop3A_314, %parallel_loop3A_320 : vector<16xi32>
        %parallel_loop3A_322 = arith.constant 0 : i32
        %parallel_loop3A_323 = vector.broadcast %parallel_loop3A_322 : i32 to vector<16xi32>
        %parallel_loop3A_324 = arith.cmpi ne, %parallel_loop3A_321, %parallel_loop3A_323 : vector<16xi32>
        %parallel_loop3A_325 = arith.constant 0 : i32
        %parallel_loop3A_326 = vector.broadcast %parallel_loop3A_325 : i32 to vector<16xi32>
        %parallel_loop3A_327 = arith.cmpi slt, %parallel_loop3A_321, %parallel_loop3A_326 : vector<16xi32>
        %parallel_loop3A_328 = arith.constant 0 : i32
        %parallel_loop3A_329 = arith.cmpi slt, %parallel_loop3A_319, %parallel_loop3A_328 : i32
        %parallel_loop3A_330 = vector.broadcast %parallel_loop3A_329 : i1 to vector<16xi1>
        %parallel_loop3A_331 = vector.broadcast %parallel_loop3A_330 : vector<16xi1> to vector<16xi1>
        %parallel_loop3A_332 = arith.xori %parallel_loop3A_327, %parallel_loop3A_331 : vector<16xi1>
        %parallel_loop3A_333 = arith.andi %parallel_loop3A_332, %parallel_loop3A_324 : vector<16xi1>
        %parallel_loop3A_334 = vector.broadcast %parallel_loop3A_319 : i32 to vector<16xi32>
        %parallel_loop3A_335 = arith.addi %parallel_loop3A_321, %parallel_loop3A_334 : vector<16xi32>
        %parallel_loop3A_336 = arith.select %parallel_loop3A_333, %parallel_loop3A_335, %parallel_loop3A_321 : vector<16xi1>, vector<16xi32>
        %parallel_loop3A_337 = arith.index_cast %parallel_loop3A_276 : i32 to index
        %parallel_loop3A_338 = arith.constant 0 : index
        %parallel_loop3A_339 = tpu.vector_load %arg6[%parallel_loop3A_337, %parallel_loop3A_338] {strides = array<i32>} : memref<128x64xf32, #tpu.memory_space<vmem>>, vector<16xf32>,
        tpu.vector_store_idx %arg10[%parallel_loop3A_311, %broadcast_in_dim3A_5, %parallel_loop3A_336, %parallel_loop3A_277], %parallel_loop3A_339 : memref<8x1x8x129xf32, #tpu.memory_space<vmem>>[vector<16xi32>, vector<16xi32>, vector<16xi32>, vector<16xi32>], vector<16xf32>,
        %parallel_loop3A_340 = arith.constant 16 : i32
        %parallel_loop3A_341 = vector.broadcast %parallel_loop3A_340 : i32 to vector<16xi32>
        %parallel_loop3A_342 = arith.addi %iota3A, %parallel_loop3A_341 : vector<16xi32>
        %parallel_loop3A_343 = arith.constant 8 : i32
        %parallel_loop3A_344 = vector.broadcast %parallel_loop3A_343 : i32 to vector<16xi32>
        %parallel_loop3A_345 = arith.divsi %parallel_loop3A_342, %parallel_loop3A_344 : vector<16xi32>
        %parallel_loop3A_346 = arith.constant 0 : i32
        %parallel_loop3A_347 = vector.broadcast %parallel_loop3A_346 : i32 to vector<16xi32>
        %parallel_loop3A_348 = arith.cmpi sgt, %parallel_loop3A_342, %parallel_loop3A_347 : vector<16xi32>
        %parallel_loop3A_349 = arith.extui %parallel_loop3A_348 : vector<16xi1> to vector<16xi32>
        %parallel_loop3A_350 = arith.constant 0 : i32
        %parallel_loop3A_351 = vector.broadcast %parallel_loop3A_350 : i32 to vector<16xi32>
        %parallel_loop3A_352 = arith.cmpi slt, %parallel_loop3A_342, %parallel_loop3A_351 : vector<16xi32>
        %parallel_loop3A_353 = arith.extui %parallel_loop3A_352 : vector<16xi1> to vector<16xi32>
        %parallel_loop3A_354 = arith.subi %parallel_loop3A_349, %parallel_loop3A_353 : vector<16xi32>
        %parallel_loop3A_355 = arith.constant 0 : i32
        %parallel_loop3A_356 = arith.cmpi sgt, %parallel_loop3A_343, %parallel_loop3A_355 : i32
        %parallel_loop3A_357 = arith.extui %parallel_loop3A_356 : i1 to i32
        %parallel_loop3A_358 = arith.constant 0 : i32
        %parallel_loop3A_359 = arith.cmpi slt, %parallel_loop3A_343, %parallel_loop3A_358 : i32
        %parallel_loop3A_360 = arith.extui %parallel_loop3A_359 : i1 to i32
        %parallel_loop3A_361 = arith.subi %parallel_loop3A_357, %parallel_loop3A_360 : i32
        %parallel_loop3A_362 = vector.broadcast %parallel_loop3A_361 : i32 to vector<16xi32>
        %parallel_loop3A_363 = arith.cmpi ne, %parallel_loop3A_354, %parallel_loop3A_362 : vector<16xi32>
        %parallel_loop3A_364 = vector.broadcast %parallel_loop3A_343 : i32 to vector<16xi32>
        %parallel_loop3A_365 = arith.remsi %parallel_loop3A_342, %parallel_loop3A_364 : vector<16xi32>
        %parallel_loop3A_366 = arith.constant 0 : i32
        %parallel_loop3A_367 = vector.broadcast %parallel_loop3A_366 : i32 to vector<16xi32>
        %parallel_loop3A_368 = arith.cmpi ne, %parallel_loop3A_365, %parallel_loop3A_367 : vector<16xi32>
        %parallel_loop3A_369 = arith.andi %parallel_loop3A_363, %parallel_loop3A_368 : vector<16xi1>
        %parallel_loop3A_370 = arith.constant 1 : i32
        %parallel_loop3A_371 = vector.broadcast %parallel_loop3A_370 : i32 to vector<16xi32>
        %parallel_loop3A_372 = arith.subi %parallel_loop3A_345, %parallel_loop3A_371 : vector<16xi32>
        %parallel_loop3A_373 = arith.select %parallel_loop3A_369, %parallel_loop3A_372, %parallel_loop3A_345 : vector<16xi1>, vector<16xi32>
        %parallel_loop3A_374 = arith.constant 16 : i32
        %parallel_loop3A_375 = vector.broadcast %parallel_loop3A_374 : i32 to vector<16xi32>
        %parallel_loop3A_376 = arith.addi %iota3A, %parallel_loop3A_375 : vector<16xi32>
        %parallel_loop3A_377 = arith.constant 8 : i32
        %parallel_loop3A_378 = arith.constant 0 : i32
        %parallel_loop3A_379 = arith.cmpi eq, %parallel_loop3A_377, %parallel_loop3A_378 : i32
        %parallel_loop3A_380 = arith.constant 1 : i32
        %parallel_loop3A_381 = arith.select %parallel_loop3A_379, %parallel_loop3A_380, %parallel_loop3A_377 : i32
        %parallel_loop3A_382 = vector.broadcast %parallel_loop3A_381 : i32 to vector<16xi32>
        %parallel_loop3A_383 = arith.remsi %parallel_loop3A_376, %parallel_loop3A_382 : vector<16xi32>
        %parallel_loop3A_384 = arith.constant 0 : i32
        %parallel_loop3A_385 = vector.broadcast %parallel_loop3A_384 : i32 to vector<16xi32>
        %parallel_loop3A_386 = arith.cmpi ne, %parallel_loop3A_383, %parallel_loop3A_385 : vector<16xi32>
        %parallel_loop3A_387 = arith.constant 0 : i32
        %parallel_loop3A_388 = vector.broadcast %parallel_loop3A_387 : i32 to vector<16xi32>
        %parallel_loop3A_389 = arith.cmpi slt, %parallel_loop3A_383, %parallel_loop3A_388 : vector<16xi32>
        %parallel_loop3A_390 = arith.constant 0 : i32
        %parallel_loop3A_391 = arith.cmpi slt, %parallel_loop3A_381, %parallel_loop3A_390 : i32
        %parallel_loop3A_392 = vector.broadcast %parallel_loop3A_391 : i1 to vector<16xi1>
        %parallel_loop3A_393 = vector.broadcast %parallel_loop3A_392 : vector<16xi1> to vector<16xi1>
        %parallel_loop3A_394 = arith.xori %parallel_loop3A_389, %parallel_loop3A_393 : vector<16xi1>
        %parallel_loop3A_395 = arith.andi %parallel_loop3A_394, %parallel_loop3A_386 : vector<16xi1>
        %parallel_loop3A_396 = vector.broadcast %parallel_loop3A_381 : i32 to vector<16xi32>
        %parallel_loop3A_397 = arith.addi %parallel_loop3A_383, %parallel_loop3A_396 : vector<16xi32>
        %parallel_loop3A_398 = arith.select %parallel_loop3A_395, %parallel_loop3A_397, %parallel_loop3A_383 : vector<16xi1>, vector<16xi32>
        %parallel_loop3A_399 = arith.index_cast %parallel_loop3A_276 : i32 to index
        %parallel_loop3A_400 = arith.constant 16 : index
        %parallel_loop3A_401 = tpu.vector_load %arg6[%parallel_loop3A_399, %parallel_loop3A_400] {strides = array<i32>} : memref<128x64xf32, #tpu.memory_space<vmem>>, vector<16xf32>,
        tpu.vector_store_idx %arg10[%parallel_loop3A_373, %broadcast_in_dim3A_5, %parallel_loop3A_398, %parallel_loop3A_277], %parallel_loop3A_401 : memref<8x1x8x129xf32, #tpu.memory_space<vmem>>[vector<16xi32>, vector<16xi32>, vector<16xi32>, vector<16xi32>], vector<16xf32>,
        %parallel_loop3A_402 = arith.constant 32 : i32
        %parallel_loop3A_403 = vector.broadcast %parallel_loop3A_402 : i32 to vector<16xi32>
        %parallel_loop3A_404 = arith.addi %iota3A, %parallel_loop3A_403 : vector<16xi32>
        %parallel_loop3A_405 = arith.constant 8 : i32
        %parallel_loop3A_406 = vector.broadcast %parallel_loop3A_405 : i32 to vector<16xi32>
        %parallel_loop3A_407 = arith.divsi %parallel_loop3A_404, %parallel_loop3A_406 : vector<16xi32>
        %parallel_loop3A_408 = arith.constant 0 : i32
        %parallel_loop3A_409 = vector.broadcast %parallel_loop3A_408 : i32 to vector<16xi32>
        %parallel_loop3A_410 = arith.cmpi sgt, %parallel_loop3A_404, %parallel_loop3A_409 : vector<16xi32>
        %parallel_loop3A_411 = arith.extui %parallel_loop3A_410 : vector<16xi1> to vector<16xi32>
        %parallel_loop3A_412 = arith.constant 0 : i32
        %parallel_loop3A_413 = vector.broadcast %parallel_loop3A_412 : i32 to vector<16xi32>
        %parallel_loop3A_414 = arith.cmpi slt, %parallel_loop3A_404, %parallel_loop3A_413 : vector<16xi32>
        %parallel_loop3A_415 = arith.extui %parallel_loop3A_414 : vector<16xi1> to vector<16xi32>
        %parallel_loop3A_416 = arith.subi %parallel_loop3A_411, %parallel_loop3A_415 : vector<16xi32>
        %parallel_loop3A_417 = arith.constant 0 : i32
        %parallel_loop3A_418 = arith.cmpi sgt, %parallel_loop3A_405, %parallel_loop3A_417 : i32
        %parallel_loop3A_419 = arith.extui %parallel_loop3A_418 : i1 to i32
        %parallel_loop3A_420 = arith.constant 0 : i32
        %parallel_loop3A_421 = arith.cmpi slt, %parallel_loop3A_405, %parallel_loop3A_420 : i32
        %parallel_loop3A_422 = arith.extui %parallel_loop3A_421 : i1 to i32
        %parallel_loop3A_423 = arith.subi %parallel_loop3A_419, %parallel_loop3A_422 : i32
        %parallel_loop3A_424 = vector.broadcast %parallel_loop3A_423 : i32 to vector<16xi32>
        %parallel_loop3A_425 = arith.cmpi ne, %parallel_loop3A_416, %parallel_loop3A_424 : vector<16xi32>
        %parallel_loop3A_426 = vector.broadcast %parallel_loop3A_405 : i32 to vector<16xi32>
        %parallel_loop3A_427 = arith.remsi %parallel_loop3A_404, %parallel_loop3A_426 : vector<16xi32>
        %parallel_loop3A_428 = arith.constant 0 : i32
        %parallel_loop3A_429 = vector.broadcast %parallel_loop3A_428 : i32 to vector<16xi32>
        %parallel_loop3A_430 = arith.cmpi ne, %parallel_loop3A_427, %parallel_loop3A_429 : vector<16xi32>
        %parallel_loop3A_431 = arith.andi %parallel_loop3A_425, %parallel_loop3A_430 : vector<16xi1>
        %parallel_loop3A_432 = arith.constant 1 : i32
        %parallel_loop3A_433 = vector.broadcast %parallel_loop3A_432 : i32 to vector<16xi32>
        %parallel_loop3A_434 = arith.subi %parallel_loop3A_407, %parallel_loop3A_433 : vector<16xi32>
        %parallel_loop3A_435 = arith.select %parallel_loop3A_431, %parallel_loop3A_434, %parallel_loop3A_407 : vector<16xi1>, vector<16xi32>
        %parallel_loop3A_436 = arith.constant 32 : i32
        %parallel_loop3A_437 = vector.broadcast %parallel_loop3A_436 : i32 to vector<16xi32>
        %parallel_loop3A_438 = arith.addi %iota3A, %parallel_loop3A_437 : vector<16xi32>
        %parallel_loop3A_439 = arith.constant 8 : i32
        %parallel_loop3A_440 = arith.constant 0 : i32
        %parallel_loop3A_441 = arith.cmpi eq, %parallel_loop3A_439, %parallel_loop3A_440 : i32
        %parallel_loop3A_442 = arith.constant 1 : i32
        %parallel_loop3A_443 = arith.select %parallel_loop3A_441, %parallel_loop3A_442, %parallel_loop3A_439 : i32
        %parallel_loop3A_444 = vector.broadcast %parallel_loop3A_443 : i32 to vector<16xi32>
        %parallel_loop3A_445 = arith.remsi %parallel_loop3A_438, %parallel_loop3A_444 : vector<16xi32>
        %parallel_loop3A_446 = arith.constant 0 : i32
        %parallel_loop3A_447 = vector.broadcast %parallel_loop3A_446 : i32 to vector<16xi32>
        %parallel_loop3A_448 = arith.cmpi ne, %parallel_loop3A_445, %parallel_loop3A_447 : vector<16xi32>
        %parallel_loop3A_449 = arith.constant 0 : i32
        %parallel_loop3A_450 = vector.broadcast %parallel_loop3A_449 : i32 to vector<16xi32>
        %parallel_loop3A_451 = arith.cmpi slt, %parallel_loop3A_445, %parallel_loop3A_450 : vector<16xi32>
        %parallel_loop3A_452 = arith.constant 0 : i32
        %parallel_loop3A_453 = arith.cmpi slt, %parallel_loop3A_443, %parallel_loop3A_452 : i32
        %parallel_loop3A_454 = vector.broadcast %parallel_loop3A_453 : i1 to vector<16xi1>
        %parallel_loop3A_455 = vector.broadcast %parallel_loop3A_454 : vector<16xi1> to vector<16xi1>
        %parallel_loop3A_456 = arith.xori %parallel_loop3A_451, %parallel_loop3A_455 : vector<16xi1>
        %parallel_loop3A_457 = arith.andi %parallel_loop3A_456, %parallel_loop3A_448 : vector<16xi1>
        %parallel_loop3A_458 = vector.broadcast %parallel_loop3A_443 : i32 to vector<16xi32>
        %parallel_loop3A_459 = arith.addi %parallel_loop3A_445, %parallel_loop3A_458 : vector<16xi32>
        %parallel_loop3A_460 = arith.select %parallel_loop3A_457, %parallel_loop3A_459, %parallel_loop3A_445 : vector<16xi1>, vector<16xi32>
        %parallel_loop3A_461 = arith.index_cast %parallel_loop3A_276 : i32 to index
        %parallel_loop3A_462 = arith.constant 32 : index
        %parallel_loop3A_463 = tpu.vector_load %arg6[%parallel_loop3A_461, %parallel_loop3A_462] {strides = array<i32>} : memref<128x64xf32, #tpu.memory_space<vmem>>, vector<16xf32>,
        tpu.vector_store_idx %arg10[%parallel_loop3A_435, %broadcast_in_dim3A_5, %parallel_loop3A_460, %parallel_loop3A_277], %parallel_loop3A_463 : memref<8x1x8x129xf32, #tpu.memory_space<vmem>>[vector<16xi32>, vector<16xi32>, vector<16xi32>, vector<16xi32>], vector<16xf32>,
        %parallel_loop3A_464 = arith.constant 48 : i32
        %parallel_loop3A_465 = vector.broadcast %parallel_loop3A_464 : i32 to vector<16xi32>
        %parallel_loop3A_466 = arith.addi %iota3A, %parallel_loop3A_465 : vector<16xi32>
        %parallel_loop3A_467 = arith.constant 8 : i32
        %parallel_loop3A_468 = vector.broadcast %parallel_loop3A_467 : i32 to vector<16xi32>
        %parallel_loop3A_469 = arith.divsi %parallel_loop3A_466, %parallel_loop3A_468 : vector<16xi32>
        %parallel_loop3A_470 = arith.constant 0 : i32
        %parallel_loop3A_471 = vector.broadcast %parallel_loop3A_470 : i32 to vector<16xi32>
        %parallel_loop3A_472 = arith.cmpi sgt, %parallel_loop3A_466, %parallel_loop3A_471 : vector<16xi32>
        %parallel_loop3A_473 = arith.extui %parallel_loop3A_472 : vector<16xi1> to vector<16xi32>
        %parallel_loop3A_474 = arith.constant 0 : i32
        %parallel_loop3A_475 = vector.broadcast %parallel_loop3A_474 : i32 to vector<16xi32>
        %parallel_loop3A_476 = arith.cmpi slt, %parallel_loop3A_466, %parallel_loop3A_475 : vector<16xi32>
        %parallel_loop3A_477 = arith.extui %parallel_loop3A_476 : vector<16xi1> to vector<16xi32>
        %parallel_loop3A_478 = arith.subi %parallel_loop3A_473, %parallel_loop3A_477 : vector<16xi32>
        %parallel_loop3A_479 = arith.constant 0 : i32
        %parallel_loop3A_480 = arith.cmpi sgt, %parallel_loop3A_467, %parallel_loop3A_479 : i32
        %parallel_loop3A_481 = arith.extui %parallel_loop3A_480 : i1 to i32
        %parallel_loop3A_482 = arith.constant 0 : i32
        %parallel_loop3A_483 = arith.cmpi slt, %parallel_loop3A_467, %parallel_loop3A_482 : i32
        %parallel_loop3A_484 = arith.extui %parallel_loop3A_483 : i1 to i32
        %parallel_loop3A_485 = arith.subi %parallel_loop3A_481, %parallel_loop3A_484 : i32
        %parallel_loop3A_486 = vector.broadcast %parallel_loop3A_485 : i32 to vector<16xi32>
        %parallel_loop3A_487 = arith.cmpi ne, %parallel_loop3A_478, %parallel_loop3A_486 : vector<16xi32>
        %parallel_loop3A_488 = vector.broadcast %parallel_loop3A_467 : i32 to vector<16xi32>
        %parallel_loop3A_489 = arith.remsi %parallel_loop3A_466, %parallel_loop3A_488 : vector<16xi32>
        %parallel_loop3A_490 = arith.constant 0 : i32
        %parallel_loop3A_491 = vector.broadcast %parallel_loop3A_490 : i32 to vector<16xi32>
        %parallel_loop3A_492 = arith.cmpi ne, %parallel_loop3A_489, %parallel_loop3A_491 : vector<16xi32>
        %parallel_loop3A_493 = arith.andi %parallel_loop3A_487, %parallel_loop3A_492 : vector<16xi1>
        %parallel_loop3A_494 = arith.constant 1 : i32
        %parallel_loop3A_495 = vector.broadcast %parallel_loop3A_494 : i32 to vector<16xi32>
        %parallel_loop3A_496 = arith.subi %parallel_loop3A_469, %parallel_loop3A_495 : vector<16xi32>
        %parallel_loop3A_497 = arith.select %parallel_loop3A_493, %parallel_loop3A_496, %parallel_loop3A_469 : vector<16xi1>, vector<16xi32>
        %parallel_loop3A_498 = arith.constant 48 : i32
        %parallel_loop3A_499 = vector.broadcast %parallel_loop3A_498 : i32 to vector<16xi32>
        %parallel_loop3A_500 = arith.addi %iota3A, %parallel_loop3A_499 : vector<16xi32>
        %parallel_loop3A_501 = arith.constant 8 : i32
        %parallel_loop3A_502 = arith.constant 0 : i32
        %parallel_loop3A_503 = arith.cmpi eq, %parallel_loop3A_501, %parallel_loop3A_502 : i32
        %parallel_loop3A_504 = arith.constant 1 : i32
        %parallel_loop3A_505 = arith.select %parallel_loop3A_503, %parallel_loop3A_504, %parallel_loop3A_501 : i32
        %parallel_loop3A_506 = vector.broadcast %parallel_loop3A_505 : i32 to vector<16xi32>
        %parallel_loop3A_507 = arith.remsi %parallel_loop3A_500, %parallel_loop3A_506 : vector<16xi32>
        %parallel_loop3A_508 = arith.constant 0 : i32
        %parallel_loop3A_509 = vector.broadcast %parallel_loop3A_508 : i32 to vector<16xi32>
        %parallel_loop3A_510 = arith.cmpi ne, %parallel_loop3A_507, %parallel_loop3A_509 : vector<16xi32>
        %parallel_loop3A_511 = arith.constant 0 : i32
        %parallel_loop3A_512 = vector.broadcast %parallel_loop3A_511 : i32 to vector<16xi32>
        %parallel_loop3A_513 = arith.cmpi slt, %parallel_loop3A_507, %parallel_loop3A_512 : vector<16xi32>
        %parallel_loop3A_514 = arith.constant 0 : i32
        %parallel_loop3A_515 = arith.cmpi slt, %parallel_loop3A_505, %parallel_loop3A_514 : i32
        %parallel_loop3A_516 = vector.broadcast %parallel_loop3A_515 : i1 to vector<16xi1>
        %parallel_loop3A_517 = vector.broadcast %parallel_loop3A_516 : vector<16xi1> to vector<16xi1>
        %parallel_loop3A_518 = arith.xori %parallel_loop3A_513, %parallel_loop3A_517 : vector<16xi1>
        %parallel_loop3A_519 = arith.andi %parallel_loop3A_518, %parallel_loop3A_510 : vector<16xi1>
        %parallel_loop3A_520 = vector.broadcast %parallel_loop3A_505 : i32 to vector<16xi32>
        %parallel_loop3A_521 = arith.addi %parallel_loop3A_507, %parallel_loop3A_520 : vector<16xi32>
        %parallel_loop3A_522 = arith.select %parallel_loop3A_519, %parallel_loop3A_521, %parallel_loop3A_507 : vector<16xi1>, vector<16xi32>
        %parallel_loop3A_523 = arith.index_cast %parallel_loop3A_276 : i32 to index
        %parallel_loop3A_524 = arith.constant 48 : index
        %parallel_loop3A_525 = tpu.vector_load %arg6[%parallel_loop3A_523, %parallel_loop3A_524] {strides = array<i32>} : memref<128x64xf32, #tpu.memory_space<vmem>>, vector<16xf32>,
        tpu.vector_store_idx %arg10[%parallel_loop3A_497, %broadcast_in_dim3A_5, %parallel_loop3A_522, %parallel_loop3A_277], %parallel_loop3A_525 : memref<8x1x8x129xf32, #tpu.memory_space<vmem>>[vector<16xi32>, vector<16xi32>, vector<16xi32>, vector<16xi32>], vector<16xf32>,
      } {sc.loop_unroll_factor = 4 : i64, sc.parallel_access}
      %dma_start3A_121 = arith.constant 0 : i32
      %dma_start3A_122 = arith.constant 0 : i32
      %dma_start3A_123 = arith.constant 0 : i32
      %dma_start3A_124 = arith.constant 0 : i32
      %dma_start3A_125 = tpu.memref_slice %arg10[%dma_start3A_121, %dma_start3A_122, %dma_start3A_123, %dma_start3A_124] : memref<8x1x8x129xf32, #tpu.memory_space<vmem>> -> memref<8x1x8x128xf32, #tpu.memory_space<vmem>>
      %dma_start3A_126 = arith.constant 0 : i32
      %dma_start3A_127 = arith.constant 0 : i32
      %dma_start3A_128 = arith.constant 0 : i32
      %dma_start3A_129 = tpu.memref_slice %arg4[%add3A_104, %dma_start3A_126, %mul3A_2, %dma_start3A_127, %dma_start3A_128] : memref<100x8x32x8x128xf32, #tpu.memory_space<hbm>> -> memref<1x8x1x8x128xf32, #tpu.memory_space<hbm>>
      %dma_start3A_130 = tpu.memref_squeeze %dma_start3A_129 : memref<1x8x1x8x128xf32, #tpu.memory_space<hbm>> -> memref<8x1x8x128xf32, #tpu.memory_space<hbm>>
      %dma_start3A_131 = arith.constant 0 : i32
      %dma_start3A_132 = arith.constant 0 : i32
      %dma_start3A_133 = arith.constant 0 : i32
      %dma_start3A_134 = tpu.memref_slice %arg4[%add3A_104, %dma_start3A_131, %mul3A_2, %dma_start3A_132, %dma_start3A_133] : memref<100x8x32x8x128xf32, #tpu.memory_space<hbm>> -> memref<1x8x1x8x128xf32, #tpu.memory_space<hbm>>
      %dma_start3A_135 = tpu.memref_squeeze %dma_start3A_134 : memref<1x8x1x8x128xf32, #tpu.memory_space<hbm>> -> memref<8x1x8x128xf32, #tpu.memory_space<hbm>>
      %dma_start3A_136 = arith.constant 0 : i32
      %dma_start3A_137 = arith.constant 0 : i32
      %dma_start3A_138 = arith.constant 0 : i32
      %dma_start3A_139 = arith.constant 0 : i32
      %dma_start3A_140 = tpu.memref_slice %arg10[%dma_start3A_136, %dma_start3A_137, %dma_start3A_138, %dma_start3A_139] : memref<8x1x8x129xf32, #tpu.memory_space<vmem>> -> memref<8x1x8x128xf32, #tpu.memory_space<vmem>>
      tpu.enqueue_dma source(%dma_start3A_140 : memref<8x1x8x128xf32, #tpu.memory_space<vmem>>) target(%dma_start3A_135 : memref<8x1x8x128xf32, #tpu.memory_space<hbm>>) target_semaphore(%arg18 : memref<!tpu.dma_semaphore, #tpu.memory_space<semaphore_mem>>)
      %mul3A_141 = arith.constant 4 : i32
      %mul3A_142 = arith.muli %scan3A_100, %mul3A_141 : i32
      %add3A_143 = arith.constant 1 : i32
      %add3A_144 = arith.addi %mul3A_142, %add3A_143 : i32
      %add3A_145 = arith.constant 1 : i32
      %add3A_146 = arith.addi %add3A_144, %add3A_145 : i32
      %lt3A_147 = arith.constant 100 : i32
      %lt3A_148 = arith.cmpi slt, %add3A_146, %lt3A_147 : i32
      %convert_element_type3A_149 = arith.extui %lt3A_148 : i1 to i32
      %cond3A_150 = arith.constant 0 : i32
      %cond3A_151 = arith.cmpi ne, %convert_element_type3A_149, %cond3A_150 : i32
      scf.if %cond3A_151 {
        %add3A_276 = arith.constant 1 : i32
        %add3A_277 = arith.addi %add3A_144, %add3A_276 : i32
        %dma_start3A_278 = arith.constant 0 : i32
        %dma_start3A_279 = tpu.memref_slice %arg5[%add3A_277, %dma_start3A_278] : memref<100x128xi32, #tpu.memory_space<vmem>> -> memref<1x128xi32, #tpu.memory_space<vmem>>
        %dma_start3A_280 = tpu.memref_squeeze %dma_start3A_279 : memref<1x128xi32, #tpu.memory_space<vmem>> -> memref<128xi32, #tpu.memory_space<vmem>>
        %dma_start3A_281 = arith.constant 0 : i32
        %dma_start3A_282 = arith.constant 0 : i32
        %dma_start3A_283 = tpu.memref_slice %arg2[%dma_start3A_281, %dma_start3A_282] : memref<100000x64xf32, #tpu.memory_space<hbm>> -> memref<100000x64xf32, #tpu.memory_space<hbm>>
        tpu.enqueue_indirect_dma source(%dma_start3A_283 : memref<100000x64xf32, #tpu.memory_space<hbm>>) target(%arg8 : memref<128x64xf32, #tpu.memory_space<vmem>>) offsets(%dma_start3A_280 : memref<128xi32, #tpu.memory_space<vmem>>) semaphore(%arg16 : memref<!tpu.dma_semaphore, #tpu.memory_space<semaphore_mem>>)
      } else {
      }
      %dma_wait3A_152 = arith.constant 0 : i32
      %dma_wait3A_153 = tpu.memref_slice %arg5[%add3A_144, %dma_wait3A_152] : memref<100x128xi32, #tpu.memory_space<vmem>> -> memref<1x128xi32, #tpu.memory_space<vmem>>
      %dma_wait3A_154 = tpu.memref_squeeze %dma_wait3A_153 : memref<1x128xi32, #tpu.memory_space<vmem>> -> memref<128xi32, #tpu.memory_space<vmem>>
      %dma_wait3A_155 = arith.constant 0 : i32
      %dma_wait3A_156 = arith.constant 0 : i32
      %dma_wait3A_157 = tpu.memref_slice %arg2[%dma_wait3A_155, %dma_wait3A_156] : memref<100000x64xf32, #tpu.memory_space<hbm>> -> memref<100000x64xf32, #tpu.memory_space<hbm>>
      tpu.wait_indirect_dma semaphore(%arg15 : memref<!tpu.dma_semaphore, #tpu.memory_space<semaphore_mem>>) src(%dma_wait3A_157 : memref<100000x64xf32, #tpu.memory_space<hbm>>) dst(%arg7 : memref<128x64xf32, #tpu.memory_space<vmem>>)
      %ge3A_158 = arith.constant 4 : i32
      %ge3A_159 = arith.cmpi sge, %add3A_144, %ge3A_158 : i32
      %convert_element_type3A_160 = arith.extui %ge3A_159 : i1 to i32
      %cond3A_161 = arith.constant 0 : i32
      %cond3A_162 = arith.cmpi ne, %convert_element_type3A_160, %cond3A_161 : i32
      scf.if %cond3A_162 {
        %sub3A = arith.constant 4 : i32
        %sub3A_276 = arith.subi %add3A_144, %sub3A : i32
        %dma_wait3A_277 = arith.constant 0 : i32
        %dma_wait3A_278 = arith.constant 0 : i32
        %dma_wait3A_279 = arith.constant 0 : i32
        %dma_wait3A_280 = arith.constant 0 : i32
        %dma_wait3A_281 = tpu.memref_slice %arg11[%dma_wait3A_277, %dma_wait3A_278, %dma_wait3A_279, %dma_wait3A_280] : memref<8x1x8x129xf32, #tpu.memory_space<vmem>> -> memref<8x1x8x128xf32, #tpu.memory_space<vmem>>
        %dma_wait3A_282 = arith.constant 0 : i32
        %dma_wait3A_283 = arith.constant 0 : i32
        %dma_wait3A_284 = arith.constant 0 : i32
        %dma_wait3A_285 = tpu.memref_slice %arg4[%sub3A_276, %dma_wait3A_282, %mul3A_2, %dma_wait3A_283, %dma_wait3A_284] : memref<100x8x32x8x128xf32, #tpu.memory_space<hbm>> -> memref<1x8x1x8x128xf32, #tpu.memory_space<hbm>>
        %dma_wait3A_286 = tpu.memref_squeeze %dma_wait3A_285 : memref<1x8x1x8x128xf32, #tpu.memory_space<hbm>> -> memref<8x1x8x128xf32, #tpu.memory_space<hbm>>
        %dma_wait3A_287 = arith.constant 0 : i32
        %dma_wait3A_288 = arith.constant 0 : i32
        %dma_wait3A_289 = arith.constant 0 : i32
        %dma_wait3A_290 = tpu.memref_slice %arg4[%sub3A_276, %dma_wait3A_287, %mul3A_2, %dma_wait3A_288, %dma_wait3A_289] : memref<100x8x32x8x128xf32, #tpu.memory_space<hbm>> -> memref<1x8x1x8x128xf32, #tpu.memory_space<hbm>>
        %dma_wait3A_291 = tpu.memref_squeeze %dma_wait3A_290 : memref<1x8x1x8x128xf32, #tpu.memory_space<hbm>> -> memref<8x1x8x128xf32, #tpu.memory_space<hbm>>
        %dma_wait3A_292 = arith.constant 0 : i32
        %dma_wait3A_293 = arith.constant 0 : i32
        %dma_wait3A_294 = arith.constant 0 : i32
        %dma_wait3A_295 = arith.constant 0 : i32
        %dma_wait3A_296 = tpu.memref_slice %arg11[%dma_wait3A_292, %dma_wait3A_293, %dma_wait3A_294, %dma_wait3A_295] : memref<8x1x8x129xf32, #tpu.memory_space<vmem>> -> memref<8x1x8x128xf32, #tpu.memory_space<vmem>>
        tpu.wait_dma2 semaphore(%arg19 : memref<!tpu.dma_semaphore, #tpu.memory_space<semaphore_mem>>) src(%dma_wait3A_296 : memref<8x1x8x128xf32, #tpu.memory_space<vmem>>) dst(%dma_wait3A_291 : memref<8x1x8x128xf32, #tpu.memory_space<hbm>>)
      } else {
      }
      %parallel_loop3A_163 = arith.constant 0 : i32
      %parallel_loop3A_164 = arith.constant 128 : i32
      %parallel_loop3A_165 = arith.constant 1 : i32
      scf.for %parallel_loop3A_276 = %parallel_loop3A_163 to %parallel_loop3A_164 step %parallel_loop3A_165  : i32 {
        %parallel_loop3A_277 = vector.broadcast %parallel_loop3A_276 : i32 to vector<16xi32>
        %parallel_loop3A_278 = arith.constant 0 : i32
        %parallel_loop3A_279 = vector.broadcast %parallel_loop3A_278 : i32 to vector<16xi32>
        %parallel_loop3A_280 = arith.addi %iota3A, %parallel_loop3A_279 : vector<16xi32>
        %parallel_loop3A_281 = arith.constant 8 : i32
        %parallel_loop3A_282 = vector.broadcast %parallel_loop3A_281 : i32 to vector<16xi32>
        %parallel_loop3A_283 = arith.divsi %parallel_loop3A_280, %parallel_loop3A_282 : vector<16xi32>
        %parallel_loop3A_284 = arith.constant 0 : i32
        %parallel_loop3A_285 = vector.broadcast %parallel_loop3A_284 : i32 to vector<16xi32>
        %parallel_loop3A_286 = arith.cmpi sgt, %parallel_loop3A_280, %parallel_loop3A_285 : vector<16xi32>
        %parallel_loop3A_287 = arith.extui %parallel_loop3A_286 : vector<16xi1> to vector<16xi32>
        %parallel_loop3A_288 = arith.constant 0 : i32
        %parallel_loop3A_289 = vector.broadcast %parallel_loop3A_288 : i32 to vector<16xi32>
        %parallel_loop3A_290 = arith.cmpi slt, %parallel_loop3A_280, %parallel_loop3A_289 : vector<16xi32>
        %parallel_loop3A_291 = arith.extui %parallel_loop3A_290 : vector<16xi1> to vector<16xi32>
        %parallel_loop3A_292 = arith.subi %parallel_loop3A_287, %parallel_loop3A_291 : vector<16xi32>
        %parallel_loop3A_293 = arith.constant 0 : i32
        %parallel_loop3A_294 = arith.cmpi sgt, %parallel_loop3A_281, %parallel_loop3A_293 : i32
        %parallel_loop3A_295 = arith.extui %parallel_loop3A_294 : i1 to i32
        %parallel_loop3A_296 = arith.constant 0 : i32
        %parallel_loop3A_297 = arith.cmpi slt, %parallel_loop3A_281, %parallel_loop3A_296 : i32
        %parallel_loop3A_298 = arith.extui %parallel_loop3A_297 : i1 to i32
        %parallel_loop3A_299 = arith.subi %parallel_loop3A_295, %parallel_loop3A_298 : i32
        %parallel_loop3A_300 = vector.broadcast %parallel_loop3A_299 : i32 to vector<16xi32>
        %parallel_loop3A_301 = arith.cmpi ne, %parallel_loop3A_292, %parallel_loop3A_300 : vector<16xi32>
        %parallel_loop3A_302 = vector.broadcast %parallel_loop3A_281 : i32 to vector<16xi32>
        %parallel_loop3A_303 = arith.remsi %parallel_loop3A_280, %parallel_loop3A_302 : vector<16xi32>
        %parallel_loop3A_304 = arith.constant 0 : i32
        %parallel_loop3A_305 = vector.broadcast %parallel_loop3A_304 : i32 to vector<16xi32>
        %parallel_loop3A_306 = arith.cmpi ne, %parallel_loop3A_303, %parallel_loop3A_305 : vector<16xi32>
        %parallel_loop3A_307 = arith.andi %parallel_loop3A_301, %parallel_loop3A_306 : vector<16xi1>
        %parallel_loop3A_308 = arith.constant 1 : i32
        %parallel_loop3A_309 = vector.broadcast %parallel_loop3A_308 : i32 to vector<16xi32>
        %parallel_loop3A_310 = arith.subi %parallel_loop3A_283, %parallel_loop3A_309 : vector<16xi32>
        %parallel_loop3A_311 = arith.select %parallel_loop3A_307, %parallel_loop3A_310, %parallel_loop3A_283 : vector<16xi1>, vector<16xi32>
        %parallel_loop3A_312 = arith.constant 0 : i32
        %parallel_loop3A_313 = vector.broadcast %parallel_loop3A_312 : i32 to vector<16xi32>
        %parallel_loop3A_314 = arith.addi %iota3A, %parallel_loop3A_313 : vector<16xi32>
        %parallel_loop3A_315 = arith.constant 8 : i32
        %parallel_loop3A_316 = arith.constant 0 : i32
        %parallel_loop3A_317 = arith.cmpi eq, %parallel_loop3A_315, %parallel_loop3A_316 : i32
        %parallel_loop3A_318 = arith.constant 1 : i32
        %parallel_loop3A_319 = arith.select %parallel_loop3A_317, %parallel_loop3A_318, %parallel_loop3A_315 : i32
        %parallel_loop3A_320 = vector.broadcast %parallel_loop3A_319 : i32 to vector<16xi32>
        %parallel_loop3A_321 = arith.remsi %parallel_loop3A_314, %parallel_loop3A_320 : vector<16xi32>
        %parallel_loop3A_322 = arith.constant 0 : i32
        %parallel_loop3A_323 = vector.broadcast %parallel_loop3A_322 : i32 to vector<16xi32>
        %parallel_loop3A_324 = arith.cmpi ne, %parallel_loop3A_321, %parallel_loop3A_323 : vector<16xi32>
        %parallel_loop3A_325 = arith.constant 0 : i32
        %parallel_loop3A_326 = vector.broadcast %parallel_loop3A_325 : i32 to vector<16xi32>
        %parallel_loop3A_327 = arith.cmpi slt, %parallel_loop3A_321, %parallel_loop3A_326 : vector<16xi32>
        %parallel_loop3A_328 = arith.constant 0 : i32
        %parallel_loop3A_329 = arith.cmpi slt, %parallel_loop3A_319, %parallel_loop3A_328 : i32
        %parallel_loop3A_330 = vector.broadcast %parallel_loop3A_329 : i1 to vector<16xi1>
        %parallel_loop3A_331 = vector.broadcast %parallel_loop3A_330 : vector<16xi1> to vector<16xi1>
        %parallel_loop3A_332 = arith.xori %parallel_loop3A_327, %parallel_loop3A_331 : vector<16xi1>
        %parallel_loop3A_333 = arith.andi %parallel_loop3A_332, %parallel_loop3A_324 : vector<16xi1>
        %parallel_loop3A_334 = vector.broadcast %parallel_loop3A_319 : i32 to vector<16xi32>
        %parallel_loop3A_335 = arith.addi %parallel_loop3A_321, %parallel_loop3A_334 : vector<16xi32>
        %parallel_loop3A_336 = arith.select %parallel_loop3A_333, %parallel_loop3A_335, %parallel_loop3A_321 : vector<16xi1>, vector<16xi32>
        %parallel_loop3A_337 = arith.index_cast %parallel_loop3A_276 : i32 to index
        %parallel_loop3A_338 = arith.constant 0 : index
        %parallel_loop3A_339 = tpu.vector_load %arg7[%parallel_loop3A_337, %parallel_loop3A_338] {strides = array<i32>} : memref<128x64xf32, #tpu.memory_space<vmem>>, vector<16xf32>,
        tpu.vector_store_idx %arg11[%parallel_loop3A_311, %broadcast_in_dim3A_5, %parallel_loop3A_336, %parallel_loop3A_277], %parallel_loop3A_339 : memref<8x1x8x129xf32, #tpu.memory_space<vmem>>[vector<16xi32>, vector<16xi32>, vector<16xi32>, vector<16xi32>], vector<16xf32>,
        %parallel_loop3A_340 = arith.constant 16 : i32
        %parallel_loop3A_341 = vector.broadcast %parallel_loop3A_340 : i32 to vector<16xi32>
        %parallel_loop3A_342 = arith.addi %iota3A, %parallel_loop3A_341 : vector<16xi32>
        %parallel_loop3A_343 = arith.constant 8 : i32
        %parallel_loop3A_344 = vector.broadcast %parallel_loop3A_343 : i32 to vector<16xi32>
        %parallel_loop3A_345 = arith.divsi %parallel_loop3A_342, %parallel_loop3A_344 : vector<16xi32>
        %parallel_loop3A_346 = arith.constant 0 : i32
        %parallel_loop3A_347 = vector.broadcast %parallel_loop3A_346 : i32 to vector<16xi32>
        %parallel_loop3A_348 = arith.cmpi sgt, %parallel_loop3A_342, %parallel_loop3A_347 : vector<16xi32>
        %parallel_loop3A_349 = arith.extui %parallel_loop3A_348 : vector<16xi1> to vector<16xi32>
        %parallel_loop3A_350 = arith.constant 0 : i32
        %parallel_loop3A_351 = vector.broadcast %parallel_loop3A_350 : i32 to vector<16xi32>
        %parallel_loop3A_352 = arith.cmpi slt, %parallel_loop3A_342, %parallel_loop3A_351 : vector<16xi32>
        %parallel_loop3A_353 = arith.extui %parallel_loop3A_352 : vector<16xi1> to vector<16xi32>
        %parallel_loop3A_354 = arith.subi %parallel_loop3A_349, %parallel_loop3A_353 : vector<16xi32>
        %parallel_loop3A_355 = arith.constant 0 : i32
        %parallel_loop3A_356 = arith.cmpi sgt, %parallel_loop3A_343, %parallel_loop3A_355 : i32
        %parallel_loop3A_357 = arith.extui %parallel_loop3A_356 : i1 to i32
        %parallel_loop3A_358 = arith.constant 0 : i32
        %parallel_loop3A_359 = arith.cmpi slt, %parallel_loop3A_343, %parallel_loop3A_358 : i32
        %parallel_loop3A_360 = arith.extui %parallel_loop3A_359 : i1 to i32
        %parallel_loop3A_361 = arith.subi %parallel_loop3A_357, %parallel_loop3A_360 : i32
        %parallel_loop3A_362 = vector.broadcast %parallel_loop3A_361 : i32 to vector<16xi32>
        %parallel_loop3A_363 = arith.cmpi ne, %parallel_loop3A_354, %parallel_loop3A_362 : vector<16xi32>
        %parallel_loop3A_364 = vector.broadcast %parallel_loop3A_343 : i32 to vector<16xi32>
        %parallel_loop3A_365 = arith.remsi %parallel_loop3A_342, %parallel_loop3A_364 : vector<16xi32>
        %parallel_loop3A_366 = arith.constant 0 : i32
        %parallel_loop3A_367 = vector.broadcast %parallel_loop3A_366 : i32 to vector<16xi32>
        %parallel_loop3A_368 = arith.cmpi ne, %parallel_loop3A_365, %parallel_loop3A_367 : vector<16xi32>
        %parallel_loop3A_369 = arith.andi %parallel_loop3A_363, %parallel_loop3A_368 : vector<16xi1>
        %parallel_loop3A_370 = arith.constant 1 : i32
        %parallel_loop3A_371 = vector.broadcast %parallel_loop3A_370 : i32 to vector<16xi32>
        %parallel_loop3A_372 = arith.subi %parallel_loop3A_345, %parallel_loop3A_371 : vector<16xi32>
        %parallel_loop3A_373 = arith.select %parallel_loop3A_369, %parallel_loop3A_372, %parallel_loop3A_345 : vector<16xi1>, vector<16xi32>
        %parallel_loop3A_374 = arith.constant 16 : i32
        %parallel_loop3A_375 = vector.broadcast %parallel_loop3A_374 : i32 to vector<16xi32>
        %parallel_loop3A_376 = arith.addi %iota3A, %parallel_loop3A_375 : vector<16xi32>
        %parallel_loop3A_377 = arith.constant 8 : i32
        %parallel_loop3A_378 = arith.constant 0 : i32
        %parallel_loop3A_379 = arith.cmpi eq, %parallel_loop3A_377, %parallel_loop3A_378 : i32
        %parallel_loop3A_380 = arith.constant 1 : i32
        %parallel_loop3A_381 = arith.select %parallel_loop3A_379, %parallel_loop3A_380, %parallel_loop3A_377 : i32
        %parallel_loop3A_382 = vector.broadcast %parallel_loop3A_381 : i32 to vector<16xi32>
        %parallel_loop3A_383 = arith.remsi %parallel_loop3A_376, %parallel_loop3A_382 : vector<16xi32>
        %parallel_loop3A_384 = arith.constant 0 : i32
        %parallel_loop3A_385 = vector.broadcast %parallel_loop3A_384 : i32 to vector<16xi32>
        %parallel_loop3A_386 = arith.cmpi ne, %parallel_loop3A_383, %parallel_loop3A_385 : vector<16xi32>
        %parallel_loop3A_387 = arith.constant 0 : i32
        %parallel_loop3A_388 = vector.broadcast %parallel_loop3A_387 : i32 to vector<16xi32>
        %parallel_loop3A_389 = arith.cmpi slt, %parallel_loop3A_383, %parallel_loop3A_388 : vector<16xi32>
        %parallel_loop3A_390 = arith.constant 0 : i32
        %parallel_loop3A_391 = arith.cmpi slt, %parallel_loop3A_381, %parallel_loop3A_390 : i32
        %parallel_loop3A_392 = vector.broadcast %parallel_loop3A_391 : i1 to vector<16xi1>
        %parallel_loop3A_393 = vector.broadcast %parallel_loop3A_392 : vector<16xi1> to vector<16xi1>
        %parallel_loop3A_394 = arith.xori %parallel_loop3A_389, %parallel_loop3A_393 : vector<16xi1>
        %parallel_loop3A_395 = arith.andi %parallel_loop3A_394, %parallel_loop3A_386 : vector<16xi1>
        %parallel_loop3A_396 = vector.broadcast %parallel_loop3A_381 : i32 to vector<16xi32>
        %parallel_loop3A_397 = arith.addi %parallel_loop3A_383, %parallel_loop3A_396 : vector<16xi32>
        %parallel_loop3A_398 = arith.select %parallel_loop3A_395, %parallel_loop3A_397, %parallel_loop3A_383 : vector<16xi1>, vector<16xi32>
        %parallel_loop3A_399 = arith.index_cast %parallel_loop3A_276 : i32 to index
        %parallel_loop3A_400 = arith.constant 16 : index
        %parallel_loop3A_401 = tpu.vector_load %arg7[%parallel_loop3A_399, %parallel_loop3A_400] {strides = array<i32>} : memref<128x64xf32, #tpu.memory_space<vmem>>, vector<16xf32>,
        tpu.vector_store_idx %arg11[%parallel_loop3A_373, %broadcast_in_dim3A_5, %parallel_loop3A_398, %parallel_loop3A_277], %parallel_loop3A_401 : memref<8x1x8x129xf32, #tpu.memory_space<vmem>>[vector<16xi32>, vector<16xi32>, vector<16xi32>, vector<16xi32>], vector<16xf32>,
        %parallel_loop3A_402 = arith.constant 32 : i32
        %parallel_loop3A_403 = vector.broadcast %parallel_loop3A_402 : i32 to vector<16xi32>
        %parallel_loop3A_404 = arith.addi %iota3A, %parallel_loop3A_403 : vector<16xi32>
        %parallel_loop3A_405 = arith.constant 8 : i32
        %parallel_loop3A_406 = vector.broadcast %parallel_loop3A_405 : i32 to vector<16xi32>
        %parallel_loop3A_407 = arith.divsi %parallel_loop3A_404, %parallel_loop3A_406 : vector<16xi32>
        %parallel_loop3A_408 = arith.constant 0 : i32
        %parallel_loop3A_409 = vector.broadcast %parallel_loop3A_408 : i32 to vector<16xi32>
        %parallel_loop3A_410 = arith.cmpi sgt, %parallel_loop3A_404, %parallel_loop3A_409 : vector<16xi32>
        %parallel_loop3A_411 = arith.extui %parallel_loop3A_410 : vector<16xi1> to vector<16xi32>
        %parallel_loop3A_412 = arith.constant 0 : i32
        %parallel_loop3A_413 = vector.broadcast %parallel_loop3A_412 : i32 to vector<16xi32>
        %parallel_loop3A_414 = arith.cmpi slt, %parallel_loop3A_404, %parallel_loop3A_413 : vector<16xi32>
        %parallel_loop3A_415 = arith.extui %parallel_loop3A_414 : vector<16xi1> to vector<16xi32>
        %parallel_loop3A_416 = arith.subi %parallel_loop3A_411, %parallel_loop3A_415 : vector<16xi32>
        %parallel_loop3A_417 = arith.constant 0 : i32
        %parallel_loop3A_418 = arith.cmpi sgt, %parallel_loop3A_405, %parallel_loop3A_417 : i32
        %parallel_loop3A_419 = arith.extui %parallel_loop3A_418 : i1 to i32
        %parallel_loop3A_420 = arith.constant 0 : i32
        %parallel_loop3A_421 = arith.cmpi slt, %parallel_loop3A_405, %parallel_loop3A_420 : i32
        %parallel_loop3A_422 = arith.extui %parallel_loop3A_421 : i1 to i32
        %parallel_loop3A_423 = arith.subi %parallel_loop3A_419, %parallel_loop3A_422 : i32
        %parallel_loop3A_424 = vector.broadcast %parallel_loop3A_423 : i32 to vector<16xi32>
        %parallel_loop3A_425 = arith.cmpi ne, %parallel_loop3A_416, %parallel_loop3A_424 : vector<16xi32>
        %parallel_loop3A_426 = vector.broadcast %parallel_loop3A_405 : i32 to vector<16xi32>
        %parallel_loop3A_427 = arith.remsi %parallel_loop3A_404, %parallel_loop3A_426 : vector<16xi32>
        %parallel_loop3A_428 = arith.constant 0 : i32
        %parallel_loop3A_429 = vector.broadcast %parallel_loop3A_428 : i32 to vector<16xi32>
        %parallel_loop3A_430 = arith.cmpi ne, %parallel_loop3A_427, %parallel_loop3A_429 : vector<16xi32>
        %parallel_loop3A_431 = arith.andi %parallel_loop3A_425, %parallel_loop3A_430 : vector<16xi1>
        %parallel_loop3A_432 = arith.constant 1 : i32
        %parallel_loop3A_433 = vector.broadcast %parallel_loop3A_432 : i32 to vector<16xi32>
        %parallel_loop3A_434 = arith.subi %parallel_loop3A_407, %parallel_loop3A_433 : vector<16xi32>
        %parallel_loop3A_435 = arith.select %parallel_loop3A_431, %parallel_loop3A_434, %parallel_loop3A_407 : vector<16xi1>, vector<16xi32>
        %parallel_loop3A_436 = arith.constant 32 : i32
        %parallel_loop3A_437 = vector.broadcast %parallel_loop3A_436 : i32 to vector<16xi32>
        %parallel_loop3A_438 = arith.addi %iota3A, %parallel_loop3A_437 : vector<16xi32>
        %parallel_loop3A_439 = arith.constant 8 : i32
        %parallel_loop3A_440 = arith.constant 0 : i32
        %parallel_loop3A_441 = arith.cmpi eq, %parallel_loop3A_439, %parallel_loop3A_440 : i32
        %parallel_loop3A_442 = arith.constant 1 : i32
        %parallel_loop3A_443 = arith.select %parallel_loop3A_441, %parallel_loop3A_442, %parallel_loop3A_439 : i32
        %parallel_loop3A_444 = vector.broadcast %parallel_loop3A_443 : i32 to vector<16xi32>
        %parallel_loop3A_445 = arith.remsi %parallel_loop3A_438, %parallel_loop3A_444 : vector<16xi32>
        %parallel_loop3A_446 = arith.constant 0 : i32
        %parallel_loop3A_447 = vector.broadcast %parallel_loop3A_446 : i32 to vector<16xi32>
        %parallel_loop3A_448 = arith.cmpi ne, %parallel_loop3A_445, %parallel_loop3A_447 : vector<16xi32>
        %parallel_loop3A_449 = arith.constant 0 : i32
        %parallel_loop3A_450 = vector.broadcast %parallel_loop3A_449 : i32 to vector<16xi32>
        %parallel_loop3A_451 = arith.cmpi slt, %parallel_loop3A_445, %parallel_loop3A_450 : vector<16xi32>
        %parallel_loop3A_452 = arith.constant 0 : i32
        %parallel_loop3A_453 = arith.cmpi slt, %parallel_loop3A_443, %parallel_loop3A_452 : i32
        %parallel_loop3A_454 = vector.broadcast %parallel_loop3A_453 : i1 to vector<16xi1>
        %parallel_loop3A_455 = vector.broadcast %parallel_loop3A_454 : vector<16xi1> to vector<16xi1>
        %parallel_loop3A_456 = arith.xori %parallel_loop3A_451, %parallel_loop3A_455 : vector<16xi1>
        %parallel_loop3A_457 = arith.andi %parallel_loop3A_456, %parallel_loop3A_448 : vector<16xi1>
        %parallel_loop3A_458 = vector.broadcast %parallel_loop3A_443 : i32 to vector<16xi32>
        %parallel_loop3A_459 = arith.addi %parallel_loop3A_445, %parallel_loop3A_458 : vector<16xi32>
        %parallel_loop3A_460 = arith.select %parallel_loop3A_457, %parallel_loop3A_459, %parallel_loop3A_445 : vector<16xi1>, vector<16xi32>
        %parallel_loop3A_461 = arith.index_cast %parallel_loop3A_276 : i32 to index
        %parallel_loop3A_462 = arith.constant 32 : index
        %parallel_loop3A_463 = tpu.vector_load %arg7[%parallel_loop3A_461, %parallel_loop3A_462] {strides = array<i32>} : memref<128x64xf32, #tpu.memory_space<vmem>>, vector<16xf32>,
        tpu.vector_store_idx %arg11[%parallel_loop3A_435, %broadcast_in_dim3A_5, %parallel_loop3A_460, %parallel_loop3A_277], %parallel_loop3A_463 : memref<8x1x8x129xf32, #tpu.memory_space<vmem>>[vector<16xi32>, vector<16xi32>, vector<16xi32>, vector<16xi32>], vector<16xf32>,
        %parallel_loop3A_464 = arith.constant 48 : i32
        %parallel_loop3A_465 = vector.broadcast %parallel_loop3A_464 : i32 to vector<16xi32>
        %parallel_loop3A_466 = arith.addi %iota3A, %parallel_loop3A_465 : vector<16xi32>
        %parallel_loop3A_467 = arith.constant 8 : i32
        %parallel_loop3A_468 = vector.broadcast %parallel_loop3A_467 : i32 to vector<16xi32>
        %parallel_loop3A_469 = arith.divsi %parallel_loop3A_466, %parallel_loop3A_468 : vector<16xi32>
        %parallel_loop3A_470 = arith.constant 0 : i32
        %parallel_loop3A_471 = vector.broadcast %parallel_loop3A_470 : i32 to vector<16xi32>
        %parallel_loop3A_472 = arith.cmpi sgt, %parallel_loop3A_466, %parallel_loop3A_471 : vector<16xi32>
        %parallel_loop3A_473 = arith.extui %parallel_loop3A_472 : vector<16xi1> to vector<16xi32>
        %parallel_loop3A_474 = arith.constant 0 : i32
        %parallel_loop3A_475 = vector.broadcast %parallel_loop3A_474 : i32 to vector<16xi32>
        %parallel_loop3A_476 = arith.cmpi slt, %parallel_loop3A_466, %parallel_loop3A_475 : vector<16xi32>
        %parallel_loop3A_477 = arith.extui %parallel_loop3A_476 : vector<16xi1> to vector<16xi32>
        %parallel_loop3A_478 = arith.subi %parallel_loop3A_473, %parallel_loop3A_477 : vector<16xi32>
        %parallel_loop3A_479 = arith.constant 0 : i32
        %parallel_loop3A_480 = arith.cmpi sgt, %parallel_loop3A_467, %parallel_loop3A_479 : i32
        %parallel_loop3A_481 = arith.extui %parallel_loop3A_480 : i1 to i32
        %parallel_loop3A_482 = arith.constant 0 : i32
        %parallel_loop3A_483 = arith.cmpi slt, %parallel_loop3A_467, %parallel_loop3A_482 : i32
        %parallel_loop3A_484 = arith.extui %parallel_loop3A_483 : i1 to i32
        %parallel_loop3A_485 = arith.subi %parallel_loop3A_481, %parallel_loop3A_484 : i32
        %parallel_loop3A_486 = vector.broadcast %parallel_loop3A_485 : i32 to vector<16xi32>
        %parallel_loop3A_487 = arith.cmpi ne, %parallel_loop3A_478, %parallel_loop3A_486 : vector<16xi32>
        %parallel_loop3A_488 = vector.broadcast %parallel_loop3A_467 : i32 to vector<16xi32>
        %parallel_loop3A_489 = arith.remsi %parallel_loop3A_466, %parallel_loop3A_488 : vector<16xi32>
        %parallel_loop3A_490 = arith.constant 0 : i32
        %parallel_loop3A_491 = vector.broadcast %parallel_loop3A_490 : i32 to vector<16xi32>
        %parallel_loop3A_492 = arith.cmpi ne, %parallel_loop3A_489, %parallel_loop3A_491 : vector<16xi32>
        %parallel_loop3A_493 = arith.andi %parallel_loop3A_487, %parallel_loop3A_492 : vector<16xi1>
        %parallel_loop3A_494 = arith.constant 1 : i32
        %parallel_loop3A_495 = vector.broadcast %parallel_loop3A_494 : i32 to vector<16xi32>
        %parallel_loop3A_496 = arith.subi %parallel_loop3A_469, %parallel_loop3A_495 : vector<16xi32>
        %parallel_loop3A_497 = arith.select %parallel_loop3A_493, %parallel_loop3A_496, %parallel_loop3A_469 : vector<16xi1>, vector<16xi32>
        %parallel_loop3A_498 = arith.constant 48 : i32
        %parallel_loop3A_499 = vector.broadcast %parallel_loop3A_498 : i32 to vector<16xi32>
        %parallel_loop3A_500 = arith.addi %iota3A, %parallel_loop3A_499 : vector<16xi32>
        %parallel_loop3A_501 = arith.constant 8 : i32
        %parallel_loop3A_502 = arith.constant 0 : i32
        %parallel_loop3A_503 = arith.cmpi eq, %parallel_loop3A_501, %parallel_loop3A_502 : i32
        %parallel_loop3A_504 = arith.constant 1 : i32
        %parallel_loop3A_505 = arith.select %parallel_loop3A_503, %parallel_loop3A_504, %parallel_loop3A_501 : i32
        %parallel_loop3A_506 = vector.broadcast %parallel_loop3A_505 : i32 to vector<16xi32>
        %parallel_loop3A_507 = arith.remsi %parallel_loop3A_500, %parallel_loop3A_506 : vector<16xi32>
        %parallel_loop3A_508 = arith.constant 0 : i32
        %parallel_loop3A_509 = vector.broadcast %parallel_loop3A_508 : i32 to vector<16xi32>
        %parallel_loop3A_510 = arith.cmpi ne, %parallel_loop3A_507, %parallel_loop3A_509 : vector<16xi32>
        %parallel_loop3A_511 = arith.constant 0 : i32
        %parallel_loop3A_512 = vector.broadcast %parallel_loop3A_511 : i32 to vector<16xi32>
        %parallel_loop3A_513 = arith.cmpi slt, %parallel_loop3A_507, %parallel_loop3A_512 : vector<16xi32>
        %parallel_loop3A_514 = arith.constant 0 : i32
        %parallel_loop3A_515 = arith.cmpi slt, %parallel_loop3A_505, %parallel_loop3A_514 : i32
        %parallel_loop3A_516 = vector.broadcast %parallel_loop3A_515 : i1 to vector<16xi1>
        %parallel_loop3A_517 = vector.broadcast %parallel_loop3A_516 : vector<16xi1> to vector<16xi1>
        %parallel_loop3A_518 = arith.xori %parallel_loop3A_513, %parallel_loop3A_517 : vector<16xi1>
        %parallel_loop3A_519 = arith.andi %parallel_loop3A_518, %parallel_loop3A_510 : vector<16xi1>
        %parallel_loop3A_520 = vector.broadcast %parallel_loop3A_505 : i32 to vector<16xi32>
        %parallel_loop3A_521 = arith.addi %parallel_loop3A_507, %parallel_loop3A_520 : vector<16xi32>
        %parallel_loop3A_522 = arith.select %parallel_loop3A_519, %parallel_loop3A_521, %parallel_loop3A_507 : vector<16xi1>, vector<16xi32>
        %parallel_loop3A_523 = arith.index_cast %parallel_loop3A_276 : i32 to index
        %parallel_loop3A_524 = arith.constant 48 : index
        %parallel_loop3A_525 = tpu.vector_load %arg7[%parallel_loop3A_523, %parallel_loop3A_524] {strides = array<i32>} : memref<128x64xf32, #tpu.memory_space<vmem>>, vector<16xf32>,
        tpu.vector_store_idx %arg11[%parallel_loop3A_497, %broadcast_in_dim3A_5, %parallel_loop3A_522, %parallel_loop3A_277], %parallel_loop3A_525 : memref<8x1x8x129xf32, #tpu.memory_space<vmem>>[vector<16xi32>, vector<16xi32>, vector<16xi32>, vector<16xi32>], vector<16xf32>,
      } {sc.loop_unroll_factor = 4 : i64, sc.parallel_access}
      %dma_start3A_166 = arith.constant 0 : i32
      %dma_start3A_167 = arith.constant 0 : i32
      %dma_start3A_168 = arith.constant 0 : i32
      %dma_start3A_169 = arith.constant 0 : i32
      %dma_start3A_170 = tpu.memref_slice %arg11[%dma_start3A_166, %dma_start3A_167, %dma_start3A_168, %dma_start3A_169] : memref<8x1x8x129xf32, #tpu.memory_space<vmem>> -> memref<8x1x8x128xf32, #tpu.memory_space<vmem>>
      %dma_start3A_171 = arith.constant 0 : i32
      %dma_start3A_172 = arith.constant 0 : i32
      %dma_start3A_173 = arith.constant 0 : i32
      %dma_start3A_174 = tpu.memref_slice %arg4[%add3A_144, %dma_start3A_171, %mul3A_2, %dma_start3A_172, %dma_start3A_173] : memref<100x8x32x8x128xf32, #tpu.memory_space<hbm>> -> memref<1x8x1x8x128xf32, #tpu.memory_space<hbm>>
      %dma_start3A_175 = tpu.memref_squeeze %dma_start3A_174 : memref<1x8x1x8x128xf32, #tpu.memory_space<hbm>> -> memref<8x1x8x128xf32, #tpu.memory_space<hbm>>
      %dma_start3A_176 = arith.constant 0 : i32
      %dma_start3A_177 = arith.constant 0 : i32
      %dma_start3A_178 = arith.constant 0 : i32
      %dma_start3A_179 = tpu.memref_slice %arg4[%add3A_144, %dma_start3A_176, %mul3A_2, %dma_start3A_177, %dma_start3A_178] : memref<100x8x32x8x128xf32, #tpu.memory_space<hbm>> -> memref<1x8x1x8x128xf32, #tpu.memory_space<hbm>>
      %dma_start3A_180 = tpu.memref_squeeze %dma_start3A_179 : memref<1x8x1x8x128xf32, #tpu.memory_space<hbm>> -> memref<8x1x8x128xf32, #tpu.memory_space<hbm>>
      %dma_start3A_181 = arith.constant 0 : i32
      %dma_start3A_182 = arith.constant 0 : i32
      %dma_start3A_183 = arith.constant 0 : i32
      %dma_start3A_184 = arith.constant 0 : i32
      %dma_start3A_185 = tpu.memref_slice %arg11[%dma_start3A_181, %dma_start3A_182, %dma_start3A_183, %dma_start3A_184] : memref<8x1x8x129xf32, #tpu.memory_space<vmem>> -> memref<8x1x8x128xf32, #tpu.memory_space<vmem>>
      tpu.enqueue_dma source(%dma_start3A_185 : memref<8x1x8x128xf32, #tpu.memory_space<vmem>>) target(%dma_start3A_180 : memref<8x1x8x128xf32, #tpu.memory_space<hbm>>) target_semaphore(%arg19 : memref<!tpu.dma_semaphore, #tpu.memory_space<semaphore_mem>>)
      %mul3A_186 = arith.constant 4 : i32
      %mul3A_187 = arith.muli %scan3A_100, %mul3A_186 : i32
      %add3A_188 = arith.constant 2 : i32
      %add3A_189 = arith.addi %mul3A_187, %add3A_188 : i32
      %add3A_190 = arith.constant 1 : i32
      %add3A_191 = arith.addi %add3A_189, %add3A_190 : i32
      %lt3A_192 = arith.constant 100 : i32
      %lt3A_193 = arith.cmpi slt, %add3A_191, %lt3A_192 : i32
      %convert_element_type3A_194 = arith.extui %lt3A_193 : i1 to i32
      %cond3A_195 = arith.constant 0 : i32
      %cond3A_196 = arith.cmpi ne, %convert_element_type3A_194, %cond3A_195 : i32
      scf.if %cond3A_196 {
        %add3A_276 = arith.constant 1 : i32
        %add3A_277 = arith.addi %add3A_189, %add3A_276 : i32
        %dma_start3A_278 = arith.constant 0 : i32
        %dma_start3A_279 = tpu.memref_slice %arg5[%add3A_277, %dma_start3A_278] : memref<100x128xi32, #tpu.memory_space<vmem>> -> memref<1x128xi32, #tpu.memory_space<vmem>>
        %dma_start3A_280 = tpu.memref_squeeze %dma_start3A_279 : memref<1x128xi32, #tpu.memory_space<vmem>> -> memref<128xi32, #tpu.memory_space<vmem>>
        %dma_start3A_281 = arith.constant 0 : i32
        %dma_start3A_282 = arith.constant 0 : i32
        %dma_start3A_283 = tpu.memref_slice %arg2[%dma_start3A_281, %dma_start3A_282] : memref<100000x64xf32, #tpu.memory_space<hbm>> -> memref<100000x64xf32, #tpu.memory_space<hbm>>
        tpu.enqueue_indirect_dma source(%dma_start3A_283 : memref<100000x64xf32, #tpu.memory_space<hbm>>) target(%arg9 : memref<128x64xf32, #tpu.memory_space<vmem>>) offsets(%dma_start3A_280 : memref<128xi32, #tpu.memory_space<vmem>>) semaphore(%arg17 : memref<!tpu.dma_semaphore, #tpu.memory_space<semaphore_mem>>)
      } else {
      }
      %dma_wait3A_197 = arith.constant 0 : i32
      %dma_wait3A_198 = tpu.memref_slice %arg5[%add3A_189, %dma_wait3A_197] : memref<100x128xi32, #tpu.memory_space<vmem>> -> memref<1x128xi32, #tpu.memory_space<vmem>>
      %dma_wait3A_199 = tpu.memref_squeeze %dma_wait3A_198 : memref<1x128xi32, #tpu.memory_space<vmem>> -> memref<128xi32, #tpu.memory_space<vmem>>
      %dma_wait3A_200 = arith.constant 0 : i32
      %dma_wait3A_201 = arith.constant 0 : i32
      %dma_wait3A_202 = tpu.memref_slice %arg2[%dma_wait3A_200, %dma_wait3A_201] : memref<100000x64xf32, #tpu.memory_space<hbm>> -> memref<100000x64xf32, #tpu.memory_space<hbm>>
      tpu.wait_indirect_dma semaphore(%arg16 : memref<!tpu.dma_semaphore, #tpu.memory_space<semaphore_mem>>) src(%dma_wait3A_202 : memref<100000x64xf32, #tpu.memory_space<hbm>>) dst(%arg8 : memref<128x64xf32, #tpu.memory_space<vmem>>)
      %ge3A_203 = arith.constant 4 : i32
      %ge3A_204 = arith.cmpi sge, %add3A_189, %ge3A_203 : i32
      %convert_element_type3A_205 = arith.extui %ge3A_204 : i1 to i32
      %cond3A_206 = arith.constant 0 : i32
      %cond3A_207 = arith.cmpi ne, %convert_element_type3A_205, %cond3A_206 : i32
      scf.if %cond3A_207 {
        %sub3A = arith.constant 4 : i32
        %sub3A_276 = arith.subi %add3A_189, %sub3A : i32
        %dma_wait3A_277 = arith.constant 0 : i32
        %dma_wait3A_278 = arith.constant 0 : i32
        %dma_wait3A_279 = arith.constant 0 : i32
        %dma_wait3A_280 = arith.constant 0 : i32
        %dma_wait3A_281 = tpu.memref_slice %arg12[%dma_wait3A_277, %dma_wait3A_278, %dma_wait3A_279, %dma_wait3A_280] : memref<8x1x8x129xf32, #tpu.memory_space<vmem>> -> memref<8x1x8x128xf32, #tpu.memory_space<vmem>>
        %dma_wait3A_282 = arith.constant 0 : i32
        %dma_wait3A_283 = arith.constant 0 : i32
        %dma_wait3A_284 = arith.constant 0 : i32
        %dma_wait3A_285 = tpu.memref_slice %arg4[%sub3A_276, %dma_wait3A_282, %mul3A_2, %dma_wait3A_283, %dma_wait3A_284] : memref<100x8x32x8x128xf32, #tpu.memory_space<hbm>> -> memref<1x8x1x8x128xf32, #tpu.memory_space<hbm>>
        %dma_wait3A_286 = tpu.memref_squeeze %dma_wait3A_285 : memref<1x8x1x8x128xf32, #tpu.memory_space<hbm>> -> memref<8x1x8x128xf32, #tpu.memory_space<hbm>>
        %dma_wait3A_287 = arith.constant 0 : i32
        %dma_wait3A_288 = arith.constant 0 : i32
        %dma_wait3A_289 = arith.constant 0 : i32
        %dma_wait3A_290 = tpu.memref_slice %arg4[%sub3A_276, %dma_wait3A_287, %mul3A_2, %dma_wait3A_288, %dma_wait3A_289] : memref<100x8x32x8x128xf32, #tpu.memory_space<hbm>> -> memref<1x8x1x8x128xf32, #tpu.memory_space<hbm>>
        %dma_wait3A_291 = tpu.memref_squeeze %dma_wait3A_290 : memref<1x8x1x8x128xf32, #tpu.memory_space<hbm>> -> memref<8x1x8x128xf32, #tpu.memory_space<hbm>>
        %dma_wait3A_292 = arith.constant 0 : i32
        %dma_wait3A_293 = arith.constant 0 : i32
        %dma_wait3A_294 = arith.constant 0 : i32
        %dma_wait3A_295 = arith.constant 0 : i32
        %dma_wait3A_296 = tpu.memref_slice %arg12[%dma_wait3A_292, %dma_wait3A_293, %dma_wait3A_294, %dma_wait3A_295] : memref<8x1x8x129xf32, #tpu.memory_space<vmem>> -> memref<8x1x8x128xf32, #tpu.memory_space<vmem>>
        tpu.wait_dma2 semaphore(%arg20 : memref<!tpu.dma_semaphore, #tpu.memory_space<semaphore_mem>>) src(%dma_wait3A_296 : memref<8x1x8x128xf32, #tpu.memory_space<vmem>>) dst(%dma_wait3A_291 : memref<8x1x8x128xf32, #tpu.memory_space<hbm>>)
      } else {
      }
      %parallel_loop3A_208 = arith.constant 0 : i32
      %parallel_loop3A_209 = arith.constant 128 : i32
      %parallel_loop3A_210 = arith.constant 1 : i32
      scf.for %parallel_loop3A_276 = %parallel_loop3A_208 to %parallel_loop3A_209 step %parallel_loop3A_210  : i32 {
        %parallel_loop3A_277 = vector.broadcast %parallel_loop3A_276 : i32 to vector<16xi32>
        %parallel_loop3A_278 = arith.constant 0 : i32
        %parallel_loop3A_279 = vector.broadcast %parallel_loop3A_278 : i32 to vector<16xi32>
        %parallel_loop3A_280 = arith.addi %iota3A, %parallel_loop3A_279 : vector<16xi32>
        %parallel_loop3A_281 = arith.constant 8 : i32
        %parallel_loop3A_282 = vector.broadcast %parallel_loop3A_281 : i32 to vector<16xi32>
        %parallel_loop3A_283 = arith.divsi %parallel_loop3A_280, %parallel_loop3A_282 : vector<16xi32>
        %parallel_loop3A_284 = arith.constant 0 : i32
        %parallel_loop3A_285 = vector.broadcast %parallel_loop3A_284 : i32 to vector<16xi32>
        %parallel_loop3A_286 = arith.cmpi sgt, %parallel_loop3A_280, %parallel_loop3A_285 : vector<16xi32>
        %parallel_loop3A_287 = arith.extui %parallel_loop3A_286 : vector<16xi1> to vector<16xi32>
        %parallel_loop3A_288 = arith.constant 0 : i32
        %parallel_loop3A_289 = vector.broadcast %parallel_loop3A_288 : i32 to vector<16xi32>
        %parallel_loop3A_290 = arith.cmpi slt, %parallel_loop3A_280, %parallel_loop3A_289 : vector<16xi32>
        %parallel_loop3A_291 = arith.extui %parallel_loop3A_290 : vector<16xi1> to vector<16xi32>
        %parallel_loop3A_292 = arith.subi %parallel_loop3A_287, %parallel_loop3A_291 : vector<16xi32>
        %parallel_loop3A_293 = arith.constant 0 : i32
        %parallel_loop3A_294 = arith.cmpi sgt, %parallel_loop3A_281, %parallel_loop3A_293 : i32
        %parallel_loop3A_295 = arith.extui %parallel_loop3A_294 : i1 to i32
        %parallel_loop3A_296 = arith.constant 0 : i32
        %parallel_loop3A_297 = arith.cmpi slt, %parallel_loop3A_281, %parallel_loop3A_296 : i32
        %parallel_loop3A_298 = arith.extui %parallel_loop3A_297 : i1 to i32
        %parallel_loop3A_299 = arith.subi %parallel_loop3A_295, %parallel_loop3A_298 : i32
        %parallel_loop3A_300 = vector.broadcast %parallel_loop3A_299 : i32 to vector<16xi32>
        %parallel_loop3A_301 = arith.cmpi ne, %parallel_loop3A_292, %parallel_loop3A_300 : vector<16xi32>
        %parallel_loop3A_302 = vector.broadcast %parallel_loop3A_281 : i32 to vector<16xi32>
        %parallel_loop3A_303 = arith.remsi %parallel_loop3A_280, %parallel_loop3A_302 : vector<16xi32>
        %parallel_loop3A_304 = arith.constant 0 : i32
        %parallel_loop3A_305 = vector.broadcast %parallel_loop3A_304 : i32 to vector<16xi32>
        %parallel_loop3A_306 = arith.cmpi ne, %parallel_loop3A_303, %parallel_loop3A_305 : vector<16xi32>
        %parallel_loop3A_307 = arith.andi %parallel_loop3A_301, %parallel_loop3A_306 : vector<16xi1>
        %parallel_loop3A_308 = arith.constant 1 : i32
        %parallel_loop3A_309 = vector.broadcast %parallel_loop3A_308 : i32 to vector<16xi32>
        %parallel_loop3A_310 = arith.subi %parallel_loop3A_283, %parallel_loop3A_309 : vector<16xi32>
        %parallel_loop3A_311 = arith.select %parallel_loop3A_307, %parallel_loop3A_310, %parallel_loop3A_283 : vector<16xi1>, vector<16xi32>
        %parallel_loop3A_312 = arith.constant 0 : i32
        %parallel_loop3A_313 = vector.broadcast %parallel_loop3A_312 : i32 to vector<16xi32>
        %parallel_loop3A_314 = arith.addi %iota3A, %parallel_loop3A_313 : vector<16xi32>
        %parallel_loop3A_315 = arith.constant 8 : i32
        %parallel_loop3A_316 = arith.constant 0 : i32
        %parallel_loop3A_317 = arith.cmpi eq, %parallel_loop3A_315, %parallel_loop3A_316 : i32
        %parallel_loop3A_318 = arith.constant 1 : i32
        %parallel_loop3A_319 = arith.select %parallel_loop3A_317, %parallel_loop3A_318, %parallel_loop3A_315 : i32
        %parallel_loop3A_320 = vector.broadcast %parallel_loop3A_319 : i32 to vector<16xi32>
        %parallel_loop3A_321 = arith.remsi %parallel_loop3A_314, %parallel_loop3A_320 : vector<16xi32>
        %parallel_loop3A_322 = arith.constant 0 : i32
        %parallel_loop3A_323 = vector.broadcast %parallel_loop3A_322 : i32 to vector<16xi32>
        %parallel_loop3A_324 = arith.cmpi ne, %parallel_loop3A_321, %parallel_loop3A_323 : vector<16xi32>
        %parallel_loop3A_325 = arith.constant 0 : i32
        %parallel_loop3A_326 = vector.broadcast %parallel_loop3A_325 : i32 to vector<16xi32>
        %parallel_loop3A_327 = arith.cmpi slt, %parallel_loop3A_321, %parallel_loop3A_326 : vector<16xi32>
        %parallel_loop3A_328 = arith.constant 0 : i32
        %parallel_loop3A_329 = arith.cmpi slt, %parallel_loop3A_319, %parallel_loop3A_328 : i32
        %parallel_loop3A_330 = vector.broadcast %parallel_loop3A_329 : i1 to vector<16xi1>
        %parallel_loop3A_331 = vector.broadcast %parallel_loop3A_330 : vector<16xi1> to vector<16xi1>
        %parallel_loop3A_332 = arith.xori %parallel_loop3A_327, %parallel_loop3A_331 : vector<16xi1>
        %parallel_loop3A_333 = arith.andi %parallel_loop3A_332, %parallel_loop3A_324 : vector<16xi1>
        %parallel_loop3A_334 = vector.broadcast %parallel_loop3A_319 : i32 to vector<16xi32>
        %parallel_loop3A_335 = arith.addi %parallel_loop3A_321, %parallel_loop3A_334 : vector<16xi32>
        %parallel_loop3A_336 = arith.select %parallel_loop3A_333, %parallel_loop3A_335, %parallel_loop3A_321 : vector<16xi1>, vector<16xi32>
        %parallel_loop3A_337 = arith.index_cast %parallel_loop3A_276 : i32 to index
        %parallel_loop3A_338 = arith.constant 0 : index
        %parallel_loop3A_339 = tpu.vector_load %arg8[%parallel_loop3A_337, %parallel_loop3A_338] {strides = array<i32>} : memref<128x64xf32, #tpu.memory_space<vmem>>, vector<16xf32>,
        tpu.vector_store_idx %arg12[%parallel_loop3A_311, %broadcast_in_dim3A_5, %parallel_loop3A_336, %parallel_loop3A_277], %parallel_loop3A_339 : memref<8x1x8x129xf32, #tpu.memory_space<vmem>>[vector<16xi32>, vector<16xi32>, vector<16xi32>, vector<16xi32>], vector<16xf32>,
        %parallel_loop3A_340 = arith.constant 16 : i32
        %parallel_loop3A_341 = vector.broadcast %parallel_loop3A_340 : i32 to vector<16xi32>
        %parallel_loop3A_342 = arith.addi %iota3A, %parallel_loop3A_341 : vector<16xi32>
        %parallel_loop3A_343 = arith.constant 8 : i32
        %parallel_loop3A_344 = vector.broadcast %parallel_loop3A_343 : i32 to vector<16xi32>
        %parallel_loop3A_345 = arith.divsi %parallel_loop3A_342, %parallel_loop3A_344 : vector<16xi32>
        %parallel_loop3A_346 = arith.constant 0 : i32
        %parallel_loop3A_347 = vector.broadcast %parallel_loop3A_346 : i32 to vector<16xi32>
        %parallel_loop3A_348 = arith.cmpi sgt, %parallel_loop3A_342, %parallel_loop3A_347 : vector<16xi32>
        %parallel_loop3A_349 = arith.extui %parallel_loop3A_348 : vector<16xi1> to vector<16xi32>
        %parallel_loop3A_350 = arith.constant 0 : i32
        %parallel_loop3A_351 = vector.broadcast %parallel_loop3A_350 : i32 to vector<16xi32>
        %parallel_loop3A_352 = arith.cmpi slt, %parallel_loop3A_342, %parallel_loop3A_351 : vector<16xi32>
        %parallel_loop3A_353 = arith.extui %parallel_loop3A_352 : vector<16xi1> to vector<16xi32>
        %parallel_loop3A_354 = arith.subi %parallel_loop3A_349, %parallel_loop3A_353 : vector<16xi32>
        %parallel_loop3A_355 = arith.constant 0 : i32
        %parallel_loop3A_356 = arith.cmpi sgt, %parallel_loop3A_343, %parallel_loop3A_355 : i32
        %parallel_loop3A_357 = arith.extui %parallel_loop3A_356 : i1 to i32
        %parallel_loop3A_358 = arith.constant 0 : i32
        %parallel_loop3A_359 = arith.cmpi slt, %parallel_loop3A_343, %parallel_loop3A_358 : i32
        %parallel_loop3A_360 = arith.extui %parallel_loop3A_359 : i1 to i32
        %parallel_loop3A_361 = arith.subi %parallel_loop3A_357, %parallel_loop3A_360 : i32
        %parallel_loop3A_362 = vector.broadcast %parallel_loop3A_361 : i32 to vector<16xi32>
        %parallel_loop3A_363 = arith.cmpi ne, %parallel_loop3A_354, %parallel_loop3A_362 : vector<16xi32>
        %parallel_loop3A_364 = vector.broadcast %parallel_loop3A_343 : i32 to vector<16xi32>
        %parallel_loop3A_365 = arith.remsi %parallel_loop3A_342, %parallel_loop3A_364 : vector<16xi32>
        %parallel_loop3A_366 = arith.constant 0 : i32
        %parallel_loop3A_367 = vector.broadcast %parallel_loop3A_366 : i32 to vector<16xi32>
        %parallel_loop3A_368 = arith.cmpi ne, %parallel_loop3A_365, %parallel_loop3A_367 : vector<16xi32>
        %parallel_loop3A_369 = arith.andi %parallel_loop3A_363, %parallel_loop3A_368 : vector<16xi1>
        %parallel_loop3A_370 = arith.constant 1 : i32
        %parallel_loop3A_371 = vector.broadcast %parallel_loop3A_370 : i32 to vector<16xi32>
        %parallel_loop3A_372 = arith.subi %parallel_loop3A_345, %parallel_loop3A_371 : vector<16xi32>
        %parallel_loop3A_373 = arith.select %parallel_loop3A_369, %parallel_loop3A_372, %parallel_loop3A_345 : vector<16xi1>, vector<16xi32>
        %parallel_loop3A_374 = arith.constant 16 : i32
        %parallel_loop3A_375 = vector.broadcast %parallel_loop3A_374 : i32 to vector<16xi32>
        %parallel_loop3A_376 = arith.addi %iota3A, %parallel_loop3A_375 : vector<16xi32>
        %parallel_loop3A_377 = arith.constant 8 : i32
        %parallel_loop3A_378 = arith.constant 0 : i32
        %parallel_loop3A_379 = arith.cmpi eq, %parallel_loop3A_377, %parallel_loop3A_378 : i32
        %parallel_loop3A_380 = arith.constant 1 : i32
        %parallel_loop3A_381 = arith.select %parallel_loop3A_379, %parallel_loop3A_380, %parallel_loop3A_377 : i32
        %parallel_loop3A_382 = vector.broadcast %parallel_loop3A_381 : i32 to vector<16xi32>
        %parallel_loop3A_383 = arith.remsi %parallel_loop3A_376, %parallel_loop3A_382 : vector<16xi32>
        %parallel_loop3A_384 = arith.constant 0 : i32
        %parallel_loop3A_385 = vector.broadcast %parallel_loop3A_384 : i32 to vector<16xi32>
        %parallel_loop3A_386 = arith.cmpi ne, %parallel_loop3A_383, %parallel_loop3A_385 : vector<16xi32>
        %parallel_loop3A_387 = arith.constant 0 : i32
        %parallel_loop3A_388 = vector.broadcast %parallel_loop3A_387 : i32 to vector<16xi32>
        %parallel_loop3A_389 = arith.cmpi slt, %parallel_loop3A_383, %parallel_loop3A_388 : vector<16xi32>
        %parallel_loop3A_390 = arith.constant 0 : i32
        %parallel_loop3A_391 = arith.cmpi slt, %parallel_loop3A_381, %parallel_loop3A_390 : i32
        %parallel_loop3A_392 = vector.broadcast %parallel_loop3A_391 : i1 to vector<16xi1>
        %parallel_loop3A_393 = vector.broadcast %parallel_loop3A_392 : vector<16xi1> to vector<16xi1>
        %parallel_loop3A_394 = arith.xori %parallel_loop3A_389, %parallel_loop3A_393 : vector<16xi1>
        %parallel_loop3A_395 = arith.andi %parallel_loop3A_394, %parallel_loop3A_386 : vector<16xi1>
        %parallel_loop3A_396 = vector.broadcast %parallel_loop3A_381 : i32 to vector<16xi32>
        %parallel_loop3A_397 = arith.addi %parallel_loop3A_383, %parallel_loop3A_396 : vector<16xi32>
        %parallel_loop3A_398 = arith.select %parallel_loop3A_395, %parallel_loop3A_397, %parallel_loop3A_383 : vector<16xi1>, vector<16xi32>
        %parallel_loop3A_399 = arith.index_cast %parallel_loop3A_276 : i32 to index
        %parallel_loop3A_400 = arith.constant 16 : index
        %parallel_loop3A_401 = tpu.vector_load %arg8[%parallel_loop3A_399, %parallel_loop3A_400] {strides = array<i32>} : memref<128x64xf32, #tpu.memory_space<vmem>>, vector<16xf32>,
        tpu.vector_store_idx %arg12[%parallel_loop3A_373, %broadcast_in_dim3A_5, %parallel_loop3A_398, %parallel_loop3A_277], %parallel_loop3A_401 : memref<8x1x8x129xf32, #tpu.memory_space<vmem>>[vector<16xi32>, vector<16xi32>, vector<16xi32>, vector<16xi32>], vector<16xf32>,
        %parallel_loop3A_402 = arith.constant 32 : i32
        %parallel_loop3A_403 = vector.broadcast %parallel_loop3A_402 : i32 to vector<16xi32>
        %parallel_loop3A_404 = arith.addi %iota3A, %parallel_loop3A_403 : vector<16xi32>
        %parallel_loop3A_405 = arith.constant 8 : i32
        %parallel_loop3A_406 = vector.broadcast %parallel_loop3A_405 : i32 to vector<16xi32>
        %parallel_loop3A_407 = arith.divsi %parallel_loop3A_404, %parallel_loop3A_406 : vector<16xi32>
        %parallel_loop3A_408 = arith.constant 0 : i32
        %parallel_loop3A_409 = vector.broadcast %parallel_loop3A_408 : i32 to vector<16xi32>
        %parallel_loop3A_410 = arith.cmpi sgt, %parallel_loop3A_404, %parallel_loop3A_409 : vector<16xi32>
        %parallel_loop3A_411 = arith.extui %parallel_loop3A_410 : vector<16xi1> to vector<16xi32>
        %parallel_loop3A_412 = arith.constant 0 : i32
        %parallel_loop3A_413 = vector.broadcast %parallel_loop3A_412 : i32 to vector<16xi32>
        %parallel_loop3A_414 = arith.cmpi slt, %parallel_loop3A_404, %parallel_loop3A_413 : vector<16xi32>
        %parallel_loop3A_415 = arith.extui %parallel_loop3A_414 : vector<16xi1> to vector<16xi32>
        %parallel_loop3A_416 = arith.subi %parallel_loop3A_411, %parallel_loop3A_415 : vector<16xi32>
        %parallel_loop3A_417 = arith.constant 0 : i32
        %parallel_loop3A_418 = arith.cmpi sgt, %parallel_loop3A_405, %parallel_loop3A_417 : i32
        %parallel_loop3A_419 = arith.extui %parallel_loop3A_418 : i1 to i32
        %parallel_loop3A_420 = arith.constant 0 : i32
        %parallel_loop3A_421 = arith.cmpi slt, %parallel_loop3A_405, %parallel_loop3A_420 : i32
        %parallel_loop3A_422 = arith.extui %parallel_loop3A_421 : i1 to i32
        %parallel_loop3A_423 = arith.subi %parallel_loop3A_419, %parallel_loop3A_422 : i32
        %parallel_loop3A_424 = vector.broadcast %parallel_loop3A_423 : i32 to vector<16xi32>
        %parallel_loop3A_425 = arith.cmpi ne, %parallel_loop3A_416, %parallel_loop3A_424 : vector<16xi32>
        %parallel_loop3A_426 = vector.broadcast %parallel_loop3A_405 : i32 to vector<16xi32>
        %parallel_loop3A_427 = arith.remsi %parallel_loop3A_404, %parallel_loop3A_426 : vector<16xi32>
        %parallel_loop3A_428 = arith.constant 0 : i32
        %parallel_loop3A_429 = vector.broadcast %parallel_loop3A_428 : i32 to vector<16xi32>
        %parallel_loop3A_430 = arith.cmpi ne, %parallel_loop3A_427, %parallel_loop3A_429 : vector<16xi32>
        %parallel_loop3A_431 = arith.andi %parallel_loop3A_425, %parallel_loop3A_430 : vector<16xi1>
        %parallel_loop3A_432 = arith.constant 1 : i32
        %parallel_loop3A_433 = vector.broadcast %parallel_loop3A_432 : i32 to vector<16xi32>
        %parallel_loop3A_434 = arith.subi %parallel_loop3A_407, %parallel_loop3A_433 : vector<16xi32>
        %parallel_loop3A_435 = arith.select %parallel_loop3A_431, %parallel_loop3A_434, %parallel_loop3A_407 : vector<16xi1>, vector<16xi32>
        %parallel_loop3A_436 = arith.constant 32 : i32
        %parallel_loop3A_437 = vector.broadcast %parallel_loop3A_436 : i32 to vector<16xi32>
        %parallel_loop3A_438 = arith.addi %iota3A, %parallel_loop3A_437 : vector<16xi32>
        %parallel_loop3A_439 = arith.constant 8 : i32
        %parallel_loop3A_440 = arith.constant 0 : i32
        %parallel_loop3A_441 = arith.cmpi eq, %parallel_loop3A_439, %parallel_loop3A_440 : i32
        %parallel_loop3A_442 = arith.constant 1 : i32
        %parallel_loop3A_443 = arith.select %parallel_loop3A_441, %parallel_loop3A_442, %parallel_loop3A_439 : i32
        %parallel_loop3A_444 = vector.broadcast %parallel_loop3A_443 : i32 to vector<16xi32>
        %parallel_loop3A_445 = arith.remsi %parallel_loop3A_438, %parallel_loop3A_444 : vector<16xi32>
        %parallel_loop3A_446 = arith.constant 0 : i32
        %parallel_loop3A_447 = vector.broadcast %parallel_loop3A_446 : i32 to vector<16xi32>
        %parallel_loop3A_448 = arith.cmpi ne, %parallel_loop3A_445, %parallel_loop3A_447 : vector<16xi32>
        %parallel_loop3A_449 = arith.constant 0 : i32
        %parallel_loop3A_450 = vector.broadcast %parallel_loop3A_449 : i32 to vector<16xi32>
        %parallel_loop3A_451 = arith.cmpi slt, %parallel_loop3A_445, %parallel_loop3A_450 : vector<16xi32>
        %parallel_loop3A_452 = arith.constant 0 : i32
        %parallel_loop3A_453 = arith.cmpi slt, %parallel_loop3A_443, %parallel_loop3A_452 : i32
        %parallel_loop3A_454 = vector.broadcast %parallel_loop3A_453 : i1 to vector<16xi1>
        %parallel_loop3A_455 = vector.broadcast %parallel_loop3A_454 : vector<16xi1> to vector<16xi1>
        %parallel_loop3A_456 = arith.xori %parallel_loop3A_451, %parallel_loop3A_455 : vector<16xi1>
        %parallel_loop3A_457 = arith.andi %parallel_loop3A_456, %parallel_loop3A_448 : vector<16xi1>
        %parallel_loop3A_458 = vector.broadcast %parallel_loop3A_443 : i32 to vector<16xi32>
        %parallel_loop3A_459 = arith.addi %parallel_loop3A_445, %parallel_loop3A_458 : vector<16xi32>
        %parallel_loop3A_460 = arith.select %parallel_loop3A_457, %parallel_loop3A_459, %parallel_loop3A_445 : vector<16xi1>, vector<16xi32>
        %parallel_loop3A_461 = arith.index_cast %parallel_loop3A_276 : i32 to index
        %parallel_loop3A_462 = arith.constant 32 : index
        %parallel_loop3A_463 = tpu.vector_load %arg8[%parallel_loop3A_461, %parallel_loop3A_462] {strides = array<i32>} : memref<128x64xf32, #tpu.memory_space<vmem>>, vector<16xf32>,
        tpu.vector_store_idx %arg12[%parallel_loop3A_435, %broadcast_in_dim3A_5, %parallel_loop3A_460, %parallel_loop3A_277], %parallel_loop3A_463 : memref<8x1x8x129xf32, #tpu.memory_space<vmem>>[vector<16xi32>, vector<16xi32>, vector<16xi32>, vector<16xi32>], vector<16xf32>,
        %parallel_loop3A_464 = arith.constant 48 : i32
        %parallel_loop3A_465 = vector.broadcast %parallel_loop3A_464 : i32 to vector<16xi32>
        %parallel_loop3A_466 = arith.addi %iota3A, %parallel_loop3A_465 : vector<16xi32>
        %parallel_loop3A_467 = arith.constant 8 : i32
        %parallel_loop3A_468 = vector.broadcast %parallel_loop3A_467 : i32 to vector<16xi32>
        %parallel_loop3A_469 = arith.divsi %parallel_loop3A_466, %parallel_loop3A_468 : vector<16xi32>
        %parallel_loop3A_470 = arith.constant 0 : i32
        %parallel_loop3A_471 = vector.broadcast %parallel_loop3A_470 : i32 to vector<16xi32>
        %parallel_loop3A_472 = arith.cmpi sgt, %parallel_loop3A_466, %parallel_loop3A_471 : vector<16xi32>
        %parallel_loop3A_473 = arith.extui %parallel_loop3A_472 : vector<16xi1> to vector<16xi32>
        %parallel_loop3A_474 = arith.constant 0 : i32
        %parallel_loop3A_475 = vector.broadcast %parallel_loop3A_474 : i32 to vector<16xi32>
        %parallel_loop3A_476 = arith.cmpi slt, %parallel_loop3A_466, %parallel_loop3A_475 : vector<16xi32>
        %parallel_loop3A_477 = arith.extui %parallel_loop3A_476 : vector<16xi1> to vector<16xi32>
        %parallel_loop3A_478 = arith.subi %parallel_loop3A_473, %parallel_loop3A_477 : vector<16xi32>
        %parallel_loop3A_479 = arith.constant 0 : i32
        %parallel_loop3A_480 = arith.cmpi sgt, %parallel_loop3A_467, %parallel_loop3A_479 : i32
        %parallel_loop3A_481 = arith.extui %parallel_loop3A_480 : i1 to i32
        %parallel_loop3A_482 = arith.constant 0 : i32
        %parallel_loop3A_483 = arith.cmpi slt, %parallel_loop3A_467, %parallel_loop3A_482 : i32
        %parallel_loop3A_484 = arith.extui %parallel_loop3A_483 : i1 to i32
        %parallel_loop3A_485 = arith.subi %parallel_loop3A_481, %parallel_loop3A_484 : i32
        %parallel_loop3A_486 = vector.broadcast %parallel_loop3A_485 : i32 to vector<16xi32>
        %parallel_loop3A_487 = arith.cmpi ne, %parallel_loop3A_478, %parallel_loop3A_486 : vector<16xi32>
        %parallel_loop3A_488 = vector.broadcast %parallel_loop3A_467 : i32 to vector<16xi32>
        %parallel_loop3A_489 = arith.remsi %parallel_loop3A_466, %parallel_loop3A_488 : vector<16xi32>
        %parallel_loop3A_490 = arith.constant 0 : i32
        %parallel_loop3A_491 = vector.broadcast %parallel_loop3A_490 : i32 to vector<16xi32>
        %parallel_loop3A_492 = arith.cmpi ne, %parallel_loop3A_489, %parallel_loop3A_491 : vector<16xi32>
        %parallel_loop3A_493 = arith.andi %parallel_loop3A_487, %parallel_loop3A_492 : vector<16xi1>
        %parallel_loop3A_494 = arith.constant 1 : i32
        %parallel_loop3A_495 = vector.broadcast %parallel_loop3A_494 : i32 to vector<16xi32>
        %parallel_loop3A_496 = arith.subi %parallel_loop3A_469, %parallel_loop3A_495 : vector<16xi32>
        %parallel_loop3A_497 = arith.select %parallel_loop3A_493, %parallel_loop3A_496, %parallel_loop3A_469 : vector<16xi1>, vector<16xi32>
        %parallel_loop3A_498 = arith.constant 48 : i32
        %parallel_loop3A_499 = vector.broadcast %parallel_loop3A_498 : i32 to vector<16xi32>
        %parallel_loop3A_500 = arith.addi %iota3A, %parallel_loop3A_499 : vector<16xi32>
        %parallel_loop3A_501 = arith.constant 8 : i32
        %parallel_loop3A_502 = arith.constant 0 : i32
        %parallel_loop3A_503 = arith.cmpi eq, %parallel_loop3A_501, %parallel_loop3A_502 : i32
        %parallel_loop3A_504 = arith.constant 1 : i32
        %parallel_loop3A_505 = arith.select %parallel_loop3A_503, %parallel_loop3A_504, %parallel_loop3A_501 : i32
        %parallel_loop3A_506 = vector.broadcast %parallel_loop3A_505 : i32 to vector<16xi32>
        %parallel_loop3A_507 = arith.remsi %parallel_loop3A_500, %parallel_loop3A_506 : vector<16xi32>
        %parallel_loop3A_508 = arith.constant 0 : i32
        %parallel_loop3A_509 = vector.broadcast %parallel_loop3A_508 : i32 to vector<16xi32>
        %parallel_loop3A_510 = arith.cmpi ne, %parallel_loop3A_507, %parallel_loop3A_509 : vector<16xi32>
        %parallel_loop3A_511 = arith.constant 0 : i32
        %parallel_loop3A_512 = vector.broadcast %parallel_loop3A_511 : i32 to vector<16xi32>
        %parallel_loop3A_513 = arith.cmpi slt, %parallel_loop3A_507, %parallel_loop3A_512 : vector<16xi32>
        %parallel_loop3A_514 = arith.constant 0 : i32
        %parallel_loop3A_515 = arith.cmpi slt, %parallel_loop3A_505, %parallel_loop3A_514 : i32
        %parallel_loop3A_516 = vector.broadcast %parallel_loop3A_515 : i1 to vector<16xi1>
        %parallel_loop3A_517 = vector.broadcast %parallel_loop3A_516 : vector<16xi1> to vector<16xi1>
        %parallel_loop3A_518 = arith.xori %parallel_loop3A_513, %parallel_loop3A_517 : vector<16xi1>
        %parallel_loop3A_519 = arith.andi %parallel_loop3A_518, %parallel_loop3A_510 : vector<16xi1>
        %parallel_loop3A_520 = vector.broadcast %parallel_loop3A_505 : i32 to vector<16xi32>
        %parallel_loop3A_521 = arith.addi %parallel_loop3A_507, %parallel_loop3A_520 : vector<16xi32>
        %parallel_loop3A_522 = arith.select %parallel_loop3A_519, %parallel_loop3A_521, %parallel_loop3A_507 : vector<16xi1>, vector<16xi32>
        %parallel_loop3A_523 = arith.index_cast %parallel_loop3A_276 : i32 to index
        %parallel_loop3A_524 = arith.constant 48 : index
        %parallel_loop3A_525 = tpu.vector_load %arg8[%parallel_loop3A_523, %parallel_loop3A_524] {strides = array<i32>} : memref<128x64xf32, #tpu.memory_space<vmem>>, vector<16xf32>,
        tpu.vector_store_idx %arg12[%parallel_loop3A_497, %broadcast_in_dim3A_5, %parallel_loop3A_522, %parallel_loop3A_277], %parallel_loop3A_525 : memref<8x1x8x129xf32, #tpu.memory_space<vmem>>[vector<16xi32>, vector<16xi32>, vector<16xi32>, vector<16xi32>], vector<16xf32>,
      } {sc.loop_unroll_factor = 4 : i64, sc.parallel_access}
      %dma_start3A_211 = arith.constant 0 : i32
      %dma_start3A_212 = arith.constant 0 : i32
      %dma_start3A_213 = arith.constant 0 : i32
      %dma_start3A_214 = arith.constant 0 : i32
      %dma_start3A_215 = tpu.memref_slice %arg12[%dma_start3A_211, %dma_start3A_212, %dma_start3A_213, %dma_start3A_214] : memref<8x1x8x129xf32, #tpu.memory_space<vmem>> -> memref<8x1x8x128xf32, #tpu.memory_space<vmem>>
      %dma_start3A_216 = arith.constant 0 : i32
      %dma_start3A_217 = arith.constant 0 : i32
      %dma_start3A_218 = arith.constant 0 : i32
      %dma_start3A_219 = tpu.memref_slice %arg4[%add3A_189, %dma_start3A_216, %mul3A_2, %dma_start3A_217, %dma_start3A_218] : memref<100x8x32x8x128xf32, #tpu.memory_space<hbm>> -> memref<1x8x1x8x128xf32, #tpu.memory_space<hbm>>
      %dma_start3A_220 = tpu.memref_squeeze %dma_start3A_219 : memref<1x8x1x8x128xf32, #tpu.memory_space<hbm>> -> memref<8x1x8x128xf32, #tpu.memory_space<hbm>>
      %dma_start3A_221 = arith.constant 0 : i32
      %dma_start3A_222 = arith.constant 0 : i32
      %dma_start3A_223 = arith.constant 0 : i32
      %dma_start3A_224 = tpu.memref_slice %arg4[%add3A_189, %dma_start3A_221, %mul3A_2, %dma_start3A_222, %dma_start3A_223] : memref<100x8x32x8x128xf32, #tpu.memory_space<hbm>> -> memref<1x8x1x8x128xf32, #tpu.memory_space<hbm>>
      %dma_start3A_225 = tpu.memref_squeeze %dma_start3A_224 : memref<1x8x1x8x128xf32, #tpu.memory_space<hbm>> -> memref<8x1x8x128xf32, #tpu.memory_space<hbm>>
      %dma_start3A_226 = arith.constant 0 : i32
      %dma_start3A_227 = arith.constant 0 : i32
      %dma_start3A_228 = arith.constant 0 : i32
      %dma_start3A_229 = arith.constant 0 : i32
      %dma_start3A_230 = tpu.memref_slice %arg12[%dma_start3A_226, %dma_start3A_227, %dma_start3A_228, %dma_start3A_229] : memref<8x1x8x129xf32, #tpu.memory_space<vmem>> -> memref<8x1x8x128xf32, #tpu.memory_space<vmem>>
      tpu.enqueue_dma source(%dma_start3A_230 : memref<8x1x8x128xf32, #tpu.memory_space<vmem>>) target(%dma_start3A_225 : memref<8x1x8x128xf32, #tpu.memory_space<hbm>>) target_semaphore(%arg20 : memref<!tpu.dma_semaphore, #tpu.memory_space<semaphore_mem>>)
      %mul3A_231 = arith.constant 4 : i32
      %mul3A_232 = arith.muli %scan3A_100, %mul3A_231 : i32
      %add3A_233 = arith.constant 3 : i32
      %add3A_234 = arith.addi %mul3A_232, %add3A_233 : i32
      %add3A_235 = arith.constant 1 : i32
      %add3A_236 = arith.addi %add3A_234, %add3A_235 : i32
      %lt3A_237 = arith.constant 100 : i32
      %lt3A_238 = arith.cmpi slt, %add3A_236, %lt3A_237 : i32
      %convert_element_type3A_239 = arith.extui %lt3A_238 : i1 to i32
      %cond3A_240 = arith.constant 0 : i32
      %cond3A_241 = arith.cmpi ne, %convert_element_type3A_239, %cond3A_240 : i32
      scf.if %cond3A_241 {
        %add3A_276 = arith.constant 1 : i32
        %add3A_277 = arith.addi %add3A_234, %add3A_276 : i32
        %dma_start3A_278 = arith.constant 0 : i32
        %dma_start3A_279 = tpu.memref_slice %arg5[%add3A_277, %dma_start3A_278] : memref<100x128xi32, #tpu.memory_space<vmem>> -> memref<1x128xi32, #tpu.memory_space<vmem>>
        %dma_start3A_280 = tpu.memref_squeeze %dma_start3A_279 : memref<1x128xi32, #tpu.memory_space<vmem>> -> memref<128xi32, #tpu.memory_space<vmem>>
        %dma_start3A_281 = arith.constant 0 : i32
        %dma_start3A_282 = arith.constant 0 : i32
        %dma_start3A_283 = tpu.memref_slice %arg2[%dma_start3A_281, %dma_start3A_282] : memref<100000x64xf32, #tpu.memory_space<hbm>> -> memref<100000x64xf32, #tpu.memory_space<hbm>>
        tpu.enqueue_indirect_dma source(%dma_start3A_283 : memref<100000x64xf32, #tpu.memory_space<hbm>>) target(%arg6 : memref<128x64xf32, #tpu.memory_space<vmem>>) offsets(%dma_start3A_280 : memref<128xi32, #tpu.memory_space<vmem>>) semaphore(%arg14 : memref<!tpu.dma_semaphore, #tpu.memory_space<semaphore_mem>>)
      } else {
      }
      %dma_wait3A_242 = arith.constant 0 : i32
      %dma_wait3A_243 = tpu.memref_slice %arg5[%add3A_234, %dma_wait3A_242] : memref<100x128xi32, #tpu.memory_space<vmem>> -> memref<1x128xi32, #tpu.memory_space<vmem>>
      %dma_wait3A_244 = tpu.memref_squeeze %dma_wait3A_243 : memref<1x128xi32, #tpu.memory_space<vmem>> -> memref<128xi32, #tpu.memory_space<vmem>>
      %dma_wait3A_245 = arith.constant 0 : i32
      %dma_wait3A_246 = arith.constant 0 : i32
      %dma_wait3A_247 = tpu.memref_slice %arg2[%dma_wait3A_245, %dma_wait3A_246] : memref<100000x64xf32, #tpu.memory_space<hbm>> -> memref<100000x64xf32, #tpu.memory_space<hbm>>
      tpu.wait_indirect_dma semaphore(%arg17 : memref<!tpu.dma_semaphore, #tpu.memory_space<semaphore_mem>>) src(%dma_wait3A_247 : memref<100000x64xf32, #tpu.memory_space<hbm>>) dst(%arg9 : memref<128x64xf32, #tpu.memory_space<vmem>>)
      %ge3A_248 = arith.constant 4 : i32
      %ge3A_249 = arith.cmpi sge, %add3A_234, %ge3A_248 : i32
      %convert_element_type3A_250 = arith.extui %ge3A_249 : i1 to i32
      %cond3A_251 = arith.constant 0 : i32
      %cond3A_252 = arith.cmpi ne, %convert_element_type3A_250, %cond3A_251 : i32
      scf.if %cond3A_252 {
        %sub3A = arith.constant 4 : i32
        %sub3A_276 = arith.subi %add3A_234, %sub3A : i32
        %dma_wait3A_277 = arith.constant 0 : i32
        %dma_wait3A_278 = arith.constant 0 : i32
        %dma_wait3A_279 = arith.constant 0 : i32
        %dma_wait3A_280 = arith.constant 0 : i32
        %dma_wait3A_281 = tpu.memref_slice %arg13[%dma_wait3A_277, %dma_wait3A_278, %dma_wait3A_279, %dma_wait3A_280] : memref<8x1x8x129xf32, #tpu.memory_space<vmem>> -> memref<8x1x8x128xf32, #tpu.memory_space<vmem>>
        %dma_wait3A_282 = arith.constant 0 : i32
        %dma_wait3A_283 = arith.constant 0 : i32
        %dma_wait3A_284 = arith.constant 0 : i32
        %dma_wait3A_285 = tpu.memref_slice %arg4[%sub3A_276, %dma_wait3A_282, %mul3A_2, %dma_wait3A_283, %dma_wait3A_284] : memref<100x8x32x8x128xf32, #tpu.memory_space<hbm>> -> memref<1x8x1x8x128xf32, #tpu.memory_space<hbm>>
        %dma_wait3A_286 = tpu.memref_squeeze %dma_wait3A_285 : memref<1x8x1x8x128xf32, #tpu.memory_space<hbm>> -> memref<8x1x8x128xf32, #tpu.memory_space<hbm>>
        %dma_wait3A_287 = arith.constant 0 : i32
        %dma_wait3A_288 = arith.constant 0 : i32
        %dma_wait3A_289 = arith.constant 0 : i32
        %dma_wait3A_290 = tpu.memref_slice %arg4[%sub3A_276, %dma_wait3A_287, %mul3A_2, %dma_wait3A_288, %dma_wait3A_289] : memref<100x8x32x8x128xf32, #tpu.memory_space<hbm>> -> memref<1x8x1x8x128xf32, #tpu.memory_space<hbm>>
        %dma_wait3A_291 = tpu.memref_squeeze %dma_wait3A_290 : memref<1x8x1x8x128xf32, #tpu.memory_space<hbm>> -> memref<8x1x8x128xf32, #tpu.memory_space<hbm>>
        %dma_wait3A_292 = arith.constant 0 : i32
        %dma_wait3A_293 = arith.constant 0 : i32
        %dma_wait3A_294 = arith.constant 0 : i32
        %dma_wait3A_295 = arith.constant 0 : i32
        %dma_wait3A_296 = tpu.memref_slice %arg13[%dma_wait3A_292, %dma_wait3A_293, %dma_wait3A_294, %dma_wait3A_295] : memref<8x1x8x129xf32, #tpu.memory_space<vmem>> -> memref<8x1x8x128xf32, #tpu.memory_space<vmem>>
        tpu.wait_dma2 semaphore(%arg21 : memref<!tpu.dma_semaphore, #tpu.memory_space<semaphore_mem>>) src(%dma_wait3A_296 : memref<8x1x8x128xf32, #tpu.memory_space<vmem>>) dst(%dma_wait3A_291 : memref<8x1x8x128xf32, #tpu.memory_space<hbm>>)
      } else {
      }
      %parallel_loop3A_253 = arith.constant 0 : i32
      %parallel_loop3A_254 = arith.constant 128 : i32
      %parallel_loop3A_255 = arith.constant 1 : i32
      scf.for %parallel_loop3A_276 = %parallel_loop3A_253 to %parallel_loop3A_254 step %parallel_loop3A_255  : i32 {
        %parallel_loop3A_277 = vector.broadcast %parallel_loop3A_276 : i32 to vector<16xi32>
        %parallel_loop3A_278 = arith.constant 0 : i32
        %parallel_loop3A_279 = vector.broadcast %parallel_loop3A_278 : i32 to vector<16xi32>
        %parallel_loop3A_280 = arith.addi %iota3A, %parallel_loop3A_279 : vector<16xi32>
        %parallel_loop3A_281 = arith.constant 8 : i32
        %parallel_loop3A_282 = vector.broadcast %parallel_loop3A_281 : i32 to vector<16xi32>
        %parallel_loop3A_283 = arith.divsi %parallel_loop3A_280, %parallel_loop3A_282 : vector<16xi32>
        %parallel_loop3A_284 = arith.constant 0 : i32
        %parallel_loop3A_285 = vector.broadcast %parallel_loop3A_284 : i32 to vector<16xi32>
        %parallel_loop3A_286 = arith.cmpi sgt, %parallel_loop3A_280, %parallel_loop3A_285 : vector<16xi32>
        %parallel_loop3A_287 = arith.extui %parallel_loop3A_286 : vector<16xi1> to vector<16xi32>
        %parallel_loop3A_288 = arith.constant 0 : i32
        %parallel_loop3A_289 = vector.broadcast %parallel_loop3A_288 : i32 to vector<16xi32>
        %parallel_loop3A_290 = arith.cmpi slt, %parallel_loop3A_280, %parallel_loop3A_289 : vector<16xi32>
        %parallel_loop3A_291 = arith.extui %parallel_loop3A_290 : vector<16xi1> to vector<16xi32>
        %parallel_loop3A_292 = arith.subi %parallel_loop3A_287, %parallel_loop3A_291 : vector<16xi32>
        %parallel_loop3A_293 = arith.constant 0 : i32
        %parallel_loop3A_294 = arith.cmpi sgt, %parallel_loop3A_281, %parallel_loop3A_293 : i32
        %parallel_loop3A_295 = arith.extui %parallel_loop3A_294 : i1 to i32
        %parallel_loop3A_296 = arith.constant 0 : i32
        %parallel_loop3A_297 = arith.cmpi slt, %parallel_loop3A_281, %parallel_loop3A_296 : i32
        %parallel_loop3A_298 = arith.extui %parallel_loop3A_297 : i1 to i32
        %parallel_loop3A_299 = arith.subi %parallel_loop3A_295, %parallel_loop3A_298 : i32
        %parallel_loop3A_300 = vector.broadcast %parallel_loop3A_299 : i32 to vector<16xi32>
        %parallel_loop3A_301 = arith.cmpi ne, %parallel_loop3A_292, %parallel_loop3A_300 : vector<16xi32>
        %parallel_loop3A_302 = vector.broadcast %parallel_loop3A_281 : i32 to vector<16xi32>
        %parallel_loop3A_303 = arith.remsi %parallel_loop3A_280, %parallel_loop3A_302 : vector<16xi32>
        %parallel_loop3A_304 = arith.constant 0 : i32
        %parallel_loop3A_305 = vector.broadcast %parallel_loop3A_304 : i32 to vector<16xi32>
        %parallel_loop3A_306 = arith.cmpi ne, %parallel_loop3A_303, %parallel_loop3A_305 : vector<16xi32>
        %parallel_loop3A_307 = arith.andi %parallel_loop3A_301, %parallel_loop3A_306 : vector<16xi1>
        %parallel_loop3A_308 = arith.constant 1 : i32
        %parallel_loop3A_309 = vector.broadcast %parallel_loop3A_308 : i32 to vector<16xi32>
        %parallel_loop3A_310 = arith.subi %parallel_loop3A_283, %parallel_loop3A_309 : vector<16xi32>
        %parallel_loop3A_311 = arith.select %parallel_loop3A_307, %parallel_loop3A_310, %parallel_loop3A_283 : vector<16xi1>, vector<16xi32>
        %parallel_loop3A_312 = arith.constant 0 : i32
        %parallel_loop3A_313 = vector.broadcast %parallel_loop3A_312 : i32 to vector<16xi32>
        %parallel_loop3A_314 = arith.addi %iota3A, %parallel_loop3A_313 : vector<16xi32>
        %parallel_loop3A_315 = arith.constant 8 : i32
        %parallel_loop3A_316 = arith.constant 0 : i32
        %parallel_loop3A_317 = arith.cmpi eq, %parallel_loop3A_315, %parallel_loop3A_316 : i32
        %parallel_loop3A_318 = arith.constant 1 : i32
        %parallel_loop3A_319 = arith.select %parallel_loop3A_317, %parallel_loop3A_318, %parallel_loop3A_315 : i32
        %parallel_loop3A_320 = vector.broadcast %parallel_loop3A_319 : i32 to vector<16xi32>
        %parallel_loop3A_321 = arith.remsi %parallel_loop3A_314, %parallel_loop3A_320 : vector<16xi32>
        %parallel_loop3A_322 = arith.constant 0 : i32
        %parallel_loop3A_323 = vector.broadcast %parallel_loop3A_322 : i32 to vector<16xi32>
        %parallel_loop3A_324 = arith.cmpi ne, %parallel_loop3A_321, %parallel_loop3A_323 : vector<16xi32>
        %parallel_loop3A_325 = arith.constant 0 : i32
        %parallel_loop3A_326 = vector.broadcast %parallel_loop3A_325 : i32 to vector<16xi32>
        %parallel_loop3A_327 = arith.cmpi slt, %parallel_loop3A_321, %parallel_loop3A_326 : vector<16xi32>
        %parallel_loop3A_328 = arith.constant 0 : i32
        %parallel_loop3A_329 = arith.cmpi slt, %parallel_loop3A_319, %parallel_loop3A_328 : i32
        %parallel_loop3A_330 = vector.broadcast %parallel_loop3A_329 : i1 to vector<16xi1>
        %parallel_loop3A_331 = vector.broadcast %parallel_loop3A_330 : vector<16xi1> to vector<16xi1>
        %parallel_loop3A_332 = arith.xori %parallel_loop3A_327, %parallel_loop3A_331 : vector<16xi1>
        %parallel_loop3A_333 = arith.andi %parallel_loop3A_332, %parallel_loop3A_324 : vector<16xi1>
        %parallel_loop3A_334 = vector.broadcast %parallel_loop3A_319 : i32 to vector<16xi32>
        %parallel_loop3A_335 = arith.addi %parallel_loop3A_321, %parallel_loop3A_334 : vector<16xi32>
        %parallel_loop3A_336 = arith.select %parallel_loop3A_333, %parallel_loop3A_335, %parallel_loop3A_321 : vector<16xi1>, vector<16xi32>
        %parallel_loop3A_337 = arith.index_cast %parallel_loop3A_276 : i32 to index
        %parallel_loop3A_338 = arith.constant 0 : index
        %parallel_loop3A_339 = tpu.vector_load %arg9[%parallel_loop3A_337, %parallel_loop3A_338] {strides = array<i32>} : memref<128x64xf32, #tpu.memory_space<vmem>>, vector<16xf32>,
        tpu.vector_store_idx %arg13[%parallel_loop3A_311, %broadcast_in_dim3A_5, %parallel_loop3A_336, %parallel_loop3A_277], %parallel_loop3A_339 : memref<8x1x8x129xf32, #tpu.memory_space<vmem>>[vector<16xi32>, vector<16xi32>, vector<16xi32>, vector<16xi32>], vector<16xf32>,
        %parallel_loop3A_340 = arith.constant 16 : i32
        %parallel_loop3A_341 = vector.broadcast %parallel_loop3A_340 : i32 to vector<16xi32>
        %parallel_loop3A_342 = arith.addi %iota3A, %parallel_loop3A_341 : vector<16xi32>
        %parallel_loop3A_343 = arith.constant 8 : i32
        %parallel_loop3A_344 = vector.broadcast %parallel_loop3A_343 : i32 to vector<16xi32>
        %parallel_loop3A_345 = arith.divsi %parallel_loop3A_342, %parallel_loop3A_344 : vector<16xi32>
        %parallel_loop3A_346 = arith.constant 0 : i32
        %parallel_loop3A_347 = vector.broadcast %parallel_loop3A_346 : i32 to vector<16xi32>
        %parallel_loop3A_348 = arith.cmpi sgt, %parallel_loop3A_342, %parallel_loop3A_347 : vector<16xi32>
        %parallel_loop3A_349 = arith.extui %parallel_loop3A_348 : vector<16xi1> to vector<16xi32>
        %parallel_loop3A_350 = arith.constant 0 : i32
        %parallel_loop3A_351 = vector.broadcast %parallel_loop3A_350 : i32 to vector<16xi32>
        %parallel_loop3A_352 = arith.cmpi slt, %parallel_loop3A_342, %parallel_loop3A_351 : vector<16xi32>
        %parallel_loop3A_353 = arith.extui %parallel_loop3A_352 : vector<16xi1> to vector<16xi32>
        %parallel_loop3A_354 = arith.subi %parallel_loop3A_349, %parallel_loop3A_353 : vector<16xi32>
        %parallel_loop3A_355 = arith.constant 0 : i32
        %parallel_loop3A_356 = arith.cmpi sgt, %parallel_loop3A_343, %parallel_loop3A_355 : i32
        %parallel_loop3A_357 = arith.extui %parallel_loop3A_356 : i1 to i32
        %parallel_loop3A_358 = arith.constant 0 : i32
        %parallel_loop3A_359 = arith.cmpi slt, %parallel_loop3A_343, %parallel_loop3A_358 : i32
        %parallel_loop3A_360 = arith.extui %parallel_loop3A_359 : i1 to i32
        %parallel_loop3A_361 = arith.subi %parallel_loop3A_357, %parallel_loop3A_360 : i32
        %parallel_loop3A_362 = vector.broadcast %parallel_loop3A_361 : i32 to vector<16xi32>
        %parallel_loop3A_363 = arith.cmpi ne, %parallel_loop3A_354, %parallel_loop3A_362 : vector<16xi32>
        %parallel_loop3A_364 = vector.broadcast %parallel_loop3A_343 : i32 to vector<16xi32>
        %parallel_loop3A_365 = arith.remsi %parallel_loop3A_342, %parallel_loop3A_364 : vector<16xi32>
        %parallel_loop3A_366 = arith.constant 0 : i32
        %parallel_loop3A_367 = vector.broadcast %parallel_loop3A_366 : i32 to vector<16xi32>
        %parallel_loop3A_368 = arith.cmpi ne, %parallel_loop3A_365, %parallel_loop3A_367 : vector<16xi32>
        %parallel_loop3A_369 = arith.andi %parallel_loop3A_363, %parallel_loop3A_368 : vector<16xi1>
        %parallel_loop3A_370 = arith.constant 1 : i32
        %parallel_loop3A_371 = vector.broadcast %parallel_loop3A_370 : i32 to vector<16xi32>
        %parallel_loop3A_372 = arith.subi %parallel_loop3A_345, %parallel_loop3A_371 : vector<16xi32>
        %parallel_loop3A_373 = arith.select %parallel_loop3A_369, %parallel_loop3A_372, %parallel_loop3A_345 : vector<16xi1>, vector<16xi32>
        %parallel_loop3A_374 = arith.constant 16 : i32
        %parallel_loop3A_375 = vector.broadcast %parallel_loop3A_374 : i32 to vector<16xi32>
        %parallel_loop3A_376 = arith.addi %iota3A, %parallel_loop3A_375 : vector<16xi32>
        %parallel_loop3A_377 = arith.constant 8 : i32
        %parallel_loop3A_378 = arith.constant 0 : i32
        %parallel_loop3A_379 = arith.cmpi eq, %parallel_loop3A_377, %parallel_loop3A_378 : i32
        %parallel_loop3A_380 = arith.constant 1 : i32
        %parallel_loop3A_381 = arith.select %parallel_loop3A_379, %parallel_loop3A_380, %parallel_loop3A_377 : i32
        %parallel_loop3A_382 = vector.broadcast %parallel_loop3A_381 : i32 to vector<16xi32>
        %parallel_loop3A_383 = arith.remsi %parallel_loop3A_376, %parallel_loop3A_382 : vector<16xi32>
        %parallel_loop3A_384 = arith.constant 0 : i32
        %parallel_loop3A_385 = vector.broadcast %parallel_loop3A_384 : i32 to vector<16xi32>
        %parallel_loop3A_386 = arith.cmpi ne, %parallel_loop3A_383, %parallel_loop3A_385 : vector<16xi32>
        %parallel_loop3A_387 = arith.constant 0 : i32
        %parallel_loop3A_388 = vector.broadcast %parallel_loop3A_387 : i32 to vector<16xi32>
        %parallel_loop3A_389 = arith.cmpi slt, %parallel_loop3A_383, %parallel_loop3A_388 : vector<16xi32>
        %parallel_loop3A_390 = arith.constant 0 : i32
        %parallel_loop3A_391 = arith.cmpi slt, %parallel_loop3A_381, %parallel_loop3A_390 : i32
        %parallel_loop3A_392 = vector.broadcast %parallel_loop3A_391 : i1 to vector<16xi1>
        %parallel_loop3A_393 = vector.broadcast %parallel_loop3A_392 : vector<16xi1> to vector<16xi1>
        %parallel_loop3A_394 = arith.xori %parallel_loop3A_389, %parallel_loop3A_393 : vector<16xi1>
        %parallel_loop3A_395 = arith.andi %parallel_loop3A_394, %parallel_loop3A_386 : vector<16xi1>
        %parallel_loop3A_396 = vector.broadcast %parallel_loop3A_381 : i32 to vector<16xi32>
        %parallel_loop3A_397 = arith.addi %parallel_loop3A_383, %parallel_loop3A_396 : vector<16xi32>
        %parallel_loop3A_398 = arith.select %parallel_loop3A_395, %parallel_loop3A_397, %parallel_loop3A_383 : vector<16xi1>, vector<16xi32>
        %parallel_loop3A_399 = arith.index_cast %parallel_loop3A_276 : i32 to index
        %parallel_loop3A_400 = arith.constant 16 : index
        %parallel_loop3A_401 = tpu.vector_load %arg9[%parallel_loop3A_399, %parallel_loop3A_400] {strides = array<i32>} : memref<128x64xf32, #tpu.memory_space<vmem>>, vector<16xf32>,
        tpu.vector_store_idx %arg13[%parallel_loop3A_373, %broadcast_in_dim3A_5, %parallel_loop3A_398, %parallel_loop3A_277], %parallel_loop3A_401 : memref<8x1x8x129xf32, #tpu.memory_space<vmem>>[vector<16xi32>, vector<16xi32>, vector<16xi32>, vector<16xi32>], vector<16xf32>,
        %parallel_loop3A_402 = arith.constant 32 : i32
        %parallel_loop3A_403 = vector.broadcast %parallel_loop3A_402 : i32 to vector<16xi32>
        %parallel_loop3A_404 = arith.addi %iota3A, %parallel_loop3A_403 : vector<16xi32>
        %parallel_loop3A_405 = arith.constant 8 : i32
        %parallel_loop3A_406 = vector.broadcast %parallel_loop3A_405 : i32 to vector<16xi32>
        %parallel_loop3A_407 = arith.divsi %parallel_loop3A_404, %parallel_loop3A_406 : vector<16xi32>
        %parallel_loop3A_408 = arith.constant 0 : i32
        %parallel_loop3A_409 = vector.broadcast %parallel_loop3A_408 : i32 to vector<16xi32>
        %parallel_loop3A_410 = arith.cmpi sgt, %parallel_loop3A_404, %parallel_loop3A_409 : vector<16xi32>
        %parallel_loop3A_411 = arith.extui %parallel_loop3A_410 : vector<16xi1> to vector<16xi32>
        %parallel_loop3A_412 = arith.constant 0 : i32
        %parallel_loop3A_413 = vector.broadcast %parallel_loop3A_412 : i32 to vector<16xi32>
        %parallel_loop3A_414 = arith.cmpi slt, %parallel_loop3A_404, %parallel_loop3A_413 : vector<16xi32>
        %parallel_loop3A_415 = arith.extui %parallel_loop3A_414 : vector<16xi1> to vector<16xi32>
        %parallel_loop3A_416 = arith.subi %parallel_loop3A_411, %parallel_loop3A_415 : vector<16xi32>
        %parallel_loop3A_417 = arith.constant 0 : i32
        %parallel_loop3A_418 = arith.cmpi sgt, %parallel_loop3A_405, %parallel_loop3A_417 : i32
        %parallel_loop3A_419 = arith.extui %parallel_loop3A_418 : i1 to i32
        %parallel_loop3A_420 = arith.constant 0 : i32
        %parallel_loop3A_421 = arith.cmpi slt, %parallel_loop3A_405, %parallel_loop3A_420 : i32
        %parallel_loop3A_422 = arith.extui %parallel_loop3A_421 : i1 to i32
        %parallel_loop3A_423 = arith.subi %parallel_loop3A_419, %parallel_loop3A_422 : i32
        %parallel_loop3A_424 = vector.broadcast %parallel_loop3A_423 : i32 to vector<16xi32>
        %parallel_loop3A_425 = arith.cmpi ne, %parallel_loop3A_416, %parallel_loop3A_424 : vector<16xi32>
        %parallel_loop3A_426 = vector.broadcast %parallel_loop3A_405 : i32 to vector<16xi32>
        %parallel_loop3A_427 = arith.remsi %parallel_loop3A_404, %parallel_loop3A_426 : vector<16xi32>
        %parallel_loop3A_428 = arith.constant 0 : i32
        %parallel_loop3A_429 = vector.broadcast %parallel_loop3A_428 : i32 to vector<16xi32>
        %parallel_loop3A_430 = arith.cmpi ne, %parallel_loop3A_427, %parallel_loop3A_429 : vector<16xi32>
        %parallel_loop3A_431 = arith.andi %parallel_loop3A_425, %parallel_loop3A_430 : vector<16xi1>
        %parallel_loop3A_432 = arith.constant 1 : i32
        %parallel_loop3A_433 = vector.broadcast %parallel_loop3A_432 : i32 to vector<16xi32>
        %parallel_loop3A_434 = arith.subi %parallel_loop3A_407, %parallel_loop3A_433 : vector<16xi32>
        %parallel_loop3A_435 = arith.select %parallel_loop3A_431, %parallel_loop3A_434, %parallel_loop3A_407 : vector<16xi1>, vector<16xi32>
        %parallel_loop3A_436 = arith.constant 32 : i32
        %parallel_loop3A_437 = vector.broadcast %parallel_loop3A_436 : i32 to vector<16xi32>
        %parallel_loop3A_438 = arith.addi %iota3A, %parallel_loop3A_437 : vector<16xi32>
        %parallel_loop3A_439 = arith.constant 8 : i32
        %parallel_loop3A_440 = arith.constant 0 : i32
        %parallel_loop3A_441 = arith.cmpi eq, %parallel_loop3A_439, %parallel_loop3A_440 : i32
        %parallel_loop3A_442 = arith.constant 1 : i32
        %parallel_loop3A_443 = arith.select %parallel_loop3A_441, %parallel_loop3A_442, %parallel_loop3A_439 : i32
        %parallel_loop3A_444 = vector.broadcast %parallel_loop3A_443 : i32 to vector<16xi32>
        %parallel_loop3A_445 = arith.remsi %parallel_loop3A_438, %parallel_loop3A_444 : vector<16xi32>
        %parallel_loop3A_446 = arith.constant 0 : i32
        %parallel_loop3A_447 = vector.broadcast %parallel_loop3A_446 : i32 to vector<16xi32>
        %parallel_loop3A_448 = arith.cmpi ne, %parallel_loop3A_445, %parallel_loop3A_447 : vector<16xi32>
        %parallel_loop3A_449 = arith.constant 0 : i32
        %parallel_loop3A_450 = vector.broadcast %parallel_loop3A_449 : i32 to vector<16xi32>
        %parallel_loop3A_451 = arith.cmpi slt, %parallel_loop3A_445, %parallel_loop3A_450 : vector<16xi32>
        %parallel_loop3A_452 = arith.constant 0 : i32
        %parallel_loop3A_453 = arith.cmpi slt, %parallel_loop3A_443, %parallel_loop3A_452 : i32
        %parallel_loop3A_454 = vector.broadcast %parallel_loop3A_453 : i1 to vector<16xi1>
        %parallel_loop3A_455 = vector.broadcast %parallel_loop3A_454 : vector<16xi1> to vector<16xi1>
        %parallel_loop3A_456 = arith.xori %parallel_loop3A_451, %parallel_loop3A_455 : vector<16xi1>
        %parallel_loop3A_457 = arith.andi %parallel_loop3A_456, %parallel_loop3A_448 : vector<16xi1>
        %parallel_loop3A_458 = vector.broadcast %parallel_loop3A_443 : i32 to vector<16xi32>
        %parallel_loop3A_459 = arith.addi %parallel_loop3A_445, %parallel_loop3A_458 : vector<16xi32>
        %parallel_loop3A_460 = arith.select %parallel_loop3A_457, %parallel_loop3A_459, %parallel_loop3A_445 : vector<16xi1>, vector<16xi32>
        %parallel_loop3A_461 = arith.index_cast %parallel_loop3A_276 : i32 to index
        %parallel_loop3A_462 = arith.constant 32 : index
        %parallel_loop3A_463 = tpu.vector_load %arg9[%parallel_loop3A_461, %parallel_loop3A_462] {strides = array<i32>} : memref<128x64xf32, #tpu.memory_space<vmem>>, vector<16xf32>,
        tpu.vector_store_idx %arg13[%parallel_loop3A_435, %broadcast_in_dim3A_5, %parallel_loop3A_460, %parallel_loop3A_277], %parallel_loop3A_463 : memref<8x1x8x129xf32, #tpu.memory_space<vmem>>[vector<16xi32>, vector<16xi32>, vector<16xi32>, vector<16xi32>], vector<16xf32>,
        %parallel_loop3A_464 = arith.constant 48 : i32
        %parallel_loop3A_465 = vector.broadcast %parallel_loop3A_464 : i32 to vector<16xi32>
        %parallel_loop3A_466 = arith.addi %iota3A, %parallel_loop3A_465 : vector<16xi32>
        %parallel_loop3A_467 = arith.constant 8 : i32
        %parallel_loop3A_468 = vector.broadcast %parallel_loop3A_467 : i32 to vector<16xi32>
        %parallel_loop3A_469 = arith.divsi %parallel_loop3A_466, %parallel_loop3A_468 : vector<16xi32>
        %parallel_loop3A_470 = arith.constant 0 : i32
        %parallel_loop3A_471 = vector.broadcast %parallel_loop3A_470 : i32 to vector<16xi32>
        %parallel_loop3A_472 = arith.cmpi sgt, %parallel_loop3A_466, %parallel_loop3A_471 : vector<16xi32>
        %parallel_loop3A_473 = arith.extui %parallel_loop3A_472 : vector<16xi1> to vector<16xi32>
        %parallel_loop3A_474 = arith.constant 0 : i32
        %parallel_loop3A_475 = vector.broadcast %parallel_loop3A_474 : i32 to vector<16xi32>
        %parallel_loop3A_476 = arith.cmpi slt, %parallel_loop3A_466, %parallel_loop3A_475 : vector<16xi32>
        %parallel_loop3A_477 = arith.extui %parallel_loop3A_476 : vector<16xi1> to vector<16xi32>
        %parallel_loop3A_478 = arith.subi %parallel_loop3A_473, %parallel_loop3A_477 : vector<16xi32>
        %parallel_loop3A_479 = arith.constant 0 : i32
        %parallel_loop3A_480 = arith.cmpi sgt, %parallel_loop3A_467, %parallel_loop3A_479 : i32
        %parallel_loop3A_481 = arith.extui %parallel_loop3A_480 : i1 to i32
        %parallel_loop3A_482 = arith.constant 0 : i32
        %parallel_loop3A_483 = arith.cmpi slt, %parallel_loop3A_467, %parallel_loop3A_482 : i32
        %parallel_loop3A_484 = arith.extui %parallel_loop3A_483 : i1 to i32
        %parallel_loop3A_485 = arith.subi %parallel_loop3A_481, %parallel_loop3A_484 : i32
        %parallel_loop3A_486 = vector.broadcast %parallel_loop3A_485 : i32 to vector<16xi32>
        %parallel_loop3A_487 = arith.cmpi ne, %parallel_loop3A_478, %parallel_loop3A_486 : vector<16xi32>
        %parallel_loop3A_488 = vector.broadcast %parallel_loop3A_467 : i32 to vector<16xi32>
        %parallel_loop3A_489 = arith.remsi %parallel_loop3A_466, %parallel_loop3A_488 : vector<16xi32>
        %parallel_loop3A_490 = arith.constant 0 : i32
        %parallel_loop3A_491 = vector.broadcast %parallel_loop3A_490 : i32 to vector<16xi32>
        %parallel_loop3A_492 = arith.cmpi ne, %parallel_loop3A_489, %parallel_loop3A_491 : vector<16xi32>
        %parallel_loop3A_493 = arith.andi %parallel_loop3A_487, %parallel_loop3A_492 : vector<16xi1>
        %parallel_loop3A_494 = arith.constant 1 : i32
        %parallel_loop3A_495 = vector.broadcast %parallel_loop3A_494 : i32 to vector<16xi32>
        %parallel_loop3A_496 = arith.subi %parallel_loop3A_469, %parallel_loop3A_495 : vector<16xi32>
        %parallel_loop3A_497 = arith.select %parallel_loop3A_493, %parallel_loop3A_496, %parallel_loop3A_469 : vector<16xi1>, vector<16xi32>
        %parallel_loop3A_498 = arith.constant 48 : i32
        %parallel_loop3A_499 = vector.broadcast %parallel_loop3A_498 : i32 to vector<16xi32>
        %parallel_loop3A_500 = arith.addi %iota3A, %parallel_loop3A_499 : vector<16xi32>
        %parallel_loop3A_501 = arith.constant 8 : i32
        %parallel_loop3A_502 = arith.constant 0 : i32
        %parallel_loop3A_503 = arith.cmpi eq, %parallel_loop3A_501, %parallel_loop3A_502 : i32
        %parallel_loop3A_504 = arith.constant 1 : i32
        %parallel_loop3A_505 = arith.select %parallel_loop3A_503, %parallel_loop3A_504, %parallel_loop3A_501 : i32
        %parallel_loop3A_506 = vector.broadcast %parallel_loop3A_505 : i32 to vector<16xi32>
        %parallel_loop3A_507 = arith.remsi %parallel_loop3A_500, %parallel_loop3A_506 : vector<16xi32>
        %parallel_loop3A_508 = arith.constant 0 : i32
        %parallel_loop3A_509 = vector.broadcast %parallel_loop3A_508 : i32 to vector<16xi32>
        %parallel_loop3A_510 = arith.cmpi ne, %parallel_loop3A_507, %parallel_loop3A_509 : vector<16xi32>
        %parallel_loop3A_511 = arith.constant 0 : i32
        %parallel_loop3A_512 = vector.broadcast %parallel_loop3A_511 : i32 to vector<16xi32>
        %parallel_loop3A_513 = arith.cmpi slt, %parallel_loop3A_507, %parallel_loop3A_512 : vector<16xi32>
        %parallel_loop3A_514 = arith.constant 0 : i32
        %parallel_loop3A_515 = arith.cmpi slt, %parallel_loop3A_505, %parallel_loop3A_514 : i32
        %parallel_loop3A_516 = vector.broadcast %parallel_loop3A_515 : i1 to vector<16xi1>
        %parallel_loop3A_517 = vector.broadcast %parallel_loop3A_516 : vector<16xi1> to vector<16xi1>
        %parallel_loop3A_518 = arith.xori %parallel_loop3A_513, %parallel_loop3A_517 : vector<16xi1>
        %parallel_loop3A_519 = arith.andi %parallel_loop3A_518, %parallel_loop3A_510 : vector<16xi1>
        %parallel_loop3A_520 = vector.broadcast %parallel_loop3A_505 : i32 to vector<16xi32>
        %parallel_loop3A_521 = arith.addi %parallel_loop3A_507, %parallel_loop3A_520 : vector<16xi32>
        %parallel_loop3A_522 = arith.select %parallel_loop3A_519, %parallel_loop3A_521, %parallel_loop3A_507 : vector<16xi1>, vector<16xi32>
        %parallel_loop3A_523 = arith.index_cast %parallel_loop3A_276 : i32 to index
        %parallel_loop3A_524 = arith.constant 48 : index
        %parallel_loop3A_525 = tpu.vector_load %arg9[%parallel_loop3A_523, %parallel_loop3A_524] {strides = array<i32>} : memref<128x64xf32, #tpu.memory_space<vmem>>, vector<16xf32>,
        tpu.vector_store_idx %arg13[%parallel_loop3A_497, %broadcast_in_dim3A_5, %parallel_loop3A_522, %parallel_loop3A_277], %parallel_loop3A_525 : memref<8x1x8x129xf32, #tpu.memory_space<vmem>>[vector<16xi32>, vector<16xi32>, vector<16xi32>, vector<16xi32>], vector<16xf32>,
      } {sc.loop_unroll_factor = 4 : i64, sc.parallel_access}
      %dma_start3A_256 = arith.constant 0 : i32
      %dma_start3A_257 = arith.constant 0 : i32
      %dma_start3A_258 = arith.constant 0 : i32
      %dma_start3A_259 = arith.constant 0 : i32
      %dma_start3A_260 = tpu.memref_slice %arg13[%dma_start3A_256, %dma_start3A_257, %dma_start3A_258, %dma_start3A_259] : memref<8x1x8x129xf32, #tpu.memory_space<vmem>> -> memref<8x1x8x128xf32, #tpu.memory_space<vmem>>
      %dma_start3A_261 = arith.constant 0 : i32
      %dma_start3A_262 = arith.constant 0 : i32
      %dma_start3A_263 = arith.constant 0 : i32
      %dma_start3A_264 = tpu.memref_slice %arg4[%add3A_234, %dma_start3A_261, %mul3A_2, %dma_start3A_262, %dma_start3A_263] : memref<100x8x32x8x128xf32, #tpu.memory_space<hbm>> -> memref<1x8x1x8x128xf32, #tpu.memory_space<hbm>>
      %dma_start3A_265 = tpu.memref_squeeze %dma_start3A_264 : memref<1x8x1x8x128xf32, #tpu.memory_space<hbm>> -> memref<8x1x8x128xf32, #tpu.memory_space<hbm>>
      %dma_start3A_266 = arith.constant 0 : i32
      %dma_start3A_267 = arith.constant 0 : i32
      %dma_start3A_268 = arith.constant 0 : i32
      %dma_start3A_269 = tpu.memref_slice %arg4[%add3A_234, %dma_start3A_266, %mul3A_2, %dma_start3A_267, %dma_start3A_268] : memref<100x8x32x8x128xf32, #tpu.memory_space<hbm>> -> memref<1x8x1x8x128xf32, #tpu.memory_space<hbm>>
      %dma_start3A_270 = tpu.memref_squeeze %dma_start3A_269 : memref<1x8x1x8x128xf32, #tpu.memory_space<hbm>> -> memref<8x1x8x128xf32, #tpu.memory_space<hbm>>
      %dma_start3A_271 = arith.constant 0 : i32
      %dma_start3A_272 = arith.constant 0 : i32
      %dma_start3A_273 = arith.constant 0 : i32
      %dma_start3A_274 = arith.constant 0 : i32
      %dma_start3A_275 = tpu.memref_slice %arg13[%dma_start3A_271, %dma_start3A_272, %dma_start3A_273, %dma_start3A_274] : memref<8x1x8x129xf32, #tpu.memory_space<vmem>> -> memref<8x1x8x128xf32, #tpu.memory_space<vmem>>
      tpu.enqueue_dma source(%dma_start3A_275 : memref<8x1x8x128xf32, #tpu.memory_space<vmem>>) target(%dma_start3A_270 : memref<8x1x8x128xf32, #tpu.memory_space<hbm>>) target_semaphore(%arg21 : memref<!tpu.dma_semaphore, #tpu.memory_space<semaphore_mem>>)
    }
    %scan3A_16 = arith.constant 25 : i32
    %dma_wait3A = arith.constant 96 : i32
    %dma_wait3A_17 = arith.constant 0 : i32
    %dma_wait3A_18 = arith.constant 0 : i32
    %dma_wait3A_19 = arith.constant 0 : i32
    %dma_wait3A_20 = arith.constant 0 : i32
    %dma_wait3A_21 = tpu.memref_slice %arg10[%dma_wait3A_17, %dma_wait3A_18, %dma_wait3A_19, %dma_wait3A_20] : memref<8x1x8x129xf32, #tpu.memory_space<vmem>> -> memref<8x1x8x128xf32, #tpu.memory_space<vmem>>
    %dma_wait3A_22 = arith.constant 0 : i32
    %dma_wait3A_23 = arith.constant 0 : i32
    %dma_wait3A_24 = arith.constant 0 : i32
    %dma_wait3A_25 = tpu.memref_slice %arg4[%dma_wait3A, %dma_wait3A_22, %mul3A_2, %dma_wait3A_23, %dma_wait3A_24] : memref<100x8x32x8x128xf32, #tpu.memory_space<hbm>> -> memref<1x8x1x8x128xf32, #tpu.memory_space<hbm>>
    %dma_wait3A_26 = tpu.memref_squeeze %dma_wait3A_25 : memref<1x8x1x8x128xf32, #tpu.memory_space<hbm>> -> memref<8x1x8x128xf32, #tpu.memory_space<hbm>>
    %dma_wait3A_27 = arith.constant 0 : i32
    %dma_wait3A_28 = arith.constant 0 : i32
    %dma_wait3A_29 = arith.constant 0 : i32
    %dma_wait3A_30 = tpu.memref_slice %arg4[%dma_wait3A, %dma_wait3A_27, %mul3A_2, %dma_wait3A_28, %dma_wait3A_29] : memref<100x8x32x8x128xf32, #tpu.memory_space<hbm>> -> memref<1x8x1x8x128xf32, #tpu.memory_space<hbm>>
    %dma_wait3A_31 = tpu.memref_squeeze %dma_wait3A_30 : memref<1x8x1x8x128xf32, #tpu.memory_space<hbm>> -> memref<8x1x8x128xf32, #tpu.memory_space<hbm>>
    %dma_wait3A_32 = arith.constant 0 : i32
    %dma_wait3A_33 = arith.constant 0 : i32
    %dma_wait3A_34 = arith.constant 0 : i32
    %dma_wait3A_35 = arith.constant 0 : i32
    %dma_wait3A_36 = tpu.memref_slice %arg10[%dma_wait3A_32, %dma_wait3A_33, %dma_wait3A_34, %dma_wait3A_35] : memref<8x1x8x129xf32, #tpu.memory_space<vmem>> -> memref<8x1x8x128xf32, #tpu.memory_space<vmem>>
    tpu.wait_dma2 semaphore(%arg18 : memref<!tpu.dma_semaphore, #tpu.memory_space<semaphore_mem>>) src(%dma_wait3A_36 : memref<8x1x8x128xf32, #tpu.memory_space<vmem>>) dst(%dma_wait3A_31 : memref<8x1x8x128xf32, #tpu.memory_space<hbm>>)
    %dma_wait3A_37 = arith.constant 97 : i32
    %dma_wait3A_38 = arith.constant 0 : i32
    %dma_wait3A_39 = arith.constant 0 : i32
    %dma_wait3A_40 = arith.constant 0 : i32
    %dma_wait3A_41 = arith.constant 0 : i32
    %dma_wait3A_42 = tpu.memref_slice %arg11[%dma_wait3A_38, %dma_wait3A_39, %dma_wait3A_40, %dma_wait3A_41] : memref<8x1x8x129xf32, #tpu.memory_space<vmem>> -> memref<8x1x8x128xf32, #tpu.memory_space<vmem>>
    %dma_wait3A_43 = arith.constant 0 : i32
    %dma_wait3A_44 = arith.constant 0 : i32
    %dma_wait3A_45 = arith.constant 0 : i32
    %dma_wait3A_46 = tpu.memref_slice %arg4[%dma_wait3A_37, %dma_wait3A_43, %mul3A_2, %dma_wait3A_44, %dma_wait3A_45] : memref<100x8x32x8x128xf32, #tpu.memory_space<hbm>> -> memref<1x8x1x8x128xf32, #tpu.memory_space<hbm>>
    %dma_wait3A_47 = tpu.memref_squeeze %dma_wait3A_46 : memref<1x8x1x8x128xf32, #tpu.memory_space<hbm>> -> memref<8x1x8x128xf32, #tpu.memory_space<hbm>>
    %dma_wait3A_48 = arith.constant 0 : i32
    %dma_wait3A_49 = arith.constant 0 : i32
    %dma_wait3A_50 = arith.constant 0 : i32
    %dma_wait3A_51 = tpu.memref_slice %arg4[%dma_wait3A_37, %dma_wait3A_48, %mul3A_2, %dma_wait3A_49, %dma_wait3A_50] : memref<100x8x32x8x128xf32, #tpu.memory_space<hbm>> -> memref<1x8x1x8x128xf32, #tpu.memory_space<hbm>>
    %dma_wait3A_52 = tpu.memref_squeeze %dma_wait3A_51 : memref<1x8x1x8x128xf32, #tpu.memory_space<hbm>> -> memref<8x1x8x128xf32, #tpu.memory_space<hbm>>
    %dma_wait3A_53 = arith.constant 0 : i32
    %dma_wait3A_54 = arith.constant 0 : i32
    %dma_wait3A_55 = arith.constant 0 : i32
    %dma_wait3A_56 = arith.constant 0 : i32
    %dma_wait3A_57 = tpu.memref_slice %arg11[%dma_wait3A_53, %dma_wait3A_54, %dma_wait3A_55, %dma_wait3A_56] : memref<8x1x8x129xf32, #tpu.memory_space<vmem>> -> memref<8x1x8x128xf32, #tpu.memory_space<vmem>>
    tpu.wait_dma2 semaphore(%arg19 : memref<!tpu.dma_semaphore, #tpu.memory_space<semaphore_mem>>) src(%dma_wait3A_57 : memref<8x1x8x128xf32, #tpu.memory_space<vmem>>) dst(%dma_wait3A_52 : memref<8x1x8x128xf32, #tpu.memory_space<hbm>>)
    %dma_wait3A_58 = arith.constant 98 : i32
    %dma_wait3A_59 = arith.constant 0 : i32
    %dma_wait3A_60 = arith.constant 0 : i32
    %dma_wait3A_61 = arith.constant 0 : i32
    %dma_wait3A_62 = arith.constant 0 : i32
    %dma_wait3A_63 = tpu.memref_slice %arg12[%dma_wait3A_59, %dma_wait3A_60, %dma_wait3A_61, %dma_wait3A_62] : memref<8x1x8x129xf32, #tpu.memory_space<vmem>> -> memref<8x1x8x128xf32, #tpu.memory_space<vmem>>
    %dma_wait3A_64 = arith.constant 0 : i32
    %dma_wait3A_65 = arith.constant 0 : i32
    %dma_wait3A_66 = arith.constant 0 : i32
    %dma_wait3A_67 = tpu.memref_slice %arg4[%dma_wait3A_58, %dma_wait3A_64, %mul3A_2, %dma_wait3A_65, %dma_wait3A_66] : memref<100x8x32x8x128xf32, #tpu.memory_space<hbm>> -> memref<1x8x1x8x128xf32, #tpu.memory_space<hbm>>
    %dma_wait3A_68 = tpu.memref_squeeze %dma_wait3A_67 : memref<1x8x1x8x128xf32, #tpu.memory_space<hbm>> -> memref<8x1x8x128xf32, #tpu.memory_space<hbm>>
    %dma_wait3A_69 = arith.constant 0 : i32
    %dma_wait3A_70 = arith.constant 0 : i32
    %dma_wait3A_71 = arith.constant 0 : i32
    %dma_wait3A_72 = tpu.memref_slice %arg4[%dma_wait3A_58, %dma_wait3A_69, %mul3A_2, %dma_wait3A_70, %dma_wait3A_71] : memref<100x8x32x8x128xf32, #tpu.memory_space<hbm>> -> memref<1x8x1x8x128xf32, #tpu.memory_space<hbm>>
    %dma_wait3A_73 = tpu.memref_squeeze %dma_wait3A_72 : memref<1x8x1x8x128xf32, #tpu.memory_space<hbm>> -> memref<8x1x8x128xf32, #tpu.memory_space<hbm>>
    %dma_wait3A_74 = arith.constant 0 : i32
    %dma_wait3A_75 = arith.constant 0 : i32
    %dma_wait3A_76 = arith.constant 0 : i32
    %dma_wait3A_77 = arith.constant 0 : i32
    %dma_wait3A_78 = tpu.memref_slice %arg12[%dma_wait3A_74, %dma_wait3A_75, %dma_wait3A_76, %dma_wait3A_77] : memref<8x1x8x129xf32, #tpu.memory_space<vmem>> -> memref<8x1x8x128xf32, #tpu.memory_space<vmem>>
    tpu.wait_dma2 semaphore(%arg20 : memref<!tpu.dma_semaphore, #tpu.memory_space<semaphore_mem>>) src(%dma_wait3A_78 : memref<8x1x8x128xf32, #tpu.memory_space<vmem>>) dst(%dma_wait3A_73 : memref<8x1x8x128xf32, #tpu.memory_space<hbm>>)
    %dma_wait3A_79 = arith.constant 99 : i32
    %dma_wait3A_80 = arith.constant 0 : i32
    %dma_wait3A_81 = arith.constant 0 : i32
    %dma_wait3A_82 = arith.constant 0 : i32
    %dma_wait3A_83 = arith.constant 0 : i32
    %dma_wait3A_84 = tpu.memref_slice %arg13[%dma_wait3A_80, %dma_wait3A_81, %dma_wait3A_82, %dma_wait3A_83] : memref<8x1x8x129xf32, #tpu.memory_space<vmem>> -> memref<8x1x8x128xf32, #tpu.memory_space<vmem>>
    %dma_wait3A_85 = arith.constant 0 : i32
    %dma_wait3A_86 = arith.constant 0 : i32
    %dma_wait3A_87 = arith.constant 0 : i32
    %dma_wait3A_88 = tpu.memref_slice %arg4[%dma_wait3A_79, %dma_wait3A_85, %mul3A_2, %dma_wait3A_86, %dma_wait3A_87] : memref<100x8x32x8x128xf32, #tpu.memory_space<hbm>> -> memref<1x8x1x8x128xf32, #tpu.memory_space<hbm>>
    %dma_wait3A_89 = tpu.memref_squeeze %dma_wait3A_88 : memref<1x8x1x8x128xf32, #tpu.memory_space<hbm>> -> memref<8x1x8x128xf32, #tpu.memory_space<hbm>>
    %dma_wait3A_90 = arith.constant 0 : i32
    %dma_wait3A_91 = arith.constant 0 : i32
    %dma_wait3A_92 = arith.constant 0 : i32
    %dma_wait3A_93 = tpu.memref_slice %arg4[%dma_wait3A_79, %dma_wait3A_90, %mul3A_2, %dma_wait3A_91, %dma_wait3A_92] : memref<100x8x32x8x128xf32, #tpu.memory_space<hbm>> -> memref<1x8x1x8x128xf32, #tpu.memory_space<hbm>>
    %dma_wait3A_94 = tpu.memref_squeeze %dma_wait3A_93 : memref<1x8x1x8x128xf32, #tpu.memory_space<hbm>> -> memref<8x1x8x128xf32, #tpu.memory_space<hbm>>
    %dma_wait3A_95 = arith.constant 0 : i32
    %dma_wait3A_96 = arith.constant 0 : i32
    %dma_wait3A_97 = arith.constant 0 : i32
    %dma_wait3A_98 = arith.constant 0 : i32
    %dma_wait3A_99 = tpu.memref_slice %arg13[%dma_wait3A_95, %dma_wait3A_96, %dma_wait3A_97, %dma_wait3A_98] : memref<8x1x8x129xf32, #tpu.memory_space<vmem>> -> memref<8x1x8x128xf32, #tpu.memory_space<vmem>>
    tpu.wait_dma2 semaphore(%arg21 : memref<!tpu.dma_semaphore, #tpu.memory_space<semaphore_mem>>) src(%dma_wait3A_99 : memref<8x1x8x128xf32, #tpu.memory_space<vmem>>) dst(%dma_wait3A_94 : memref<8x1x8x128xf32, #tpu.memory_space<hbm>>)
    return
  }
}

</mosaic_0001>

<sc_bundles>
// kernel: kernel.3.cloned.1.call-start
scs
__scs_entry_jumppad:
0x0: {  	(pc) =	sbr.rel $0x88, $3  }
0x1: {  	(tag) =	ssettag $0x0;
	lr =	simm.s32 $0x1  }
0x2: {  	[smem:$0x3F9F] =	sst lr;
	_ =	strace $0xD0000000  }
0x3: {  	_ = 	snop  }
0x4: {  	_ = 	snop  }
0x5: {  	_ = 	snop  }
0x6: {  	_ = 	snop  }
0x7: {  	_ = 	snop  }
__scs_overlays_trampoline_lowered:
0x8: {  	[smem:$0x3FAE] =	sst s0  }
0x9: {  	[smem:$0x3FAF] =	sst s1  }
0xa: {  	[smem:$0x3FB0] =	sst s2  }
0xb: {  	[smem:$0x3FB1] =	sst s3  }
0xc: {  	[smem:$0x3FB2] =	sst s4  }
0xd: {  	[smem:$0x3FB3] =	sst s5  }
0xe: {  	[smem:$0x3FB4] =	sst s6  }
0xf: {  	[smem:$0x3FB5] =	sst s7  }
0x10: {  	[smem:$0x3FB6] =	sst s8  }
0x11: {  	[smem:$0x3FB7] =	sst s9;
	s0 =	simm.s32 @!p0 $0x0  }
0x12: {  	s1 =	sld [smem:$0x3F9D];
	s0 =	simm.s32 @p0 $0x1  }
0x13: {  	[smem:$0x3FB8] =	sst s0;
	s0 =	simm.s32 @!p1 $0x0  }
0x14: {  	s2 =	sld [smem:$0x3F9C];
	s0 =	simm.s32 @p1 $0x1  }
0x15: {  	[smem:$0x3FB9] =	sst s0;
	s0 =	simm.s32 @!p2 $0x0  }
0x16: {  	s3 =	sld [smem:$0x3FDB];
	s0 =	simm.s32 @p2 $0x1  }
0x17: {  	s4 =	simm.s32 $0x1BF5;
	[smem:$0x3FBB] =	sst s0  }
0x18: {  	s0 =	sld [smem:$0x3F9E];
	_ =	swait.ge [sflag:s4], $0x0  }
0x19: {  	s7 =	sld [smem:$0x3F9F]  }
0x1a: {  	s8 =	sadd.s32 $0xFFFFE003, lr  }
0x1b: {  	s9 =	sadd.s32 $0xFFFFFEF7, lr;
	s5 =	simm.s32 $0xFFFFFFFF;
	p2 =	slt.u32 s8, $0xFFFFF086  }
0x1c: {  	p1 =	slt.u32 s9, $0xF7A;
	s5 =	simm.s32 @!p2 $0x0  }
0x1d: {  	s5 =	simm.s32 @p1 $0x1;
	p0 =	seq.s32 s7, s2  }
0x1e: {  	s7 =	smul.u32 @!p0 $0xF7A, s2;
	p2 =	seq.s32 @!p0 s5, $0x0  }
0x1f: {  	s9 =	smul.u32 $0xF7A, s1;
	s8 =	simm.s32 @!p0 $0x1BF5;
	p2 =	por !p2, p0  }
0x20: {  	[sflag:s8] =	ssyncset.s32 @!p0 $0xFFFFF086;
	s6 =	sadd.s32 @!p0 s3, s7;
	s7 =	simm.s32 @!p0 $0x108  }
0x21: {  	s3 =	sadd.s32 s3, s9;
	s6 =	sadd.s32 @!p0 $0x88, s6;
	s7 =	simm.s32 @p2 $0x1082  }
0x22: {  	[simem:s7], [sflag:s8] =	dma.local @!p0 [hbm:s6], $0xF7A  }
0x23: {  	s9 =	sor.u32 $0xD0000000, s2;
	s6 =	simm.s32 $0x108;
	_ =	swait.ge @!p0 [sflag:s8], $0x0  }
0x24: {  	s3 =	sadd.s32 $0x88, s3;
	s6 =	simm.s32 @!p1 $0x1082;
	[sflag:s4] =	ssyncset.s32 $0xFFFFF086  }
0x25: {  	[simem:s6], [sflag:s4] =	dma.local [hbm:s3], $0xF7A  }
0x26: {  	[smem:$0x3F9F] =	sst s1;
	(tag) =	ssettag s2;
	_ =	strace s9  }
0x27: {  	s1 =	sld [smem:$0x3FAF]  }
0x28: {  	s2 =	sld [smem:$0x3FB0]  }
0x29: {  	s4 =	sld [smem:$0x3FB2]  }
0x2a: {  	p0 =	seq.s32 s5, $0x0;
	s5 =	sld [smem:$0x3FB3]  }
0x2b: {  	s6 =	sld [smem:$0x3FB4]  }
0x2c: {  	s7 =	sld [smem:$0x3FB5]  }
0x2d: {  	s3 =	simm.s32 $0x108;
	s8 =	sld [smem:$0x3FB6]  }
0x2e: {  	s3 =	simm.s32 @!p0 $0x1082;
	s9 =	sld [smem:$0x3FB7]  }
0x2f: {  	lr =	sadd.s32 s0, s3;
	s0 =	sld [smem:$0x3FAE]  }
0x30: {  	s3 =	sld [smem:$0x3FB1]  }
0x31: {  	[smem:$0x3FBA] =	sst s10  }
0x32: {  	s10 =	sld [smem:$0x3FB8];
	_ =	sdelay $0x3  }
0x33: {  	p0 =	seq.s32 s10, $0x1;
	s10 =	sld [smem:$0x3FBA];
	_ =	sdelay $0x3  }
0x34: {  	[smem:$0x3FBA] =	sst s10  }
0x35: {  	s10 =	sld [smem:$0x3FB9];
	_ =	sdelay $0x3  }
0x36: {  	p1 =	seq.s32 s10, $0x1;
	s10 =	sld [smem:$0x3FBA];
	_ =	sdelay $0x3  }
0x37: {  	[smem:$0x3FBA] =	sst s10  }
0x38: {  	s10 =	sld [smem:$0x3FBB]  }
0x39: {  	_ = 	snop;
	(pc) =	sbr.ind lr, $3  }
0x3a: {  	_ = 	snop  }
0x3b: {  	_ = 	snop  }
0x3c: {  	p2 =	seq.s32 s10, $0x1;
	s10 =	sld [smem:$0x3FBA]  }
0x3d: {  	_ =	shalt  }
0x3e: {  	_ =	shalt  }
0x3f: {  	_ =	shalt  }
0x40: {  	_ =	shalt  }
0x41: {  	_ =	shalt  }
0x42: {  	_ =	shalt  }
0x43: {  	_ =	shalt  }
0x44: {  	_ =	shalt  }
0x45: {  	_ =	shalt  }
0x46: {  	_ =	shalt  }
0x47: {  	_ =	shalt  }
0x48: {  	_ =	shalt  }
0x49: {  	_ =	shalt  }
0x4a: {  	_ =	shalt  }
0x4b: {  	_ =	shalt  }
0x4c: {  	_ =	shalt  }
0x4d: {  	_ =	shalt  }
0x4e: {  	_ =	shalt  }
0x4f: {  	_ =	shalt  }
0x50: {  	_ =	shalt  }
0x51: {  	_ =	shalt  }
0x52: {  	_ =	shalt  }
0x53: {  	_ =	shalt  }
0x54: {  	_ =	shalt  }
0x55: {  	_ =	shalt  }
0x56: {  	_ =	shalt  }
0x57: {  	_ =	shalt  }
0x58: {  	_ =	shalt  }
0x59: {  	_ =	shalt  }
0x5a: {  	_ =	shalt  }
0x5b: {  	_ =	shalt  }
0x5c: {  	_ =	shalt  }
0x5d: {  	_ =	shalt  }
0x5e: {  	_ =	shalt  }
0x5f: {  	_ =	shalt  }
0x60: {  	_ =	shalt  }
0x61: {  	_ =	shalt  }
0x62: {  	_ =	shalt  }
0x63: {  	_ =	shalt  }
0x64: {  	_ =	shalt  }
0x65: {  	_ =	shalt  }
0x66: {  	_ =	shalt  }
0x67: {  	_ =	shalt  }
0x68: {  	_ =	shalt  }
0x69: {  	_ =	shalt  }
0x6a: {  	_ =	shalt  }
0x6b: {  	_ =	shalt  }
0x6c: {  	_ =	shalt  }
0x6d: {  	_ =	shalt  }
0x6e: {  	_ =	shalt  }
0x6f: {  	_ =	shalt  }
0x70: {  	_ =	shalt  }
0x71: {  	_ =	shalt  }
0x72: {  	_ =	shalt  }
0x73: {  	_ =	shalt  }
0x74: {  	_ =	shalt  }
0x75: {  	_ =	shalt  }
0x76: {  	_ =	shalt  }
0x77: {  	_ =	shalt  }
0x78: {  	_ =	shalt  }
0x79: {  	_ =	shalt  }
0x7a: {  	_ =	shalt  }
0x7b: {  	_ =	shalt  }
0x7c: {  	_ =	shalt  }
0x7d: {  	_ =	shalt  }
0x7e: {  	_ =	shalt  }
0x7f: {  	_ =	shalt  }
0x80: {  	_ =	shalt  }
0x81: {  	_ =	shalt  }
0x82: {  	_ =	shalt  }
0x83: {  	_ =	shalt  }
0x84: {  	_ =	shalt  }
0x85: {  	_ =	shalt  }
0x86: {  	_ =	shalt  }
0x87: {  	_ =	shalt  }
.Lfunc_end0:
.L_simem_size_0:
called_computation_lowered:
.L_overlay_start_0:
0x88: {  	s2 =	sld [smem:$0x3FD9]  }
0x89: {  	s3 =	sld [smem:$0x3FFE];
	_ =	sdelay $0x1  }
0x8a: {  	s1 =	srdreg.scid  }
0x8b: {  	s0 =	sand.u32 $0x1, s1  }
0x8c: {  	s17 =	sshll.u32 s0, $0xA;
	s2 =	sadd.s32 s3, s2  }
0x8d: {  	s2 =	sadd.s32 s2, s17  }
0x8e: {  	[smem:$0x3FC6] =	sst s2  }
0x8f: {  	_ = 	snop  }
0x90: {  	s2 =	sld [smem:$0x3FD0];
	(tm) =	ssettm $0x1  }
0x91: {  	s18 =	sld [smem:$0x3FFB];
	_ =	sdelay $0x3  }
0x92: {  	_ =	strace s18  }
0x93: {  	s3 =	sld [smem:$0x3FFC];
	_ =	sdelay $0x3  }
0x94: {  	_ =	strace s3  }
0x95: {  	s3 =	sld [smem:$0x3FFD];
	_ =	sdelay $0x3  }
0x96: {  	_ =	strace s3  }
0x97: {  	_ =	strace $0x8FFFFFFF  }
0x98: {  	s19 =	sld [smem:$0x3FDB];
	_ =	sdelay $0x1  }
0x99: {  	s4 =	simm.s32 $_scs_section_size  }
0x9a: {  	s5 =	simm.s32 $_size__tile_overlayer_lowered;
	s6 =	simm.s32 $_tile_overlayer_lowered  }
0x9b: {  	s22 =	simm.s32 $0x1BFF;
	s21 =	sshll.u32 s6, $0x1;
	s3 =	sadd.s32 s4, s19  }
0x9c: {  	s7 =	simm.s32 $0x0;
	s20 =	sshll.u32 s5, $0x1;
	s5 =	sadd.s32 s21, s3  }
0x9d: {  	[timem:s7], [sflag:s22] =	dma.local [hbm:s5], s20  }
0x9e: {  	_ =	swait.ge [sflag:s22], s20  }
0x9f: {  	s4 =	ssub.s32 $0x0, s20;
	[sflag:s22] =	ssyncset.done $0x0  }
0xa0: {  	[sflag:s22] =	ssyncadd.s32 s4;
	_ =	sdelay $0x1  }
0xa1: {  	s23 =	simm.s32 $0x1B8B  }
0xa2: {  	_ =	swait.ge [sflag:s23], $0x1  }
0xa3: {  	[sflag:s23] =	ssyncset.done $0x0  }
0xa4: {  	s25 =	simm.s32 $0x1B8E;
	s24 =	sld [smem:$0x3FFE];
	[sflag:s23] =	ssyncadd.s32 $0xFFFFFFFF  }
0xa5: {  	s26 =	simm.s32 $execute0_lowered;
	[smem:$0x3FD2] =	sst s25  }
0xa6: {  	s5 =	sshll.u32 s26, $0x1;
	_ =	strace $0x80000046;
	[dreg:$0x1] =	wrdreg $0xFFFFFFFF  }
0xa7: {  	s28 =	simm.s32 $_size_execute0_lowered;
	s3 =	sadd.s32 s3, s5;
	[dreg:$0x0] =	wrdreg $0x0  }
0xa8: {  	s5 =	sshll.u32 s28, $0x1;
	[dreg:$0x2] =	wrdreg s3  }
0xa9: {  	[dreg:$0x3] =	wrdreg s5  }
0xaa: {  	[dreg:$0x4] =	wrdreg $0xC0  }
0xab: {  	_ =	task [dreg:s7], $0x5FFFF  }
0xac: {  	[dreg:$0x1] =	wrdreg $0xFFFFFFFF  }
0xad: {  	[dreg:$0x0] =	wrdreg $0x60  }
0xae: {  	[dreg:$0x2] =	wrdreg s24  }
0xaf: {  	[dreg:$0x3] =	wrdreg s2  }
0xb0: {  	[dreg:$0x4] =	wrdreg $0x9  }
0xb1: {  	_ =	task.clear_ibuf [dreg:s7], $0x5FFFF;
	_ =	strace $0x90000046  }
0xb2: {  	s29 =	simm.s32 $0x9;
	_ =	strace $0x80000048  }
0xb3: {  	_ =	swait.ge [sflag:s29], $0x1  }
0xb4: {  	[sflag:s29] =	ssyncadd.s32 $0xFFFFFFFF  }
0xb5: {  	_ =	strace $0x90000048  }
0xb6: {  	_ =	sfence  }
0xb7: {  	s30 =	sld [smem:$0x0];
	_ =	sdelay $0x2  }
0xb8: {  	s31 =	sshll.u32 s1, $0xD;
	s1 =	sshrl.u32 s1, $0x2  }
0xb9: {  	s3 =	sand.u32 $0x4000, s31;
	s1 =	sadd.s32 s1, s30  }
0xba: {  	s0 =	sor.u32 s3, s0;
	s1 =	sshll.u32 s1, $0x11  }
0xbb: {  	s0 =	sor.u32 s1, s0  }
0xbc: {  	s0 =	sadd.s32 $0x8F2B, s0  }
0xbd: {  	[sflag:s0] =	ssyncadd.remote.s32 $0x1  }
0xbe: {  	_ =	sfence.sel $0xFFFF  }
0xbf: {  	[dreg:$0x0] =	wrdreg $0xFFFFFFFF;
	(pc) =	sbr.abs _section_cstart, $3  }
0xc0: {  	[dreg:$0x1] =	wrdreg $0xFFFFFFFF  }
0xc1: {  	_ =	task.clear_ibuf [dreg:s7], $0x2FFFF;
	_ =	strace $0x9FFFFFFF  }
0xc2: {  	(tm) =	ssettm $0x7FFFFFFF  }
0xc3: {  	_ =	shalt  }
tec
execute0_lowered:
.L_overlay_start_1:
0x0: {  	(tag) =	ssettag $0x1  }
0x1: {  	s0 =	rddreg [dreg:$0x0]  }
0x2: {  	s2 =	rddreg [dreg:$0x1];
	s1 =	srdreg.scid  }
0x3: {  	s4 =	stileid.u32;
	s3 =	simm.s32 $0x0;
	s8 =	simm.s32 $0x80  }
0x4: {  	s11 =	simm.s32 $0x3200;
	s12 =	simm.s32 $0x5200;
	s13 =	simm.s32 $0x1  }
0x5: {  	s14 =	simm.s32 $0xB200;
	s15 =	simm.s32 $0x7200;
	s16 =	simm.s32 $0x2  }
0x6: {  	s17 =	simm.s32 $0xD400;
	s18 =	simm.s32 $0x9200;
	s19 =	simm.s32 $0x3  }
0x7: {  	s20 =	simm.s32 $0xF600;
	s21 =	simm.s32 $0x4;
	s22 =	simm.s32 $0x8  }
0x8: {  	s23 =	simm.s32 $0x11800;
	s1 =	sand.u32 $0x1, s1;
	s4 =	sshll.u32 s4, $0x1  }
0x9: {  	s24 =	simm.s32 $0x5;
	s25 =	simm.s32 $0x6;
	s5 =	sor.u32 s1, s4  }
0xa: {  	s26 =	simm.s32 $0x7;
	s1 =	ssub.s32 $0x2, s1;
	s6 =	sshll.u32 s5, $0x4  }
0xb: {  	v0 =	vlaneseq.u32;
	s4 =	sadd.s32 $0xCC00, s0;
	s30 =	sshrl.u32 s1, $0x1;
	s0 =	sadd.s32 s6, s0  }
0xc: {  	[smem:$0x7FF] =	sst s3;
	v0 =	vmul.u32 $0x88, v0;
	s1 =	ssub.s32 s1, s30;
	s0 =	sadd.s32 $0x400, s0  }
0xd: {  	_ =	strace $0x80000047;
	s31 =	smax.u32 s1, $0x1;
	[dreg:$0x3] =	wrdreg s0  }
0xe: {  	s28 =	simm.s32 $0x0;
	v1 =	vadd.s32 $0x880, v0;
	v2 =	vadd.s32 $0x1100, v0;
	v3 =	vadd.s32 $0x1980, v0;
	s6 =	sshll.u32 s5, $0xA;
	[dreg:$0x4] =	wrdreg s31  }
.LBB2_1:
0xf: {  	s0 =	rddreg [dreg:$0x3];
	s1 =	simm.s32 $0x1000;
	s31 =	simm.s32 $0x9  }
0x10: {  	[tilespmem:s3], [sflag:$0x9] =	stream.strided.gather [hbm4b:s0+s8], $0x3200, s1, s8, $0x38;
	[tilespmem:$0x13A00] =	vst v63  }
0x11: {  	_ =	swait.ge [sflag:s31], $0x3200  }
0x12: {  	[sflag:s31] =	ssyncset.done $0x0  }
0x13: {  	s29 =	simm.s32 $0x0;
	[sflag:s31] =	ssyncadd.s32 $0xFFFFCE00  }
0x14: {  	[tilespmem:s11], [sflag:$0x1] =	stream.indirect.gather [hbm4b:s4+s8], $0x40, s3, s8, $0xb8;
	[tilespmem:$0x13A00] =	vst v63  }
.LBB2_2:
0x15: {  	s30 =	sshll.u32 s29, $0x2  }
0x16: {  	s31 =	sor.u32 $0x1, s30  }
0x17: {  	s0 =	sshll.u32 s31, $0x7  }
0x18: {  	s0 =	sand.u32 $0x3FFFFE80, s0  }
0x19: {  	[tilespmem:s12], [sflag:$0x2] =	stream.indirect.gather [hbm4b:s4+s8], $0x40, s0, s8, $0xb8;
	[tilespmem:$0x13A00] =	vst v63  }
0x1a: {  	_ =	swait.ge [sflag:s13], $0x2000  }
0x1b: {  	p0 =	seq.s32 s29, $0x0;
	[sflag:s13] =	ssyncset.done $0x0  }
0x1c: {  	s0 =	simm.s32 @!p0 $0x5;
	[sflag:s13] =	ssyncadd.s32 $0xFFFFE000  }
0x1d: {  	s1 =	simm.s32 $0x3;
	_ =	swait.ge @!p0 [sflag:s0], $0x2000  }
0x1e: {  	s9 =	simm.s32 $0x0;
	v4 =	vmov s1;
	[sflag:s0] =	ssyncset.done @!p0 $0x0  }
0x1f: {  	s10 =	simm.s32 $0x1;
	s1 =	simm.s32 $0x3280;
	v5 =	vand.u32 $0x7F, v4;
	v4 =	vmov s9;
	[sflag:s0] =	ssyncadd.s32 @!p0 $0xFFFFE000  }
0x20: {  	v8 =	vadd.s32 v0, v5;
	v6 =	vand.u32 $0x7C, v4;
	v4 =	vmov s10;
	v7 =	vld [tilespmem:s1+$0x40]  }
0x21: {  	v10 =	vadd.s32 v0, v6;
	v11 =	vand.u32 $0x7D, v4;
	v9 =	vld [tilespmem:s1+$0xFFFFFF80]  }
0x22: {  	s5 =	simm.s32 $0x2;
	v12 =	vadd.s32 v0, v11;
	v4 =	vld [tilespmem:s1+$0xFFFFFFC0]  }
0x23: {  	v13 =	vmov s5  }
0x24: {  	v13 =	vand.u32 $0x7E, v13  }
0x25: {  	v15 =	vadd.s32 v0, v13;
	v14 =	vld [tilespmem:s1+$0x0];
	[tilespmem:v8+s14+$0x0] =	vst.idx.msk $0xffff, v7  }
0x26: {  	v8 =	vadd.s32 v1, v5;
	[tilespmem:v10+s14+$0x0] =	vst.idx.msk $0xffff, v9;
	v7 =	vld [tilespmem:s1+$0x50]  }
0x27: {  	v10 =	vadd.s32 v1, v6;
	[tilespmem:v12+s14+$0x0] =	vst.idx.msk $0xffff, v4;
	v9 =	vld [tilespmem:s1+$0xFFFFFF90]  }
0x28: {  	v12 =	vadd.s32 v1, v11;
	v4 =	vld [tilespmem:s1+$0xFFFFFFD0];
	_ =	sdelay $0x1  }
0x29: {  	[tilespmem:v15+s14+$0x0] =	vst.idx.msk $0xffff, v14  }
0x2a: {  	v16 =	vadd.s32 v1, v13;
	v15 =	vld [tilespmem:s1+$0x10];
	[tilespmem:v8+s14+$0x0] =	vst.idx.msk $0xffff, v7  }
0x2b: {  	s7 =	simm.s32 $0x7;
	v14 =	vadd.s32 v2, v5;
	[tilespmem:v10+s14+$0x0] =	vst.idx.msk $0xffff, v9;
	v7 =	vld [tilespmem:s1+$0x60]  }
0x2c: {  	v10 =	vadd.s32 v2, v6;
	v8 =	vmov s7;
	[tilespmem:v12+s14+$0x0] =	vst.idx.msk $0xffff, v4;
	v9 =	vld [tilespmem:s1+$0xFFFFFFA0]  }
0x2d: {  	v17 =	vadd.s32 v2, v11;
	s0 =	simm.s32 $0x3380;
	v8 =	vand.u32 $0x7F, v8;
	v12 =	vld [tilespmem:s1+$0xFFFFFFE0]  }
0x2e: {  	s5 =	simm.s32 $0x4;
	v18 =	vld [tilespmem:s0+$0x40];
	v19 =	vadd.s32 v0, v8  }
0x2f: {  	s9 =	simm.s32 $0x5;
	v4 =	vmov s5;
	[tilespmem:v16+s14+$0x0] =	vst.idx.msk $0xffff, v15  }
0x30: {  	v22 =	vmov s9;
	v4 =	vand.u32 $0x7C, v4;
	[tilespmem:v14+s14+$0x0] =	vst.idx.msk $0xffff, v7  }
0x31: {  	s10 =	simm.s32 $0x6;
	v20 =	vld [tilespmem:s0+$0xFFFFFF80];
	v21 =	vadd.s32 v0, v4;
	v7 =	vand.u32 $0x7D, v22;
	[tilespmem:v10+s14+$0x0] =	vst.idx.msk $0xffff, v9  }
0x32: {  	v14 =	vmov s10;
	v9 =	vld [tilespmem:s0+$0xFFFFFFC0];
	[tilespmem:v17+s14+$0x0] =	vst.idx.msk $0xffff, v12;
	v10 =	vadd.s32 v0, v7  }
0x33: {  	v16 =	vadd.s32 v3, v5;
	v12 =	vld [tilespmem:s1+$0x20];
	v5 =	vand.u32 $0x7E, v14;
	[tilespmem:v19+s14+$0x0] =	vst.idx.msk $0xffff, v18;
	v18 =	vadd.s32 v2, v13  }
0x34: {  	v14 =	vld [tilespmem:s0+$0x0];
	v63 =	vadd.s32 v0, v5  }
0x35: {  	v15 =	vld [tilespmem:s1+$0x70]  }
0x36: {  	[tilespmem:v21+s14+$0x0] =	vst.idx.msk $0xffff, v20;
	v20 =	vadd.s32 v1, v8;
	v19 =	vld [tilespmem:s0+$0x50]  }
0x37: {  	v23 =	vadd.s32 v1, v4;
	v21 =	vld [tilespmem:s0+$0xFFFFFF90];
	[tilespmem:v10+s14+$0x0] =	vst.idx.msk $0xffff, v9  }
0x38: {  	v25 =	vadd.s32 v3, v11;
	v24 =	vld [tilespmem:s1+$0xFFFFFFF0];
	[tilespmem:v18+s14+$0x0] =	vst.idx.msk $0xffff, v12  }
0x39: {  	v18 =	vadd.s32 v1, v7;
	v17 =	vld [tilespmem:s0+$0xFFFFFFD0];
	[tilespmem:v63+s14+$0x0] =	vst.idx.msk $0xffff, v14  }
0x3a: {  	[tilespmem:v16+s14+$0x0] =	vst.idx.msk $0xffff, v15;
	v16 =	vadd.s32 v1, v5;
	v15 =	vld [tilespmem:s0+$0x10]  }
0x3b: {  	[tilespmem:v20+s14+$0x0] =	vst.idx.msk $0xffff, v19;
	v11 =	vld [tilespmem:s1+$0x30];
	v14 =	vadd.s32 v3, v13  }
0x3c: {  	v12 =	vadd.s32 v2, v8;
	[tilespmem:v23+s14+$0x0] =	vst.idx.msk $0xffff, v21;
	v9 =	vld [tilespmem:s0+$0x60]  }
0x3d: {  	s9 =	simm.s32 $0x8;
	s7 =	simm.s32 $0xB;
	s5 =	simm.s32 $0xC;
	[tilespmem:v25+s14+$0x0] =	vst.idx.msk $0xffff, v24;
	v13 =	vadd.s32 v2, v4;
	v10 =	vld [tilespmem:s0+$0xFFFFFFA0]  }
.LBB2_3:
0x3e: {  	p1 =	slt.u32 s5, $0x7C;
	v19 =	vmov s7;
	[tilespmem:v18+s14+$0x0] =	vst.idx.msk $0xffff, v17;
	v17 =	vld [tilespmem:s1+$0xFFFFFFB0];
	v18 =	vadd.s32 v3, v6;
	v6 =	vmov v4;
	s1 =	smov.u32 s0  }
0x3f: {  	v4 =	vmov s9;
	v21 =	vadd.s32 v2, v7;
	s0 =	sadd.s32 $0x100, s0;
	v19 =	vand.u32 $0x7F, v19;
	v20 =	vld [tilespmem:s1+$0xFFFFFFE0];
	[tilespmem:v16+s14+$0x0] =	vst.idx.msk $0xffff, v15  }
0x40: {  	s7 =	sadd.s32 $0x1, s9;
	v4 =	vand.u32 $0x7C, v4;
	v15 =	vld [tilespmem:s0+$0x40];
	v16 =	vadd.s32 v0, v19;
	[tilespmem:v14+s14+$0x0] =	vst.idx.msk $0xffff, v11  }
0x41: {  	v22 =	vmov s7;
	s7 =	sadd.s32 $0x2, s9;
	s9 =	smov.u32 s5;
	v14 =	vadd.s32 v0, v4;
	v11 =	vld [tilespmem:s0+$0xFFFFFF80];
	[tilespmem:v12+s14+$0x0] =	vst.idx.msk $0xffff, v9  }
0x42: {  	v9 =	vand.u32 $0x7D, v22;
	v12 =	vmov s7;
	[tilespmem:v13+s14+$0x0] =	vst.idx.msk $0xffff, v10;
	v10 =	vld [tilespmem:s1+$0x70];
	v13 =	vadd.s32 v3, v8;
	v8 =	vmovc v19  }
0x43: {  	v22 =	vadd.s32 v0, v9;
	v12 =	vand.u32 $0x7E, v12;
	v19 =	vld [tilespmem:s0+$0xFFFFFFC0];
	[tilespmem:v18+s14+$0x0] =	vst.idx.msk $0xffff, v17  }
0x44: {  	v24 =	vadd.s32 v0, v12;
	v23 =	vld [tilespmem:s0+$0x0];
	[tilespmem:v21+s14+$0x0] =	vst.idx.msk $0xffff, v20  }
0x45: {  	v21 =	vadd.s32 v2, v5;
	[tilespmem:v16+s14+$0x0] =	vst.idx.msk $0xffff, v15;
	v20 =	vld [tilespmem:s1+$0x20]  }
0x46: {  	[tilespmem:v14+s14+$0x0] =	vst.idx.msk $0xffff, v11;
	v11 =	vld [tilespmem:s0+$0x50];
	v14 =	vadd.s32 v1, v8  }
0x47: {  	v26 =	vadd.s32 v1, v4;
	v25 =	vld [tilespmem:s0+$0xFFFFFF90];
	[tilespmem:v13+s14+$0x0] =	vst.idx.msk $0xffff, v10  }
0x48: {  	[tilespmem:v22+s14+$0x0] =	vst.idx.msk $0xffff, v19;
	v19 =	vld [tilespmem:s1+$0xFFFFFFF0];
	v22 =	vadd.s32 v3, v7;
	v7 =	vmov v9  }
.Ltmp0:
0x49: {  	v17 =	vld [tilespmem:s0+$0xFFFFFFD0];
	v18 =	vadd.s32 v1, v7;
	[tilespmem:v24+s14+$0x0] =	vst.idx.msk $0xffff, v23;
	(pc) =	sbr.rel @p1 .LBB2_3-.Ltmp0, $4  }
0x4a: {  	v16 =	vadd.s32 v1, v12;
	v15 =	vld [tilespmem:s0+$0x10];
	[tilespmem:v21+s14+$0x0] =	vst.idx.msk $0xffff, v20  }
0x4b: {  	[tilespmem:v14+s14+$0x0] =	vst.idx.msk $0xffff, v11;
	v11 =	vld [tilespmem:s1+$0x30];
	v14 =	vadd.s32 v3, v5;
	v5 =	vmov v12  }
0x4c: {  	v12 =	vadd.s32 v2, v8;
	[tilespmem:v26+s14+$0x0] =	vst.idx.msk $0xffff, v25;
	v9 =	vld [tilespmem:s0+$0x60]  }
0x4d: {  	s5 =	sadd.s32 $0x4, s5;
	s7 =	sadd.s32 $0x3, s9;
	v13 =	vadd.s32 v2, v4;
	v10 =	vld [tilespmem:s0+$0xFFFFFFA0];
	[tilespmem:v22+s14+$0x0] =	vst.idx.msk $0xffff, v19  }
0x4e: {  	_ =	sdelay $0x2  }
0x4f: {  	v19 =	vmov s7  }
0x50: {  	s5 =	sadd.s32 $0x1, s9;
	[tilespmem:v18+s14+$0x0] =	vst.idx.msk $0xffff, v17;
	v30 =	vld [tilespmem:s1+$0xFFFFFFB0];
	v6 =	vadd.s32 v3, v6;
	s10 =	sadd.s32 $0x100, s0;
	v21 =	vmov s9;
	v31 =	vand.u32 $0x7F, v19  }
0x51: {  	s7 =	sadd.s32 $0x2, s9;
	v32 =	vmov s5;
	[tilespmem:v16+s14+$0x0] =	vst.idx.msk $0xffff, v15;
	v33 =	vld [tilespmem:s10+$0x40];
	v21 =	vand.u32 $0x7C, v21;
	v34 =	vadd.s32 v0, v31  }
0x52: {  	v20 =	vmov s7;
	v22 =	vld [tilespmem:s10+$0xFFFFFF80];
	v19 =	vand.u32 $0x7D, v32;
	[tilespmem:v14+s14+$0x0] =	vst.idx.msk $0xffff, v11;
	v39 =	vadd.s32 v0, v21  }
0x53: {  	v35 =	vld [tilespmem:s10+$0xFFFFFFC0];
	v20 =	vand.u32 $0x7E, v20;
	v36 =	vadd.s32 v0, v19;
	[tilespmem:v12+s14+$0x0] =	vst.idx.msk $0xffff, v9  }
0x54: {  	v37 =	vld [tilespmem:s10+$0x0];
	v38 =	vadd.s32 v0, v20;
	[tilespmem:v13+s14+$0x0] =	vst.idx.msk $0xffff, v10  }
0x55: {  	v41 =	vadd.s32 v2, v7;
	v40 =	vld [tilespmem:s0+$0xFFFFFFE0];
	[tilespmem:v6+s14+$0x0] =	vst.idx.msk $0xffff, v30  }
0x56: {  	v49 =	vadd.s32 v2, v5;
	v48 =	vld [tilespmem:s0+$0x20];
	[tilespmem:v34+s14+$0x0] =	vst.idx.msk $0xffff, v33  }
0x57: {  	v43 =	vadd.s32 v1, v31;
	[tilespmem:v39+s14+$0x0] =	vst.idx.msk $0xffff, v22;
	v15 =	vld [tilespmem:s10+$0x50]  }
0x58: {  	v47 =	vadd.s32 v1, v21;
	[tilespmem:v36+s14+$0x0] =	vst.idx.msk $0xffff, v35;
	v46 =	vld [tilespmem:s10+$0xFFFFFF90]  }
0x59: {  	v44 =	vadd.s32 v1, v19;
	[tilespmem:v38+s14+$0x0] =	vst.idx.msk $0xffff, v37;
	v11 =	vld [tilespmem:s10+$0xFFFFFFD0]  }
0x5a: {  	v45 =	vadd.s32 v1, v20;
	[tilespmem:v41+s14+$0x0] =	vst.idx.msk $0xffff, v40;
	v9 =	vld [tilespmem:s10+$0x10]  }
0x5b: {  	v8 =	vadd.s32 v3, v8;
	v42 =	vld [tilespmem:s0+$0x70];
	[tilespmem:v49+s14+$0x0] =	vst.idx.msk $0xffff, v48  }
0x5c: {  	v5 =	vadd.s32 v3, v5;
	v13 =	vld [tilespmem:s0+$0x30];
	[tilespmem:v43+s14+$0x0] =	vst.idx.msk $0xffff, v15  }
0x5d: {  	v52 =	vadd.s32 v2, v31;
	[tilespmem:v47+s14+$0x0] =	vst.idx.msk $0xffff, v46;
	v15 =	vld [tilespmem:s10+$0x60]  }
0x5e: {  	v57 =	vadd.s32 v2, v21;
	[tilespmem:v44+s14+$0x0] =	vst.idx.msk $0xffff, v11;
	v56 =	vld [tilespmem:s10+$0xFFFFFFA0]  }
0x5f: {  	v53 =	vadd.s32 v2, v19;
	[tilespmem:v45+s14+$0x0] =	vst.idx.msk $0xffff, v9;
	v11 =	vld [tilespmem:s10+$0xFFFFFFE0]  }
0x60: {  	v55 =	vadd.s32 v2, v20;
	[tilespmem:v8+s14+$0x0] =	vst.idx.msk $0xffff, v42;
	v54 =	vld [tilespmem:s10+$0x20]  }
0x61: {  	v4 =	vadd.s32 v3, v4;
	v58 =	vld [tilespmem:s0+$0xFFFFFFB0];
	[tilespmem:v5+s14+$0x0] =	vst.idx.msk $0xffff, v13  }
0x62: {  	v51 =	vadd.s32 v3, v7;
	v50 =	vld [tilespmem:s0+$0xFFFFFFF0];
	[tilespmem:v52+s14+$0x0] =	vst.idx.msk $0xffff, v15  }
0x63: {  	v60 =	vadd.s32 v3, v31;
	[tilespmem:v57+s14+$0x0] =	vst.idx.msk $0xffff, v56;
	v59 =	vld [tilespmem:s10+$0x70]  }
0x64: {  	v63 =	vadd.s32 v3, v21;
	[tilespmem:v53+s14+$0x0] =	vst.idx.msk $0xffff, v11;
	v5 =	vld [tilespmem:s10+$0xFFFFFFB0]  }
0x65: {  	v61 =	vadd.s32 v3, v19;
	[tilespmem:v55+s14+$0x0] =	vst.idx.msk $0xffff, v54;
	v11 =	vld [tilespmem:s10+$0xFFFFFFF0]  }
0x66: {  	v62 =	vadd.s32 v3, v20;
	[tilespmem:v4+s14+$0x0] =	vst.idx.msk $0xffff, v58;
	v6 =	vld [tilespmem:s10+$0x30]  }
0x67: {  	[tilespmem:v51+s14+$0x0] =	vst.idx.msk $0xffff, v50  }
0x68: {  	s9 =	sshll.u32 s29, $0x14;
	[tilespmem:v60+s14+$0x0] =	vst.idx.msk $0xffff, v59  }
0x69: {  	s0 =	sor.u32 s6, s9;
	[tilespmem:v63+s14+$0x0] =	vst.idx.msk $0xffff, v5  }
0x6a: {  	s0 =	sshrl.u32 s0, $0x3;
	[tilespmem:v61+s14+$0x0] =	vst.idx.msk $0xffff, v11  }
0x6b: {  	s1 =	sadd.s32 s2, s0;
	s10 =	simm.s32 $0xB200;
	[tilespmem:v62+s14+$0x0] =	vst.idx.msk $0xffff, v6  }
0x6c: {  	[hbm4b:s1+s3] =	stream.linear.scatter [tilespmem:s10], [sflag:$0x5], $0x80, $0x38;
	[tilespmem:$0x13A00] =	vst v63  }
0x6d: {  	s5 =	simm.s32 $0xB288;
	s7 =	sadd.s32 $0x10, s1  }
0x6e: {  	[hbm4b:s7+s3] =	stream.linear.scatter [tilespmem:s5], [sflag:$0x5], $0x80, $0x38;
	[tilespmem:$0x13A00] =	vst v63  }
0x6f: {  	s9 =	simm.s32 $0xB310;
	s10 =	sadd.s32 $0x20, s1  }
0x70: {  	[hbm4b:s10+s3] =	stream.linear.scatter [tilespmem:s9], [sflag:$0x5], $0x80, $0x38;
	[tilespmem:$0x13A00] =	vst v63  }
0x71: {  	s5 =	simm.s32 $0xB398;
	s7 =	sadd.s32 $0x30, s1  }
0x72: {  	[hbm4b:s7+s3] =	stream.linear.scatter [tilespmem:s5], [sflag:$0x5], $0x80, $0x38;
	[tilespmem:$0x13A00] =	vst v63  }
0x73: {  	s9 =	simm.s32 $0xB420;
	s10 =	sadd.s32 $0x40, s1  }
0x74: {  	[hbm4b:s10+s3] =	stream.linear.scatter [tilespmem:s9], [sflag:$0x5], $0x80, $0x38;
	[tilespmem:$0x13A00] =	vst v63  }
0x75: {  	s0 =	simm.s32 $0x440;
	s5 =	simm.s32 $0xB4A8;
	s7 =	sadd.s32 $0x50, s1  }
0x76: {  	[hbm4b:s7+s3] =	stream.linear.scatter [tilespmem:s5], [sflag:$0x5], $0x80, $0x38;
	[tilespmem:$0x13A00] =	vst v63  }
0x77: {  	s9 =	simm.s32 $0xB530;
	s10 =	sadd.s32 $0x60, s1;
	s5 =	simm.s32 $0x2200  }
0x78: {  	[hbm4b:s10+s3] =	stream.linear.scatter [tilespmem:s9], [sflag:$0x5], $0x80, $0x38;
	[tilespmem:$0x13A00] =	vst v63  }
0x79: {  	s7 =	simm.s32 $0xB5B8;
	s9 =	sadd.s32 $0x70, s1;
	s1 =	sadd.s32 $0x1000, s1  }
.LBB2_5:
0x7a: {  	[hbm4b:s9+s3] =	stream.linear.scatter [tilespmem:s7], [sflag:$0x5], $0x80, $0x38;
	[tilespmem:$0x13A00] =	vst v63  }
0x7b: {  	s7 =	smov.u32 s0;
	s0 =	smov.u32 s5  }
0x7c: {  	s10 =	sadd.s32 $0x1100, s5;
	s0 =	sshra.s32 s0, $0x2;
	s9 =	sadd.s32 $0xB200, s7  }
0x7d: {  	[hbm4b:s1+s3] =	stream.linear.scatter [tilespmem:s9], [sflag:$0x5], $0x80, $0x38;
	[tilespmem:$0x13A00] =	vst v63  }
0x7e: {  	p1 =	sne.s32 s5, $0x7700;
	s5 =	sadd.s32 $0xB288, s7;
	s9 =	sadd.s32 $0x10, s1  }
0x7f: {  	[hbm4b:s9+s3] =	stream.linear.scatter [tilespmem:s5], [sflag:$0x5], $0x80, $0x38;
	[tilespmem:$0x13A00] =	vst v63  }
0x80: {  	s5 =	sadd.s32 $0xB310, s7;
	s9 =	sadd.s32 $0x20, s1  }
0x81: {  	[hbm4b:s9+s3] =	stream.linear.scatter [tilespmem:s5], [sflag:$0x5], $0x80, $0x38;
	[tilespmem:$0x13A00] =	vst v63  }
0x82: {  	s5 =	sadd.s32 $0xB398, s7;
	s9 =	sadd.s32 $0x30, s1  }
0x83: {  	[hbm4b:s9+s3] =	stream.linear.scatter [tilespmem:s5], [sflag:$0x5], $0x80, $0x38;
	[tilespmem:$0x13A00] =	vst v63  }
0x84: {  	s5 =	sadd.s32 $0xB420, s7;
	s9 =	sadd.s32 $0x40, s1  }
0x85: {  	[hbm4b:s9+s3] =	stream.linear.scatter [tilespmem:s5], [sflag:$0x5], $0x80, $0x38;
	[tilespmem:$0x13A00] =	vst v63  }
.Ltmp1:
0x86: {  	s5 =	sadd.s32 $0xB4A8, s7;
	s9 =	sadd.s32 $0x50, s1;
	(pc) =	sbr.rel @p1 .LBB2_5-.Ltmp1, $4  }
0x87: {  	[hbm4b:s9+s3] =	stream.linear.scatter [tilespmem:s5], [sflag:$0x5], $0x80, $0x38;
	[tilespmem:$0x13A00] =	vst v63  }
0x88: {  	s5 =	sadd.s32 $0xB530, s7;
	s9 =	sadd.s32 $0x60, s1;
	s7 =	sadd.s32 $0xB5B8, s7  }
0x89: {  	[hbm4b:s9+s3] =	stream.linear.scatter [tilespmem:s5], [sflag:$0x5], $0x80, $0x38;
	[tilespmem:$0x13A00] =	vst v63  }
0x8a: {  	s9 =	sadd.s32 $0x70, s1;
	s1 =	sadd.s32 $0x1000, s1;
	s5 =	smov.u32 s10  }
0x8b: {  	[hbm4b:s9+s3] =	stream.linear.scatter [tilespmem:s7], [sflag:$0x5], $0x80, $0x38;
	[tilespmem:$0x13A00] =	vst v63  }
0x8c: {  	s5 =	sadd.s32 $0xB200, s0  }
0x8d: {  	[hbm4b:s1+s3] =	stream.linear.scatter [tilespmem:s5], [sflag:$0x5], $0x80, $0x38;
	[tilespmem:$0x13A00] =	vst v63  }
0x8e: {  	s9 =	sadd.s32 $0xB288, s0;
	s10 =	sadd.s32 $0x10, s1  }
0x8f: {  	[hbm4b:s10+s3] =	stream.linear.scatter [tilespmem:s9], [sflag:$0x5], $0x80, $0x38;
	[tilespmem:$0x13A00] =	vst v63  }
0x90: {  	s9 =	sadd.s32 $0xB310, s0;
	s10 =	sadd.s32 $0x20, s1  }
0x91: {  	[hbm4b:s10+s3] =	stream.linear.scatter [tilespmem:s9], [sflag:$0x5], $0x80, $0x38;
	[tilespmem:$0x13A00] =	vst v63  }
0x92: {  	s9 =	sadd.s32 $0xB398, s0;
	s10 =	sadd.s32 $0x30, s1  }
0x93: {  	[hbm4b:s10+s3] =	stream.linear.scatter [tilespmem:s9], [sflag:$0x5], $0x80, $0x38;
	[tilespmem:$0x13A00] =	vst v63  }
0x94: {  	s9 =	sadd.s32 $0xB420, s0;
	s10 =	sadd.s32 $0x40, s1  }
0x95: {  	[hbm4b:s10+s3] =	stream.linear.scatter [tilespmem:s9], [sflag:$0x5], $0x80, $0x38;
	[tilespmem:$0x13A00] =	vst v63  }
0x96: {  	s5 =	sadd.s32 $0xB5B8, s0;
	s9 =	sadd.s32 $0xB4A8, s0;
	s10 =	sadd.s32 $0x50, s1  }
0x97: {  	[hbm4b:s10+s3] =	stream.linear.scatter [tilespmem:s9], [sflag:$0x5], $0x80, $0x38;
	[tilespmem:$0x13A00] =	vst v63  }
0x98: {  	s9 =	sadd.s32 $0xB530, s0;
	s10 =	sadd.s32 $0x60, s1;
	s0 =	sor.u32 $0x2, s30  }
0x99: {  	[hbm4b:s10+s3] =	stream.linear.scatter [tilespmem:s9], [sflag:$0x5], $0x80, $0x38;
	[tilespmem:$0x13A00] =	vst v63  }
0x9a: {  	s7 =	sadd.s32 $0x70, s1;
	s9 =	sshll.u32 s0, $0x7  }
0x9b: {  	[hbm4b:s7+s3] =	stream.linear.scatter [tilespmem:s5], [sflag:$0x5], $0x80, $0x38;
	[tilespmem:$0x13A00] =	vst v63  }
0x9c: {  	s1 =	sand.u32 $0x3FFFFF80, s9  }
0x9d: {  	[tilespmem:s15], [sflag:$0x3] =	stream.indirect.gather [hbm4b:s4+s8], $0x40, s1, s8, $0xb8;
	[tilespmem:$0x13A00] =	vst v63  }
0x9e: {  	_ =	swait.ge [sflag:s16], $0x2000  }
0x9f: {  	[sflag:s16] =	ssyncset.done $0x0  }
0xa0: {  	s1 =	simm.s32 @!p0 $0x6;
	[sflag:s16] =	ssyncadd.s32 $0xFFFFE000  }
0xa1: {  	s10 =	simm.s32 $0x3;
	_ =	swait.ge @!p0 [sflag:s1], $0x2000  }
0xa2: {  	v4 =	vmov s10;
	s7 =	simm.s32 $0x0;
	[sflag:s1] =	ssyncset.done @!p0 $0x0  }
0xa3: {  	s9 =	simm.s32 $0x5280;
	s10 =	simm.s32 $0x1;
	v5 =	vand.u32 $0x7F, v4;
	v4 =	vmov s7;
	[sflag:s1] =	ssyncadd.s32 @!p0 $0xFFFFE000  }
0xa4: {  	v8 =	vadd.s32 v0, v5;
	v6 =	vand.u32 $0x7C, v4;
	v4 =	vmov s10;
	v7 =	vld [tilespmem:s9+$0x40]  }
0xa5: {  	v10 =	vadd.s32 v0, v6;
	v11 =	vand.u32 $0x7D, v4;
	v9 =	vld [tilespmem:s9+$0xFFFFFF80]  }
0xa6: {  	s5 =	simm.s32 $0x2;
	v12 =	vadd.s32 v0, v11;
	v4 =	vld [tilespmem:s9+$0xFFFFFFC0]  }
0xa7: {  	v13 =	vmov s5  }
0xa8: {  	v13 =	vand.u32 $0x7E, v13  }
0xa9: {  	v15 =	vadd.s32 v0, v13;
	v14 =	vld [tilespmem:s9+$0x0];
	[tilespmem:v8+s17+$0x0] =	vst.idx.msk $0xffff, v7  }
0xaa: {  	v8 =	vadd.s32 v1, v5;
	[tilespmem:v10+s17+$0x0] =	vst.idx.msk $0xffff, v9;
	v7 =	vld [tilespmem:s9+$0x50]  }
0xab: {  	v10 =	vadd.s32 v1, v6;
	[tilespmem:v12+s17+$0x0] =	vst.idx.msk $0xffff, v4;
	v9 =	vld [tilespmem:s9+$0xFFFFFF90]  }
0xac: {  	v12 =	vadd.s32 v1, v11;
	v4 =	vld [tilespmem:s9+$0xFFFFFFD0];
	_ =	sdelay $0x1  }
0xad: {  	[tilespmem:v15+s17+$0x0] =	vst.idx.msk $0xffff, v14  }
0xae: {  	v16 =	vadd.s32 v1, v13;
	v15 =	vld [tilespmem:s9+$0x10];
	[tilespmem:v8+s17+$0x0] =	vst.idx.msk $0xffff, v7  }
0xaf: {  	s7 =	simm.s32 $0x7;
	v14 =	vadd.s32 v2, v5;
	[tilespmem:v10+s17+$0x0] =	vst.idx.msk $0xffff, v9;
	v7 =	vld [tilespmem:s9+$0x60]  }
0xb0: {  	v10 =	vadd.s32 v2, v6;
	v8 =	vmov s7;
	[tilespmem:v12+s17+$0x0] =	vst.idx.msk $0xffff, v4;
	v9 =	vld [tilespmem:s9+$0xFFFFFFA0]  }
0xb1: {  	v17 =	vadd.s32 v2, v11;
	s1 =	simm.s32 $0x5380;
	v8 =	vand.u32 $0x7F, v8;
	v12 =	vld [tilespmem:s9+$0xFFFFFFE0]  }
0xb2: {  	s10 =	simm.s32 $0x4;
	v18 =	vld [tilespmem:s1+$0x40];
	v19 =	vadd.s32 v0, v8  }
0xb3: {  	v4 =	vmov s10;
	s7 =	simm.s32 $0x5;
	[tilespmem:v16+s17+$0x0] =	vst.idx.msk $0xffff, v15  }
0xb4: {  	v4 =	vand.u32 $0x7C, v4;
	v22 =	vmov s7;
	[tilespmem:v14+s17+$0x0] =	vst.idx.msk $0xffff, v7  }
0xb5: {  	v20 =	vld [tilespmem:s1+$0xFFFFFF80];
	s10 =	simm.s32 $0x6;
	v21 =	vadd.s32 v0, v4;
	v7 =	vand.u32 $0x7D, v22;
	[tilespmem:v10+s17+$0x0] =	vst.idx.msk $0xffff, v9  }
0xb6: {  	v14 =	vmov s10;
	v9 =	vld [tilespmem:s1+$0xFFFFFFC0];
	[tilespmem:v17+s17+$0x0] =	vst.idx.msk $0xffff, v12;
	v10 =	vadd.s32 v0, v7  }
0xb7: {  	v16 =	vadd.s32 v3, v5;
	v12 =	vld [tilespmem:s9+$0x20];
	v5 =	vand.u32 $0x7E, v14;
	[tilespmem:v19+s17+$0x0] =	vst.idx.msk $0xffff, v18;
	v18 =	vadd.s32 v2, v13  }
0xb8: {  	v14 =	vld [tilespmem:s1+$0x0];
	v63 =	vadd.s32 v0, v5  }
0xb9: {  	v15 =	vld [tilespmem:s9+$0x70]  }
0xba: {  	[tilespmem:v21+s17+$0x0] =	vst.idx.msk $0xffff, v20;
	v20 =	vadd.s32 v1, v8;
	v19 =	vld [tilespmem:s1+$0x50]  }
0xbb: {  	v23 =	vadd.s32 v1, v4;
	v21 =	vld [tilespmem:s1+$0xFFFFFF90];
	[tilespmem:v10+s17+$0x0] =	vst.idx.msk $0xffff, v9  }
0xbc: {  	v25 =	vadd.s32 v3, v11;
	v24 =	vld [tilespmem:s9+$0xFFFFFFF0];
	[tilespmem:v18+s17+$0x0] =	vst.idx.msk $0xffff, v12  }
0xbd: {  	v18 =	vadd.s32 v1, v7;
	v17 =	vld [tilespmem:s1+$0xFFFFFFD0];
	[tilespmem:v63+s17+$0x0] =	vst.idx.msk $0xffff, v14  }
0xbe: {  	[tilespmem:v16+s17+$0x0] =	vst.idx.msk $0xffff, v15;
	v16 =	vadd.s32 v1, v5;
	v15 =	vld [tilespmem:s1+$0x10]  }
0xbf: {  	[tilespmem:v20+s17+$0x0] =	vst.idx.msk $0xffff, v19;
	v11 =	vld [tilespmem:s9+$0x30];
	v14 =	vadd.s32 v3, v13  }
0xc0: {  	v12 =	vadd.s32 v2, v8;
	[tilespmem:v23+s17+$0x0] =	vst.idx.msk $0xffff, v21;
	v9 =	vld [tilespmem:s1+$0x60]  }
0xc1: {  	s5 =	simm.s32 $0x8;
	s7 =	simm.s32 $0xC;
	s10 =	simm.s32 $0xB;
	[tilespmem:v25+s17+$0x0] =	vst.idx.msk $0xffff, v24;
	v13 =	vadd.s32 v2, v4;
	v10 =	vld [tilespmem:s1+$0xFFFFFFA0]  }
.LBB2_7:
0xc2: {  	p1 =	slt.u32 s7, $0x7C;
	v19 =	vmov s10;
	[tilespmem:v18+s17+$0x0] =	vst.idx.msk $0xffff, v17;
	v17 =	vld [tilespmem:s9+$0xFFFFFFB0];
	v18 =	vadd.s32 v3, v6;
	v6 =	vmov v4;
	s9 =	smov.u32 s1  }
0xc3: {  	v4 =	vmov s5;
	v21 =	vadd.s32 v2, v7;
	s1 =	sadd.s32 $0x100, s1;
	v19 =	vand.u32 $0x7F, v19;
	v20 =	vld [tilespmem:s9+$0xFFFFFFE0];
	[tilespmem:v16+s17+$0x0] =	vst.idx.msk $0xffff, v15  }
0xc4: {  	s10 =	sadd.s32 $0x1, s5;
	v4 =	vand.u32 $0x7C, v4;
	v15 =	vld [tilespmem:s1+$0x40];
	v16 =	vadd.s32 v0, v19;
	[tilespmem:v14+s17+$0x0] =	vst.idx.msk $0xffff, v11  }
0xc5: {  	v22 =	vmov s10;
	s10 =	sadd.s32 $0x2, s5;
	s5 =	smov.u32 s7;
	v14 =	vadd.s32 v0, v4;
	v11 =	vld [tilespmem:s1+$0xFFFFFF80];
	[tilespmem:v12+s17+$0x0] =	vst.idx.msk $0xffff, v9  }
0xc6: {  	v9 =	vand.u32 $0x7D, v22;
	v12 =	vmov s10;
	[tilespmem:v13+s17+$0x0] =	vst.idx.msk $0xffff, v10;
	v10 =	vld [tilespmem:s9+$0x70];
	v13 =	vadd.s32 v3, v8;
	v8 =	vmovc v19  }
0xc7: {  	v22 =	vadd.s32 v0, v9;
	v12 =	vand.u32 $0x7E, v12;
	v19 =	vld [tilespmem:s1+$0xFFFFFFC0];
	[tilespmem:v18+s17+$0x0] =	vst.idx.msk $0xffff, v17  }
0xc8: {  	v24 =	vadd.s32 v0, v12;
	v23 =	vld [tilespmem:s1+$0x0];
	[tilespmem:v21+s17+$0x0] =	vst.idx.msk $0xffff, v20  }
0xc9: {  	v21 =	vadd.s32 v2, v5;
	[tilespmem:v16+s17+$0x0] =	vst.idx.msk $0xffff, v15;
	v20 =	vld [tilespmem:s9+$0x20]  }
0xca: {  	[tilespmem:v14+s17+$0x0] =	vst.idx.msk $0xffff, v11;
	v11 =	vld [tilespmem:s1+$0x50];
	v14 =	vadd.s32 v1, v8  }
0xcb: {  	v26 =	vadd.s32 v1, v4;
	v25 =	vld [tilespmem:s1+$0xFFFFFF90];
	[tilespmem:v13+s17+$0x0] =	vst.idx.msk $0xffff, v10  }
0xcc: {  	[tilespmem:v22+s17+$0x0] =	vst.idx.msk $0xffff, v19;
	v19 =	vld [tilespmem:s9+$0xFFFFFFF0];
	v22 =	vadd.s32 v3, v7;
	v7 =	vmov v9  }
.Ltmp2:
0xcd: {  	v17 =	vld [tilespmem:s1+$0xFFFFFFD0];
	v18 =	vadd.s32 v1, v7;
	[tilespmem:v24+s17+$0x0] =	vst.idx.msk $0xffff, v23;
	(pc) =	sbr.rel @p1 .LBB2_7-.Ltmp2, $4  }
0xce: {  	v16 =	vadd.s32 v1, v12;
	v15 =	vld [tilespmem:s1+$0x10];
	[tilespmem:v21+s17+$0x0] =	vst.idx.msk $0xffff, v20  }
0xcf: {  	[tilespmem:v14+s17+$0x0] =	vst.idx.msk $0xffff, v11;
	v11 =	vld [tilespmem:s9+$0x30];
	v14 =	vadd.s32 v3, v5;
	v5 =	vmov v12  }
0xd0: {  	v12 =	vadd.s32 v2, v8;
	[tilespmem:v26+s17+$0x0] =	vst.idx.msk $0xffff, v25;
	v9 =	vld [tilespmem:s1+$0x60]  }
0xd1: {  	s7 =	sadd.s32 $0x4, s7;
	s10 =	sadd.s32 $0x3, s5;
	v13 =	vadd.s32 v2, v4;
	v10 =	vld [tilespmem:s1+$0xFFFFFFA0];
	[tilespmem:v22+s17+$0x0] =	vst.idx.msk $0xffff, v19  }
0xd2: {  	_ =	sdelay $0x2  }
0xd3: {  	v19 =	vmov s10  }
0xd4: {  	s10 =	sadd.s32 $0x1, s5;
	[tilespmem:v18+s17+$0x0] =	vst.idx.msk $0xffff, v17;
	v30 =	vld [tilespmem:s9+$0xFFFFFFB0];
	v6 =	vadd.s32 v3, v6;
	s7 =	sadd.s32 $0x100, s1;
	v21 =	vmov s5;
	v31 =	vand.u32 $0x7F, v19  }
0xd5: {  	v32 =	vmov s10;
	s10 =	sadd.s32 $0x2, s5;
	[tilespmem:v16+s17+$0x0] =	vst.idx.msk $0xffff, v15;
	v33 =	vld [tilespmem:s7+$0x40];
	v21 =	vand.u32 $0x7C, v21;
	v34 =	vadd.s32 v0, v31  }
0xd6: {  	v22 =	vld [tilespmem:s7+$0xFFFFFF80];
	v19 =	vand.u32 $0x7D, v32;
	v20 =	vmov s10;
	[tilespmem:v14+s17+$0x0] =	vst.idx.msk $0xffff, v11;
	v39 =	vadd.s32 v0, v21  }
0xd7: {  	v35 =	vld [tilespmem:s7+$0xFFFFFFC0];
	v36 =	vadd.s32 v0, v19;
	v20 =	vand.u32 $0x7E, v20;
	[tilespmem:v12+s17+$0x0] =	vst.idx.msk $0xffff, v9  }
0xd8: {  	v37 =	vld [tilespmem:s7+$0x0];
	v38 =	vadd.s32 v0, v20;
	[tilespmem:v13+s17+$0x0] =	vst.idx.msk $0xffff, v10  }
0xd9: {  	v41 =	vadd.s32 v2, v7;
	v40 =	vld [tilespmem:s1+$0xFFFFFFE0];
	[tilespmem:v6+s17+$0x0] =	vst.idx.msk $0xffff, v30  }
0xda: {  	v49 =	vadd.s32 v2, v5;
	v48 =	vld [tilespmem:s1+$0x20];
	[tilespmem:v34+s17+$0x0] =	vst.idx.msk $0xffff, v33  }
0xdb: {  	v43 =	vadd.s32 v1, v31;
	[tilespmem:v39+s17+$0x0] =	vst.idx.msk $0xffff, v22;
	v15 =	vld [tilespmem:s7+$0x50]  }
0xdc: {  	v47 =	vadd.s32 v1, v21;
	[tilespmem:v36+s17+$0x0] =	vst.idx.msk $0xffff, v35;
	v46 =	vld [tilespmem:s7+$0xFFFFFF90]  }
0xdd: {  	v44 =	vadd.s32 v1, v19;
	v11 =	vld [tilespmem:s7+$0xFFFFFFD0];
	[tilespmem:v38+s17+$0x0] =	vst.idx.msk $0xffff, v37  }
0xde: {  	v45 =	vadd.s32 v1, v20;
	[tilespmem:v41+s17+$0x0] =	vst.idx.msk $0xffff, v40;
	v9 =	vld [tilespmem:s7+$0x10]  }
0xdf: {  	v8 =	vadd.s32 v3, v8;
	v42 =	vld [tilespmem:s1+$0x70];
	[tilespmem:v49+s17+$0x0] =	vst.idx.msk $0xffff, v48  }
0xe0: {  	v5 =	vadd.s32 v3, v5;
	v13 =	vld [tilespmem:s1+$0x30];
	[tilespmem:v43+s17+$0x0] =	vst.idx.msk $0xffff, v15  }
0xe1: {  	v52 =	vadd.s32 v2, v31;
	[tilespmem:v47+s17+$0x0] =	vst.idx.msk $0xffff, v46;
	v15 =	vld [tilespmem:s7+$0x60]  }
0xe2: {  	v57 =	vadd.s32 v2, v21;
	[tilespmem:v44+s17+$0x0] =	vst.idx.msk $0xffff, v11;
	v56 =	vld [tilespmem:s7+$0xFFFFFFA0]  }
0xe3: {  	v53 =	vadd.s32 v2, v19;
	v11 =	vld [tilespmem:s7+$0xFFFFFFE0];
	[tilespmem:v45+s17+$0x0] =	vst.idx.msk $0xffff, v9  }
0xe4: {  	v55 =	vadd.s32 v2, v20;
	[tilespmem:v8+s17+$0x0] =	vst.idx.msk $0xffff, v42;
	v54 =	vld [tilespmem:s7+$0x20]  }
0xe5: {  	v4 =	vadd.s32 v3, v4;
	v58 =	vld [tilespmem:s1+$0xFFFFFFB0];
	[tilespmem:v5+s17+$0x0] =	vst.idx.msk $0xffff, v13  }
0xe6: {  	v51 =	vadd.s32 v3, v7;
	v50 =	vld [tilespmem:s1+$0xFFFFFFF0];
	[tilespmem:v52+s17+$0x0] =	vst.idx.msk $0xffff, v15  }
0xe7: {  	v60 =	vadd.s32 v3, v31;
	[tilespmem:v57+s17+$0x0] =	vst.idx.msk $0xffff, v56;
	v59 =	vld [tilespmem:s7+$0x70]  }
0xe8: {  	v63 =	vadd.s32 v3, v21;
	[tilespmem:v53+s17+$0x0] =	vst.idx.msk $0xffff, v11;
	v5 =	vld [tilespmem:s7+$0xFFFFFFB0]  }
0xe9: {  	v61 =	vadd.s32 v3, v19;
	v11 =	vld [tilespmem:s7+$0xFFFFFFF0];
	[tilespmem:v55+s17+$0x0] =	vst.idx.msk $0xffff, v54  }
0xea: {  	v62 =	vadd.s32 v3, v20;
	[tilespmem:v4+s17+$0x0] =	vst.idx.msk $0xffff, v58;
	v6 =	vld [tilespmem:s7+$0x30]  }
0xeb: {  	[tilespmem:v51+s17+$0x0] =	vst.idx.msk $0xffff, v50  }
0xec: {  	s10 =	sshll.u32 s31, $0x12;
	[tilespmem:v60+s17+$0x0] =	vst.idx.msk $0xffff, v59  }
0xed: {  	s1 =	sor.u32 s6, s10;
	[tilespmem:v63+s17+$0x0] =	vst.idx.msk $0xffff, v5  }
0xee: {  	s1 =	sshrl.u32 s1, $0x3;
	[tilespmem:v61+s17+$0x0] =	vst.idx.msk $0xffff, v11  }
0xef: {  	s31 =	simm.s32 $0xD400;
	s5 =	sadd.s32 s2, s1;
	[tilespmem:v62+s17+$0x0] =	vst.idx.msk $0xffff, v6  }
0xf0: {  	[hbm4b:s5+s3] =	stream.linear.scatter [tilespmem:s31], [sflag:$0x6], $0x80, $0x38;
	[tilespmem:$0x13A00] =	vst v63  }
0xf1: {  	s9 =	sadd.s32 $0x10, s5;
	s7 =	simm.s32 $0xD488  }
0xf2: {  	[hbm4b:s9+s3] =	stream.linear.scatter [tilespmem:s7], [sflag:$0x6], $0x80, $0x38;
	[tilespmem:$0x13A00] =	vst v63  }
0xf3: {  	s10 =	simm.s32 $0xD510;
	s31 =	sadd.s32 $0x20, s5  }
0xf4: {  	[hbm4b:s31+s3] =	stream.linear.scatter [tilespmem:s10], [sflag:$0x6], $0x80, $0x38;
	[tilespmem:$0x13A00] =	vst v63  }
0xf5: {  	s7 =	simm.s32 $0xD598;
	s9 =	sadd.s32 $0x30, s5  }
0xf6: {  	[hbm4b:s9+s3] =	stream.linear.scatter [tilespmem:s7], [sflag:$0x6], $0x80, $0x38;
	[tilespmem:$0x13A00] =	vst v63  }
0xf7: {  	s10 =	simm.s32 $0xD620;
	s31 =	sadd.s32 $0x40, s5  }
0xf8: {  	[hbm4b:s31+s3] =	stream.linear.scatter [tilespmem:s10], [sflag:$0x6], $0x80, $0x38;
	[tilespmem:$0x13A00] =	vst v63  }
0xf9: {  	s1 =	simm.s32 $0x440;
	s7 =	simm.s32 $0xD6A8;
	s9 =	sadd.s32 $0x50, s5  }
0xfa: {  	[hbm4b:s9+s3] =	stream.linear.scatter [tilespmem:s7], [sflag:$0x6], $0x80, $0x38;
	[tilespmem:$0x13A00] =	vst v63  }
0xfb: {  	s10 =	simm.s32 $0xD730;
	s31 =	sadd.s32 $0x60, s5;
	s7 =	simm.s32 $0x2200  }
0xfc: {  	[hbm4b:s31+s3] =	stream.linear.scatter [tilespmem:s10], [sflag:$0x6], $0x80, $0x38;
	[tilespmem:$0x13A00] =	vst v63  }
0xfd: {  	s9 =	simm.s32 $0xD7B8;
	s10 =	sadd.s32 $0x70, s5;
	s5 =	sadd.s32 $0x1000, s5  }
.LBB2_9:
0xfe: {  	[hbm4b:s10+s3] =	stream.linear.scatter [tilespmem:s9], [sflag:$0x6], $0x80, $0x38;
	[tilespmem:$0x13A00] =	vst v63  }
0xff: {  	s9 =	smov.u32 s1;
	s1 =	smov.u32 s7  }
0x100: {  	s31 =	sadd.s32 $0x1100, s7;
	s1 =	sshra.s32 s1, $0x2;
	s10 =	sadd.s32 $0xD400, s9  }
0x101: {  	[hbm4b:s5+s3] =	stream.linear.scatter [tilespmem:s10], [sflag:$0x6], $0x80, $0x38;
	[tilespmem:$0x13A00] =	vst v63  }
0x102: {  	p1 =	sne.s32 s7, $0x7700;
	s7 =	sadd.s32 $0xD488, s9;
	s10 =	sadd.s32 $0x10, s5  }
0x103: {  	[hbm4b:s10+s3] =	stream.linear.scatter [tilespmem:s7], [sflag:$0x6], $0x80, $0x38;
	[tilespmem:$0x13A00] =	vst v63  }
0x104: {  	s7 =	sadd.s32 $0xD510, s9;
	s10 =	sadd.s32 $0x20, s5  }
0x105: {  	[hbm4b:s10+s3] =	stream.linear.scatter [tilespmem:s7], [sflag:$0x6], $0x80, $0x38;
	[tilespmem:$0x13A00] =	vst v63  }
0x106: {  	s7 =	sadd.s32 $0xD598, s9;
	s10 =	sadd.s32 $0x30, s5  }
0x107: {  	[hbm4b:s10+s3] =	stream.linear.scatter [tilespmem:s7], [sflag:$0x6], $0x80, $0x38;
	[tilespmem:$0x13A00] =	vst v63  }
0x108: {  	s7 =	sadd.s32 $0xD620, s9;
	s10 =	sadd.s32 $0x40, s5  }
0x109: {  	[hbm4b:s10+s3] =	stream.linear.scatter [tilespmem:s7], [sflag:$0x6], $0x80, $0x38;
	[tilespmem:$0x13A00] =	vst v63  }
.Ltmp3:
0x10a: {  	s7 =	sadd.s32 $0xD6A8, s9;
	s10 =	sadd.s32 $0x50, s5;
	(pc) =	sbr.rel @p1 .LBB2_9-.Ltmp3, $4  }
0x10b: {  	[hbm4b:s10+s3] =	stream.linear.scatter [tilespmem:s7], [sflag:$0x6], $0x80, $0x38;
	[tilespmem:$0x13A00] =	vst v63  }
0x10c: {  	s7 =	sadd.s32 $0xD730, s9;
	s10 =	sadd.s32 $0x60, s5;
	s9 =	sadd.s32 $0xD7B8, s9  }
0x10d: {  	[hbm4b:s10+s3] =	stream.linear.scatter [tilespmem:s7], [sflag:$0x6], $0x80, $0x38;
	[tilespmem:$0x13A00] =	vst v63  }
0x10e: {  	s10 =	sadd.s32 $0x70, s5;
	s5 =	sadd.s32 $0x1000, s5;
	s7 =	smov.u32 s31  }
0x10f: {  	[hbm4b:s10+s3] =	stream.linear.scatter [tilespmem:s9], [sflag:$0x6], $0x80, $0x38;
	[tilespmem:$0x13A00] =	vst v63  }
0x110: {  	s7 =	sadd.s32 $0xD400, s1  }
0x111: {  	[hbm4b:s5+s3] =	stream.linear.scatter [tilespmem:s7], [sflag:$0x6], $0x80, $0x38;
	[tilespmem:$0x13A00] =	vst v63  }
0x112: {  	s10 =	sadd.s32 $0xD488, s1;
	s31 =	sadd.s32 $0x10, s5  }
0x113: {  	[hbm4b:s31+s3] =	stream.linear.scatter [tilespmem:s10], [sflag:$0x6], $0x80, $0x38;
	[tilespmem:$0x13A00] =	vst v63  }
0x114: {  	s10 =	sadd.s32 $0xD510, s1;
	s31 =	sadd.s32 $0x20, s5  }
0x115: {  	[hbm4b:s31+s3] =	stream.linear.scatter [tilespmem:s10], [sflag:$0x6], $0x80, $0x38;
	[tilespmem:$0x13A00] =	vst v63  }
0x116: {  	s10 =	sadd.s32 $0xD598, s1;
	s31 =	sadd.s32 $0x30, s5  }
0x117: {  	[hbm4b:s31+s3] =	stream.linear.scatter [tilespmem:s10], [sflag:$0x6], $0x80, $0x38;
	[tilespmem:$0x13A00] =	vst v63  }
0x118: {  	s10 =	sadd.s32 $0xD620, s1;
	s31 =	sadd.s32 $0x40, s5  }
0x119: {  	[hbm4b:s31+s3] =	stream.linear.scatter [tilespmem:s10], [sflag:$0x6], $0x80, $0x38;
	[tilespmem:$0x13A00] =	vst v63  }
0x11a: {  	s10 =	sadd.s32 $0xD6A8, s1;
	s31 =	sadd.s32 $0x50, s5  }
0x11b: {  	[hbm4b:s31+s3] =	stream.linear.scatter [tilespmem:s10], [sflag:$0x6], $0x80, $0x38;
	[tilespmem:$0x13A00] =	vst v63  }
0x11c: {  	s30 =	sor.u32 $0x3, s30;
	s10 =	sadd.s32 $0xD730, s1;
	s31 =	sadd.s32 $0x60, s5  }
0x11d: {  	[hbm4b:s31+s3] =	stream.linear.scatter [tilespmem:s10], [sflag:$0x6], $0x80, $0x38;
	[tilespmem:$0x13A00] =	vst v63  }
0x11e: {  	s9 =	sadd.s32 $0x70, s5;
	s7 =	sadd.s32 $0xD7B8, s1;
	s10 =	sshll.u32 s30, $0x7  }
0x11f: {  	[hbm4b:s9+s3] =	stream.linear.scatter [tilespmem:s7], [sflag:$0x6], $0x80, $0x38;
	[tilespmem:$0x13A00] =	vst v63  }
0x120: {  	s1 =	sand.u32 $0x3FFFFF80, s10  }
0x121: {  	[tilespmem:s18], [sflag:$0x4] =	stream.indirect.gather [hbm4b:s4+s8], $0x40, s1, s8, $0xb8;
	[tilespmem:$0x13A00] =	vst v63  }
0x122: {  	_ =	swait.ge [sflag:s19], $0x2000  }
0x123: {  	[sflag:s19] =	ssyncset.done $0x0  }
0x124: {  	s1 =	simm.s32 @!p0 $0x7;
	[sflag:s19] =	ssyncadd.s32 $0xFFFFE000  }
0x125: {  	s31 =	simm.s32 $0x3;
	_ =	swait.ge @!p0 [sflag:s1], $0x2000  }
0x126: {  	v4 =	vmov s31;
	s7 =	simm.s32 $0x0;
	[sflag:s1] =	ssyncset.done @!p0 $0x0  }
0x127: {  	s10 =	simm.s32 $0x1;
	s9 =	simm.s32 $0x7280;
	v5 =	vand.u32 $0x7F, v4;
	v4 =	vmov s7;
	[sflag:s1] =	ssyncadd.s32 @!p0 $0xFFFFE000  }
0x128: {  	v8 =	vadd.s32 v0, v5;
	v6 =	vand.u32 $0x7C, v4;
	v4 =	vmov s10;
	v7 =	vld [tilespmem:s9+$0x40]  }
0x129: {  	v10 =	vadd.s32 v0, v6;
	v11 =	vand.u32 $0x7D, v4;
	v9 =	vld [tilespmem:s9+$0xFFFFFF80]  }
0x12a: {  	s31 =	simm.s32 $0x2;
	v12 =	vadd.s32 v0, v11;
	v4 =	vld [tilespmem:s9+$0xFFFFFFC0]  }
0x12b: {  	v13 =	vmov s31  }
0x12c: {  	v13 =	vand.u32 $0x7E, v13  }
0x12d: {  	v15 =	vadd.s32 v0, v13;
	v14 =	vld [tilespmem:s9+$0x0];
	[tilespmem:v8+s20+$0x0] =	vst.idx.msk $0xffff, v7  }
0x12e: {  	v8 =	vadd.s32 v1, v5;
	[tilespmem:v10+s20+$0x0] =	vst.idx.msk $0xffff, v9;
	v7 =	vld [tilespmem:s9+$0x50]  }
0x12f: {  	v10 =	vadd.s32 v1, v6;
	[tilespmem:v12+s20+$0x0] =	vst.idx.msk $0xffff, v4;
	v9 =	vld [tilespmem:s9+$0xFFFFFF90]  }
0x130: {  	v12 =	vadd.s32 v1, v11;
	v4 =	vld [tilespmem:s9+$0xFFFFFFD0];
	_ =	sdelay $0x1  }
0x131: {  	[tilespmem:v15+s20+$0x0] =	vst.idx.msk $0xffff, v14  }
0x132: {  	v16 =	vadd.s32 v1, v13;
	v15 =	vld [tilespmem:s9+$0x10];
	[tilespmem:v8+s20+$0x0] =	vst.idx.msk $0xffff, v7  }
0x133: {  	s5 =	simm.s32 $0x7;
	v14 =	vadd.s32 v2, v5;
	[tilespmem:v10+s20+$0x0] =	vst.idx.msk $0xffff, v9;
	v7 =	vld [tilespmem:s9+$0x60]  }
0x134: {  	v10 =	vadd.s32 v2, v6;
	v8 =	vmov s5;
	[tilespmem:v12+s20+$0x0] =	vst.idx.msk $0xffff, v4;
	v9 =	vld [tilespmem:s9+$0xFFFFFFA0]  }
0x135: {  	v17 =	vadd.s32 v2, v11;
	s1 =	simm.s32 $0x7380;
	v8 =	vand.u32 $0x7F, v8;
	v12 =	vld [tilespmem:s9+$0xFFFFFFE0]  }
0x136: {  	s7 =	simm.s32 $0x4;
	v18 =	vld [tilespmem:s1+$0x40];
	v19 =	vadd.s32 v0, v8  }
0x137: {  	s10 =	simm.s32 $0x5;
	v4 =	vmov s7;
	[tilespmem:v16+s20+$0x0] =	vst.idx.msk $0xffff, v15  }
0x138: {  	v22 =	vmov s10;
	v4 =	vand.u32 $0x7C, v4;
	[tilespmem:v14+s20+$0x0] =	vst.idx.msk $0xffff, v7  }
0x139: {  	s31 =	simm.s32 $0x6;
	v20 =	vld [tilespmem:s1+$0xFFFFFF80];
	v21 =	vadd.s32 v0, v4;
	v7 =	vand.u32 $0x7D, v22;
	[tilespmem:v10+s20+$0x0] =	vst.idx.msk $0xffff, v9  }
0x13a: {  	v14 =	vmov s31;
	v9 =	vld [tilespmem:s1+$0xFFFFFFC0];
	[tilespmem:v17+s20+$0x0] =	vst.idx.msk $0xffff, v12;
	v10 =	vadd.s32 v0, v7  }
0x13b: {  	v16 =	vadd.s32 v3, v5;
	v12 =	vld [tilespmem:s9+$0x20];
	v5 =	vand.u32 $0x7E, v14;
	[tilespmem:v19+s20+$0x0] =	vst.idx.msk $0xffff, v18;
	v18 =	vadd.s32 v2, v13  }
0x13c: {  	v14 =	vld [tilespmem:s1+$0x0];
	v63 =	vadd.s32 v0, v5  }
0x13d: {  	v15 =	vld [tilespmem:s9+$0x70]  }
0x13e: {  	[tilespmem:v21+s20+$0x0] =	vst.idx.msk $0xffff, v20;
	v20 =	vadd.s32 v1, v8;
	v19 =	vld [tilespmem:s1+$0x50]  }
0x13f: {  	v23 =	vadd.s32 v1, v4;
	v21 =	vld [tilespmem:s1+$0xFFFFFF90];
	[tilespmem:v10+s20+$0x0] =	vst.idx.msk $0xffff, v9  }
0x140: {  	v25 =	vadd.s32 v3, v11;
	v24 =	vld [tilespmem:s9+$0xFFFFFFF0];
	[tilespmem:v18+s20+$0x0] =	vst.idx.msk $0xffff, v12  }
0x141: {  	v18 =	vadd.s32 v1, v7;
	v17 =	vld [tilespmem:s1+$0xFFFFFFD0];
	[tilespmem:v63+s20+$0x0] =	vst.idx.msk $0xffff, v14  }
0x142: {  	[tilespmem:v16+s20+$0x0] =	vst.idx.msk $0xffff, v15;
	v16 =	vadd.s32 v1, v5;
	v15 =	vld [tilespmem:s1+$0x10]  }
0x143: {  	[tilespmem:v20+s20+$0x0] =	vst.idx.msk $0xffff, v19;
	v11 =	vld [tilespmem:s9+$0x30];
	v14 =	vadd.s32 v3, v13  }
0x144: {  	v12 =	vadd.s32 v2, v8;
	[tilespmem:v23+s20+$0x0] =	vst.idx.msk $0xffff, v21;
	v9 =	vld [tilespmem:s1+$0x60]  }
0x145: {  	s10 =	simm.s32 $0xB;
	s5 =	simm.s32 $0x8;
	s7 =	simm.s32 $0xC;
	[tilespmem:v25+s20+$0x0] =	vst.idx.msk $0xffff, v24;
	v13 =	vadd.s32 v2, v4;
	v10 =	vld [tilespmem:s1+$0xFFFFFFA0]  }
.LBB2_11:
0x146: {  	p1 =	slt.u32 s7, $0x7C;
	v19 =	vmov s10;
	[tilespmem:v18+s20+$0x0] =	vst.idx.msk $0xffff, v17;
	v17 =	vld [tilespmem:s9+$0xFFFFFFB0];
	v18 =	vadd.s32 v3, v6;
	v6 =	vmov v4;
	s9 =	smov.u32 s1  }
0x147: {  	v4 =	vmov s5;
	v21 =	vadd.s32 v2, v7;
	s1 =	sadd.s32 $0x100, s1;
	v19 =	vand.u32 $0x7F, v19;
	v20 =	vld [tilespmem:s9+$0xFFFFFFE0];
	[tilespmem:v16+s20+$0x0] =	vst.idx.msk $0xffff, v15  }
0x148: {  	s10 =	sadd.s32 $0x1, s5;
	v4 =	vand.u32 $0x7C, v4;
	v15 =	vld [tilespmem:s1+$0x40];
	v16 =	vadd.s32 v0, v19;
	[tilespmem:v14+s20+$0x0] =	vst.idx.msk $0xffff, v11  }
0x149: {  	v22 =	vmov s10;
	s10 =	sadd.s32 $0x2, s5;
	s5 =	smov.u32 s7;
	v14 =	vadd.s32 v0, v4;
	v11 =	vld [tilespmem:s1+$0xFFFFFF80];
	[tilespmem:v12+s20+$0x0] =	vst.idx.msk $0xffff, v9  }
0x14a: {  	v9 =	vand.u32 $0x7D, v22;
	v12 =	vmov s10;
	[tilespmem:v13+s20+$0x0] =	vst.idx.msk $0xffff, v10;
	v10 =	vld [tilespmem:s9+$0x70];
	v13 =	vadd.s32 v3, v8;
	v8 =	vmovc v19  }
0x14b: {  	v22 =	vadd.s32 v0, v9;
	v12 =	vand.u32 $0x7E, v12;
	v19 =	vld [tilespmem:s1+$0xFFFFFFC0];
	[tilespmem:v18+s20+$0x0] =	vst.idx.msk $0xffff, v17  }
0x14c: {  	v24 =	vadd.s32 v0, v12;
	v23 =	vld [tilespmem:s1+$0x0];
	[tilespmem:v21+s20+$0x0] =	vst.idx.msk $0xffff, v20  }
0x14d: {  	v21 =	vadd.s32 v2, v5;
	[tilespmem:v16+s20+$0x0] =	vst.idx.msk $0xffff, v15;
	v20 =	vld [tilespmem:s9+$0x20]  }
0x14e: {  	[tilespmem:v14+s20+$0x0] =	vst.idx.msk $0xffff, v11;
	v11 =	vld [tilespmem:s1+$0x50];
	v14 =	vadd.s32 v1, v8  }
0x14f: {  	v26 =	vadd.s32 v1, v4;
	v25 =	vld [tilespmem:s1+$0xFFFFFF90];
	[tilespmem:v13+s20+$0x0] =	vst.idx.msk $0xffff, v10  }
0x150: {  	[tilespmem:v22+s20+$0x0] =	vst.idx.msk $0xffff, v19;
	v19 =	vld [tilespmem:s9+$0xFFFFFFF0];
	v22 =	vadd.s32 v3, v7;
	v7 =	vmov v9  }
.Ltmp4:
0x151: {  	v17 =	vld [tilespmem:s1+$0xFFFFFFD0];
	v18 =	vadd.s32 v1, v7;
	[tilespmem:v24+s20+$0x0] =	vst.idx.msk $0xffff, v23;
	(pc) =	sbr.rel @p1 .LBB2_11-.Ltmp4, $4  }
0x152: {  	v16 =	vadd.s32 v1, v12;
	v15 =	vld [tilespmem:s1+$0x10];
	[tilespmem:v21+s20+$0x0] =	vst.idx.msk $0xffff, v20  }
0x153: {  	[tilespmem:v14+s20+$0x0] =	vst.idx.msk $0xffff, v11;
	v11 =	vld [tilespmem:s9+$0x30];
	v14 =	vadd.s32 v3, v5;
	v5 =	vmov v12  }
0x154: {  	v12 =	vadd.s32 v2, v8;
	[tilespmem:v26+s20+$0x0] =	vst.idx.msk $0xffff, v25;
	v9 =	vld [tilespmem:s1+$0x60]  }
0x155: {  	s7 =	sadd.s32 $0x4, s7;
	s10 =	sadd.s32 $0x3, s5;
	v13 =	vadd.s32 v2, v4;
	v10 =	vld [tilespmem:s1+$0xFFFFFFA0];
	[tilespmem:v22+s20+$0x0] =	vst.idx.msk $0xffff, v19  }
0x156: {  	_ =	sdelay $0x2  }
0x157: {  	v19 =	vmov s10  }
0x158: {  	s31 =	sadd.s32 $0x1, s5;
	[tilespmem:v18+s20+$0x0] =	vst.idx.msk $0xffff, v17;
	v30 =	vld [tilespmem:s9+$0xFFFFFFB0];
	v6 =	vadd.s32 v3, v6;
	s7 =	sadd.s32 $0x100, s1;
	v21 =	vmov s5;
	v31 =	vand.u32 $0x7F, v19  }
0x159: {  	v32 =	vmov s31;
	s31 =	sadd.s32 $0x2, s5;
	[tilespmem:v16+s20+$0x0] =	vst.idx.msk $0xffff, v15;
	v33 =	vld [tilespmem:s7+$0x40];
	v21 =	vand.u32 $0x7C, v21;
	v34 =	vadd.s32 v0, v31  }
0x15a: {  	v22 =	vld [tilespmem:s7+$0xFFFFFF80];
	v19 =	vand.u32 $0x7D, v32;
	v20 =	vmov s31;
	[tilespmem:v14+s20+$0x0] =	vst.idx.msk $0xffff, v11;
	v39 =	vadd.s32 v0, v21  }
0x15b: {  	v35 =	vld [tilespmem:s7+$0xFFFFFFC0];
	v36 =	vadd.s32 v0, v19;
	v20 =	vand.u32 $0x7E, v20;
	[tilespmem:v12+s20+$0x0] =	vst.idx.msk $0xffff, v9  }
0x15c: {  	v37 =	vld [tilespmem:s7+$0x0];
	v38 =	vadd.s32 v0, v20;
	[tilespmem:v13+s20+$0x0] =	vst.idx.msk $0xffff, v10  }
0x15d: {  	v41 =	vadd.s32 v2, v7;
	v40 =	vld [tilespmem:s1+$0xFFFFFFE0];
	[tilespmem:v6+s20+$0x0] =	vst.idx.msk $0xffff, v30  }
0x15e: {  	v49 =	vadd.s32 v2, v5;
	v48 =	vld [tilespmem:s1+$0x20];
	[tilespmem:v34+s20+$0x0] =	vst.idx.msk $0xffff, v33  }
0x15f: {  	v43 =	vadd.s32 v1, v31;
	[tilespmem:v39+s20+$0x0] =	vst.idx.msk $0xffff, v22;
	v15 =	vld [tilespmem:s7+$0x50]  }
0x160: {  	v47 =	vadd.s32 v1, v21;
	[tilespmem:v36+s20+$0x0] =	vst.idx.msk $0xffff, v35;
	v46 =	vld [tilespmem:s7+$0xFFFFFF90]  }
0x161: {  	v44 =	vadd.s32 v1, v19;
	v11 =	vld [tilespmem:s7+$0xFFFFFFD0];
	[tilespmem:v38+s20+$0x0] =	vst.idx.msk $0xffff, v37  }
0x162: {  	v45 =	vadd.s32 v1, v20;
	[tilespmem:v41+s20+$0x0] =	vst.idx.msk $0xffff, v40;
	v9 =	vld [tilespmem:s7+$0x10]  }
0x163: {  	v8 =	vadd.s32 v3, v8;
	v42 =	vld [tilespmem:s1+$0x70];
	[tilespmem:v49+s20+$0x0] =	vst.idx.msk $0xffff, v48  }
0x164: {  	v5 =	vadd.s32 v3, v5;
	v13 =	vld [tilespmem:s1+$0x30];
	[tilespmem:v43+s20+$0x0] =	vst.idx.msk $0xffff, v15  }
0x165: {  	v52 =	vadd.s32 v2, v31;
	[tilespmem:v47+s20+$0x0] =	vst.idx.msk $0xffff, v46;
	v15 =	vld [tilespmem:s7+$0x60]  }
0x166: {  	v57 =	vadd.s32 v2, v21;
	[tilespmem:v44+s20+$0x0] =	vst.idx.msk $0xffff, v11;
	v56 =	vld [tilespmem:s7+$0xFFFFFFA0]  }
0x167: {  	v53 =	vadd.s32 v2, v19;
	v11 =	vld [tilespmem:s7+$0xFFFFFFE0];
	[tilespmem:v45+s20+$0x0] =	vst.idx.msk $0xffff, v9  }
0x168: {  	v55 =	vadd.s32 v2, v20;
	[tilespmem:v8+s20+$0x0] =	vst.idx.msk $0xffff, v42;
	v54 =	vld [tilespmem:s7+$0x20]  }
0x169: {  	v4 =	vadd.s32 v3, v4;
	v58 =	vld [tilespmem:s1+$0xFFFFFFB0];
	[tilespmem:v5+s20+$0x0] =	vst.idx.msk $0xffff, v13  }
0x16a: {  	v51 =	vadd.s32 v3, v7;
	v50 =	vld [tilespmem:s1+$0xFFFFFFF0];
	[tilespmem:v52+s20+$0x0] =	vst.idx.msk $0xffff, v15  }
0x16b: {  	v60 =	vadd.s32 v3, v31;
	[tilespmem:v57+s20+$0x0] =	vst.idx.msk $0xffff, v56;
	v59 =	vld [tilespmem:s7+$0x70]  }
0x16c: {  	v63 =	vadd.s32 v3, v21;
	[tilespmem:v53+s20+$0x0] =	vst.idx.msk $0xffff, v11;
	v5 =	vld [tilespmem:s7+$0xFFFFFFB0]  }
0x16d: {  	v61 =	vadd.s32 v3, v19;
	v11 =	vld [tilespmem:s7+$0xFFFFFFF0];
	[tilespmem:v55+s20+$0x0] =	vst.idx.msk $0xffff, v54  }
0x16e: {  	v62 =	vadd.s32 v3, v20;
	[tilespmem:v4+s20+$0x0] =	vst.idx.msk $0xffff, v58;
	v6 =	vld [tilespmem:s7+$0x30]  }
0x16f: {  	[tilespmem:v51+s20+$0x0] =	vst.idx.msk $0xffff, v50  }
0x170: {  	s0 =	sshll.u32 s0, $0x12;
	[tilespmem:v60+s20+$0x0] =	vst.idx.msk $0xffff, v59  }
0x171: {  	s0 =	sor.u32 s6, s0;
	[tilespmem:v63+s20+$0x0] =	vst.idx.msk $0xffff, v5  }
0x172: {  	s0 =	sshrl.u32 s0, $0x3;
	[tilespmem:v61+s20+$0x0] =	vst.idx.msk $0xffff, v11  }
0x173: {  	s5 =	simm.s32 $0xF600;
	s1 =	sadd.s32 s2, s0;
	[tilespmem:v62+s20+$0x0] =	vst.idx.msk $0xffff, v6  }
0x174: {  	[hbm4b:s1+s3] =	stream.linear.scatter [tilespmem:s5], [sflag:$0x7], $0x80, $0x38;
	[tilespmem:$0x13A00] =	vst v63  }
0x175: {  	s9 =	sadd.s32 $0x10, s1;
	s7 =	simm.s32 $0xF688  }
0x176: {  	[hbm4b:s9+s3] =	stream.linear.scatter [tilespmem:s7], [sflag:$0x7], $0x80, $0x38;
	[tilespmem:$0x13A00] =	vst v63  }
0x177: {  	s10 =	simm.s32 $0xF710;
	s0 =	simm.s32 $0x440;
	s31 =	sadd.s32 $0x20, s1  }
0x178: {  	[hbm4b:s31+s3] =	stream.linear.scatter [tilespmem:s10], [sflag:$0x7], $0x80, $0x38;
	[tilespmem:$0x13A00] =	vst v63  }
0x179: {  	s5 =	simm.s32 $0x2200;
	s7 =	simm.s32 $0xF798;
	s9 =	sadd.s32 $0x30, s1  }
0x17a: {  	[hbm4b:s9+s3] =	stream.linear.scatter [tilespmem:s7], [sflag:$0x7], $0x80, $0x38;
	[tilespmem:$0x13A00] =	vst v63  }
0x17b: {  	s10 =	simm.s32 $0xF820;
	s31 =	sadd.s32 $0x40, s1;
	s7 =	simm.s32 $0xF8A8  }
0x17c: {  	[hbm4b:s31+s3] =	stream.linear.scatter [tilespmem:s10], [sflag:$0x7], $0x80, $0x38;
	[tilespmem:$0x13A00] =	vst v63  }
0x17d: {  	s9 =	sadd.s32 $0x50, s1;
	s10 =	simm.s32 $0xF930;
	s31 =	sadd.s32 $0x60, s1  }
0x17e: {  	[hbm4b:s9+s3] =	stream.linear.scatter [tilespmem:s7], [sflag:$0x7], $0x80, $0x38;
	[tilespmem:$0x13A00] =	vst v63  }
0x17f: {  	s7 =	simm.s32 $0xF9B8;
	s9 =	sadd.s32 $0x70, s1;
	s1 =	sadd.s32 $0x1000, s1  }
0x180: {  	[hbm4b:s31+s3] =	stream.linear.scatter [tilespmem:s10], [sflag:$0x7], $0x80, $0x38;
	[tilespmem:$0x13A00] =	vst v63  }
.LBB2_13:
0x181: {  	[hbm4b:s9+s3] =	stream.linear.scatter [tilespmem:s7], [sflag:$0x7], $0x80, $0x38;
	[tilespmem:$0x13A00] =	vst v63  }
0x182: {  	s7 =	smov.u32 s0;
	s0 =	smov.u32 s5  }
0x183: {  	s10 =	sadd.s32 $0x1100, s5;
	s0 =	sshra.s32 s0, $0x2;
	s9 =	sadd.s32 $0xF600, s7  }
0x184: {  	[hbm4b:s1+s3] =	stream.linear.scatter [tilespmem:s9], [sflag:$0x7], $0x80, $0x38;
	[tilespmem:$0x13A00] =	vst v63  }
0x185: {  	p1 =	sne.s32 s5, $0x7700;
	s5 =	sadd.s32 $0xF688, s7;
	s9 =	sadd.s32 $0x10, s1  }
0x186: {  	[hbm4b:s9+s3] =	stream.linear.scatter [tilespmem:s5], [sflag:$0x7], $0x80, $0x38;
	[tilespmem:$0x13A00] =	vst v63  }
0x187: {  	s5 =	sadd.s32 $0xF710, s7;
	s9 =	sadd.s32 $0x20, s1  }
0x188: {  	[hbm4b:s9+s3] =	stream.linear.scatter [tilespmem:s5], [sflag:$0x7], $0x80, $0x38;
	[tilespmem:$0x13A00] =	vst v63  }
0x189: {  	s5 =	sadd.s32 $0xF798, s7;
	s9 =	sadd.s32 $0x30, s1  }
0x18a: {  	[hbm4b:s9+s3] =	stream.linear.scatter [tilespmem:s5], [sflag:$0x7], $0x80, $0x38;
	[tilespmem:$0x13A00] =	vst v63  }
0x18b: {  	s5 =	sadd.s32 $0xF820, s7;
	s9 =	sadd.s32 $0x40, s1  }
0x18c: {  	[hbm4b:s9+s3] =	stream.linear.scatter [tilespmem:s5], [sflag:$0x7], $0x80, $0x38;
	[tilespmem:$0x13A00] =	vst v63  }
.Ltmp5:
0x18d: {  	s5 =	sadd.s32 $0xF8A8, s7;
	s9 =	sadd.s32 $0x50, s1;
	(pc) =	sbr.rel @p1 .LBB2_13-.Ltmp5, $4  }
0x18e: {  	[hbm4b:s9+s3] =	stream.linear.scatter [tilespmem:s5], [sflag:$0x7], $0x80, $0x38;
	[tilespmem:$0x13A00] =	vst v63  }
0x18f: {  	s5 =	sadd.s32 $0xF930, s7;
	s9 =	sadd.s32 $0x60, s1;
	s7 =	sadd.s32 $0xF9B8, s7  }
0x190: {  	[hbm4b:s9+s3] =	stream.linear.scatter [tilespmem:s5], [sflag:$0x7], $0x80, $0x38;
	[tilespmem:$0x13A00] =	vst v63  }
0x191: {  	s9 =	sadd.s32 $0x70, s1;
	s1 =	sadd.s32 $0x1000, s1;
	s5 =	smov.u32 s10  }
0x192: {  	[hbm4b:s9+s3] =	stream.linear.scatter [tilespmem:s7], [sflag:$0x7], $0x80, $0x38;
	[tilespmem:$0x13A00] =	vst v63  }
0x193: {  	s5 =	sadd.s32 $0xF600, s0  }
0x194: {  	[hbm4b:s1+s3] =	stream.linear.scatter [tilespmem:s5], [sflag:$0x7], $0x80, $0x38;
	[tilespmem:$0x13A00] =	vst v63  }
0x195: {  	s10 =	sadd.s32 $0xF688, s0;
	s31 =	sadd.s32 $0x10, s1  }
0x196: {  	[hbm4b:s31+s3] =	stream.linear.scatter [tilespmem:s10], [sflag:$0x7], $0x80, $0x38;
	[tilespmem:$0x13A00] =	vst v63  }
0x197: {  	s7 =	sadd.s32 $0xF710, s0;
	s9 =	sadd.s32 $0x20, s1  }
0x198: {  	[hbm4b:s9+s3] =	stream.linear.scatter [tilespmem:s7], [sflag:$0x7], $0x80, $0x38;
	[tilespmem:$0x13A00] =	vst v63  }
0x199: {  	s10 =	sadd.s32 $0xF798, s0;
	s31 =	sadd.s32 $0x30, s1  }
0x19a: {  	[hbm4b:s31+s3] =	stream.linear.scatter [tilespmem:s10], [sflag:$0x7], $0x80, $0x38;
	[tilespmem:$0x13A00] =	vst v63  }
0x19b: {  	s7 =	sadd.s32 $0xF820, s0;
	s9 =	sadd.s32 $0x40, s1  }
0x19c: {  	[hbm4b:s9+s3] =	stream.linear.scatter [tilespmem:s7], [sflag:$0x7], $0x80, $0x38;
	[tilespmem:$0x13A00] =	vst v63  }
0x19d: {  	p1 =	sne.s32 s29, $0x18;
	s10 =	sadd.s32 $0xF8A8, s0;
	s31 =	sadd.s32 $0x50, s1  }
0x19e: {  	[hbm4b:s31+s3] =	stream.linear.scatter [tilespmem:s10], [sflag:$0x7], $0x80, $0x38;
	[tilespmem:$0x13A00] =	vst v63  }
.Ltmp6:
0x19f: {  	_ = 	snop;
	(pc) =	sbr.rel @p1 .LBB2_16-.Ltmp6, $4  }
0x1a0: {  	s7 =	sadd.s32 $0xF930, s0;
	s9 =	sadd.s32 $0x60, s1  }
0x1a1: {  	[hbm4b:s9+s3] =	stream.linear.scatter [tilespmem:s7], [sflag:$0x7], $0x80, $0x38;
	[tilespmem:$0x13A00] =	vst v63  }
0x1a2: {  	s10 =	sadd.s32 $0xF9B8, s0;
	s31 =	sadd.s32 $0x70, s1  }
0x1a3: {  	[hbm4b:s31+s3] =	stream.linear.scatter [tilespmem:s10], [sflag:$0x7], $0x80, $0x38;
	[tilespmem:$0x13A00] =	vst v63  }
.Ltmp7:
0x1a4: {  	(pc) =	sbr.rel .LBB2_17-.Ltmp7, $4  }
0x1a5: {  	_ = 	snop  }
0x1a6: {  	_ =	swait.ge [sflag:s21], $0x2000  }
0x1a7: {  	[sflag:s21] =	ssyncset.done $0x0  }
0x1a8: {  	[sflag:s21] =	ssyncadd.s32 $0xFFFFE000  }
.LBB2_16:
0x1a9: {  	s0 =	sshll.u32 s29, $0x9  }
0x1aa: {  	s0 =	sand.u32 $0x3FFFFE00, s0  }
.Ltmp8:
0x1ab: {  	s0 =	sadd.s32 $0x200, s0;
	(pc) =	sbr.rel @p0 .LBB2_18-.Ltmp8, $4  }
0x1ac: {  	[tilespmem:s11], [sflag:$0x1] =	stream.indirect.gather [hbm4b:s4+s8], $0x40, s0, s8, $0xb8;
	[tilespmem:$0x13A00] =	vst v63  }
0x1ad: {  	_ =	swait.ge [sflag:s21], $0x2000  }
0x1ae: {  	[sflag:s21] =	ssyncset.done $0x0  }
0x1af: {  	[sflag:s21] =	ssyncadd.s32 $0xFFFFE000  }
.LBB2_17:
0x1b0: {  	_ =	swait.ge [sflag:s22], $0x2000  }
0x1b1: {  	[sflag:s22] =	ssyncset.done $0x0  }
0x1b2: {  	[sflag:s22] =	ssyncadd.s32 $0xFFFFE000  }
.LBB2_18:
0x1b3: {  	s0 =	simm.s32 $0x3  }
0x1b4: {  	s31 =	simm.s32 $0x0;
	v4 =	vmov s0  }
0x1b5: {  	s1 =	simm.s32 $0x9280;
	v5 =	vand.u32 $0x7F, v4;
	v4 =	vmov s31  }
0x1b6: {  	s5 =	simm.s32 $0x1;
	v7 =	vld [tilespmem:s1+$0x40];
	v8 =	vadd.s32 v0, v5;
	v6 =	vand.u32 $0x7C, v4  }
0x1b7: {  	v9 =	vld [tilespmem:s1+$0xFFFFFF80];
	v4 =	vmov s5;
	v10 =	vadd.s32 v0, v6  }
0x1b8: {  	s7 =	simm.s32 $0x2;
	v11 =	vand.u32 $0x7D, v4  }
0x1b9: {  	v13 =	vmov s7;
	v4 =	vld [tilespmem:s1+$0xFFFFFFC0];
	v12 =	vadd.s32 v0, v11  }
0x1ba: {  	v13 =	vand.u32 $0x7E, v13  }
0x1bb: {  	v14 =	vld [tilespmem:s1+$0x0];
	v15 =	vadd.s32 v0, v13;
	[tilespmem:v8+s23+$0x0] =	vst.idx.msk $0xffff, v7  }
0x1bc: {  	v8 =	vadd.s32 v1, v5;
	v7 =	vld [tilespmem:s1+$0x50];
	[tilespmem:v10+s23+$0x0] =	vst.idx.msk $0xffff, v9  }
0x1bd: {  	v10 =	vadd.s32 v1, v6;
	v9 =	vld [tilespmem:s1+$0xFFFFFF90]  }
0x1be: {  	[tilespmem:v12+s23+$0x0] =	vst.idx.msk $0xffff, v4  }
0x1bf: {  	v12 =	vadd.s32 v1, v11;
	v4 =	vld [tilespmem:s1+$0xFFFFFFD0]  }
0x1c0: {  	[tilespmem:v15+s23+$0x0] =	vst.idx.msk $0xffff, v14  }
0x1c1: {  	s9 =	simm.s32 $0x7;
	v16 =	vadd.s32 v1, v13;
	v15 =	vld [tilespmem:s1+$0x10];
	[tilespmem:v8+s23+$0x0] =	vst.idx.msk $0xffff, v7  }
0x1c2: {  	v14 =	vadd.s32 v2, v5;
	v8 =	vmov s9;
	v7 =	vld [tilespmem:s1+$0x60];
	[tilespmem:v10+s23+$0x0] =	vst.idx.msk $0xffff, v9  }
0x1c3: {  	s0 =	simm.s32 $0x9380;
	v10 =	vadd.s32 v2, v6;
	v8 =	vand.u32 $0x7F, v8;
	v9 =	vld [tilespmem:s1+$0xFFFFFFA0]  }
0x1c4: {  	v18 =	vld [tilespmem:s0+$0x40];
	s5 =	simm.s32 $0x4;
	[tilespmem:v12+s23+$0x0] =	vst.idx.msk $0xffff, v4;
	v19 =	vadd.s32 v0, v8  }
0x1c5: {  	s10 =	simm.s32 $0x5;
	v17 =	vadd.s32 v2, v11;
	v4 =	vmov s5;
	v12 =	vld [tilespmem:s1+$0xFFFFFFE0]  }
0x1c6: {  	v22 =	vmov s10;
	s31 =	simm.s32 $0x6;
	[tilespmem:v16+s23+$0x0] =	vst.idx.msk $0xffff, v15;
	v4 =	vand.u32 $0x7C, v4  }
0x1c7: {  	v20 =	vld [tilespmem:s0+$0xFFFFFF80];
	v21 =	vadd.s32 v0, v4;
	[tilespmem:v14+s23+$0x0] =	vst.idx.msk $0xffff, v7;
	v7 =	vand.u32 $0x7D, v22;
	v14 =	vmov s31  }
0x1c8: {  	v16 =	vadd.s32 v3, v5;
	[tilespmem:v10+s23+$0x0] =	vst.idx.msk $0xffff, v9;
	v9 =	vld [tilespmem:s0+$0xFFFFFFC0];
	v10 =	vadd.s32 v0, v7;
	v5 =	vand.u32 $0x7E, v14  }
0x1c9: {  	v14 =	vld [tilespmem:s0+$0x0];
	[tilespmem:v19+s23+$0x0] =	vst.idx.msk $0xffff, v18;
	v63 =	vadd.s32 v0, v5  }
0x1ca: {  	v18 =	vadd.s32 v2, v13;
	[tilespmem:v17+s23+$0x0] =	vst.idx.msk $0xffff, v12;
	v12 =	vld [tilespmem:s1+$0x20]  }
0x1cb: {  	v15 =	vld [tilespmem:s1+$0x70]  }
0x1cc: {  	v19 =	vld [tilespmem:s0+$0x50];
	[tilespmem:v21+s23+$0x0] =	vst.idx.msk $0xffff, v20;
	v20 =	vadd.s32 v1, v8  }
0x1cd: {  	v23 =	vadd.s32 v1, v4;
	v21 =	vld [tilespmem:s0+$0xFFFFFF90];
	[tilespmem:v10+s23+$0x0] =	vst.idx.msk $0xffff, v9  }
0x1ce: {  	v25 =	vadd.s32 v3, v11;
	v24 =	vld [tilespmem:s1+$0xFFFFFFF0];
	[tilespmem:v63+s23+$0x0] =	vst.idx.msk $0xffff, v14  }
0x1cf: {  	v17 =	vld [tilespmem:s0+$0xFFFFFFD0];
	[tilespmem:v18+s23+$0x0] =	vst.idx.msk $0xffff, v12;
	v18 =	vadd.s32 v1, v7  }
0x1d0: {  	[tilespmem:v16+s23+$0x0] =	vst.idx.msk $0xffff, v15;
	v16 =	vadd.s32 v1, v5;
	v15 =	vld [tilespmem:s0+$0x10]  }
0x1d1: {  	v14 =	vadd.s32 v3, v13;
	[tilespmem:v20+s23+$0x0] =	vst.idx.msk $0xffff, v19;
	v11 =	vld [tilespmem:s1+$0x30]  }
0x1d2: {  	v12 =	vadd.s32 v2, v8;
	[tilespmem:v23+s23+$0x0] =	vst.idx.msk $0xffff, v21;
	v9 =	vld [tilespmem:s0+$0x60]  }
0x1d3: {  	s7 =	simm.s32 $0xC;
	s9 =	simm.s32 $0xB;
	s5 =	simm.s32 $0x8;
	v13 =	vadd.s32 v2, v4;
	[tilespmem:v25+s23+$0x0] =	vst.idx.msk $0xffff, v24;
	v10 =	vld [tilespmem:s0+$0xFFFFFFA0]  }
.LBB2_19:
0x1d4: {  	p0 =	slt.u32 s7, $0x7C;
	v19 =	vmov s9;
	[tilespmem:v18+s23+$0x0] =	vst.idx.msk $0xffff, v17;
	v17 =	vld [tilespmem:s1+$0xFFFFFFB0];
	v18 =	vadd.s32 v3, v6;
	v6 =	vmov v4;
	s1 =	smov.u32 s0  }
0x1d5: {  	v4 =	vmov s5;
	v21 =	vadd.s32 v2, v7;
	s0 =	sadd.s32 $0x100, s0;
	v19 =	vand.u32 $0x7F, v19;
	v20 =	vld [tilespmem:s1+$0xFFFFFFE0];
	[tilespmem:v16+s23+$0x0] =	vst.idx.msk $0xffff, v15  }
0x1d6: {  	s9 =	sadd.s32 $0x1, s5;
	v4 =	vand.u32 $0x7C, v4;
	v15 =	vld [tilespmem:s0+$0x40];
	v16 =	vadd.s32 v0, v19;
	[tilespmem:v14+s23+$0x0] =	vst.idx.msk $0xffff, v11  }
0x1d7: {  	v22 =	vmov s9;
	s9 =	sadd.s32 $0x2, s5;
	s5 =	smov.u32 s7;
	v14 =	vadd.s32 v0, v4;
	v11 =	vld [tilespmem:s0+$0xFFFFFF80];
	[tilespmem:v12+s23+$0x0] =	vst.idx.msk $0xffff, v9  }
0x1d8: {  	v9 =	vand.u32 $0x7D, v22;
	v12 =	vmov s9;
	[tilespmem:v13+s23+$0x0] =	vst.idx.msk $0xffff, v10;
	v10 =	vld [tilespmem:s1+$0x70];
	v13 =	vadd.s32 v3, v8;
	v8 =	vmovc v19  }
0x1d9: {  	v22 =	vadd.s32 v0, v9;
	v12 =	vand.u32 $0x7E, v12;
	v19 =	vld [tilespmem:s0+$0xFFFFFFC0];
	[tilespmem:v18+s23+$0x0] =	vst.idx.msk $0xffff, v17  }
0x1da: {  	v24 =	vadd.s32 v0, v12;
	v23 =	vld [tilespmem:s0+$0x0];
	[tilespmem:v21+s23+$0x0] =	vst.idx.msk $0xffff, v20  }
0x1db: {  	v21 =	vadd.s32 v2, v5;
	[tilespmem:v16+s23+$0x0] =	vst.idx.msk $0xffff, v15;
	v20 =	vld [tilespmem:s1+$0x20]  }
0x1dc: {  	[tilespmem:v14+s23+$0x0] =	vst.idx.msk $0xffff, v11;
	v11 =	vld [tilespmem:s0+$0x50];
	v14 =	vadd.s32 v1, v8  }
0x1dd: {  	v26 =	vadd.s32 v1, v4;
	v25 =	vld [tilespmem:s0+$0xFFFFFF90];
	[tilespmem:v13+s23+$0x0] =	vst.idx.msk $0xffff, v10  }
0x1de: {  	[tilespmem:v22+s23+$0x0] =	vst.idx.msk $0xffff, v19;
	v19 =	vld [tilespmem:s1+$0xFFFFFFF0];
	v22 =	vadd.s32 v3, v7;
	v7 =	vmov v9  }
.Ltmp9:
0x1df: {  	v17 =	vld [tilespmem:s0+$0xFFFFFFD0];
	v18 =	vadd.s32 v1, v7;
	[tilespmem:v24+s23+$0x0] =	vst.idx.msk $0xffff, v23;
	(pc) =	sbr.rel @p0 .LBB2_19-.Ltmp9, $4  }
0x1e0: {  	v16 =	vadd.s32 v1, v12;
	v15 =	vld [tilespmem:s0+$0x10];
	[tilespmem:v21+s23+$0x0] =	vst.idx.msk $0xffff, v20  }
0x1e1: {  	[tilespmem:v14+s23+$0x0] =	vst.idx.msk $0xffff, v11;
	v11 =	vld [tilespmem:s1+$0x30];
	v14 =	vadd.s32 v3, v5;
	v5 =	vmov v12  }
0x1e2: {  	v12 =	vadd.s32 v2, v8;
	[tilespmem:v26+s23+$0x0] =	vst.idx.msk $0xffff, v25;
	v9 =	vld [tilespmem:s0+$0x60]  }
0x1e3: {  	s7 =	sadd.s32 $0x4, s7;
	s9 =	sadd.s32 $0x3, s5;
	v13 =	vadd.s32 v2, v4;
	v10 =	vld [tilespmem:s0+$0xFFFFFFA0];
	[tilespmem:v22+s23+$0x0] =	vst.idx.msk $0xffff, v19  }
0x1e4: {  	_ =	sdelay $0x2  }
0x1e5: {  	v19 =	vmov s9  }
0x1e6: {  	s7 =	sadd.s32 $0x1, s5;
	[tilespmem:v18+s23+$0x0] =	vst.idx.msk $0xffff, v17;
	v30 =	vld [tilespmem:s1+$0xFFFFFFB0];
	v6 =	vadd.s32 v3, v6;
	s9 =	sadd.s32 $0x100, s0;
	v21 =	vmov s5;
	v31 =	vand.u32 $0x7F, v19  }
0x1e7: {  	s10 =	sadd.s32 $0x2, s5;
	v32 =	vmov s7;
	[tilespmem:v16+s23+$0x0] =	vst.idx.msk $0xffff, v15;
	v33 =	vld [tilespmem:s9+$0x40];
	v21 =	vand.u32 $0x7C, v21;
	v34 =	vadd.s32 v0, v31  }
0x1e8: {  	v20 =	vmov s10;
	v22 =	vld [tilespmem:s9+$0xFFFFFF80];
	v19 =	vand.u32 $0x7D, v32;
	[tilespmem:v14+s23+$0x0] =	vst.idx.msk $0xffff, v11;
	v39 =	vadd.s32 v0, v21  }
0x1e9: {  	v35 =	vld [tilespmem:s9+$0xFFFFFFC0];
	v20 =	vand.u32 $0x7E, v20;
	v36 =	vadd.s32 v0, v19;
	[tilespmem:v12+s23+$0x0] =	vst.idx.msk $0xffff, v9  }
0x1ea: {  	v37 =	vld [tilespmem:s9+$0x0];
	v38 =	vadd.s32 v0, v20;
	[tilespmem:v13+s23+$0x0] =	vst.idx.msk $0xffff, v10  }
0x1eb: {  	v41 =	vadd.s32 v2, v7;
	v40 =	vld [tilespmem:s0+$0xFFFFFFE0];
	[tilespmem:v6+s23+$0x0] =	vst.idx.msk $0xffff, v30  }
0x1ec: {  	v49 =	vadd.s32 v2, v5;
	v48 =	vld [tilespmem:s0+$0x20];
	[tilespmem:v34+s23+$0x0] =	vst.idx.msk $0xffff, v33  }
0x1ed: {  	v43 =	vadd.s32 v1, v31;
	[tilespmem:v39+s23+$0x0] =	vst.idx.msk $0xffff, v22;
	v15 =	vld [tilespmem:s9+$0x50]  }
0x1ee: {  	v47 =	vadd.s32 v1, v21;
	[tilespmem:v36+s23+$0x0] =	vst.idx.msk $0xffff, v35;
	v46 =	vld [tilespmem:s9+$0xFFFFFF90]  }
0x1ef: {  	v44 =	vadd.s32 v1, v19;
	[tilespmem:v38+s23+$0x0] =	vst.idx.msk $0xffff, v37;
	v11 =	vld [tilespmem:s9+$0xFFFFFFD0]  }
0x1f0: {  	v45 =	vadd.s32 v1, v20;
	[tilespmem:v41+s23+$0x0] =	vst.idx.msk $0xffff, v40;
	v9 =	vld [tilespmem:s9+$0x10]  }
0x1f1: {  	v8 =	vadd.s32 v3, v8;
	v42 =	vld [tilespmem:s0+$0x70];
	[tilespmem:v49+s23+$0x0] =	vst.idx.msk $0xffff, v48  }
0x1f2: {  	v5 =	vadd.s32 v3, v5;
	v13 =	vld [tilespmem:s0+$0x30];
	[tilespmem:v43+s23+$0x0] =	vst.idx.msk $0xffff, v15  }
0x1f3: {  	v52 =	vadd.s32 v2, v31;
	[tilespmem:v47+s23+$0x0] =	vst.idx.msk $0xffff, v46;
	v15 =	vld [tilespmem:s9+$0x60]  }
0x1f4: {  	v57 =	vadd.s32 v2, v21;
	[tilespmem:v44+s23+$0x0] =	vst.idx.msk $0xffff, v11;
	v56 =	vld [tilespmem:s9+$0xFFFFFFA0]  }
0x1f5: {  	v53 =	vadd.s32 v2, v19;
	[tilespmem:v45+s23+$0x0] =	vst.idx.msk $0xffff, v9;
	v11 =	vld [tilespmem:s9+$0xFFFFFFE0]  }
0x1f6: {  	v55 =	vadd.s32 v2, v20;
	[tilespmem:v8+s23+$0x0] =	vst.idx.msk $0xffff, v42;
	v54 =	vld [tilespmem:s9+$0x20]  }
0x1f7: {  	v4 =	vadd.s32 v3, v4;
	v58 =	vld [tilespmem:s0+$0xFFFFFFB0];
	[tilespmem:v5+s23+$0x0] =	vst.idx.msk $0xffff, v13  }
0x1f8: {  	v51 =	vadd.s32 v3, v7;
	v50 =	vld [tilespmem:s0+$0xFFFFFFF0];
	[tilespmem:v52+s23+$0x0] =	vst.idx.msk $0xffff, v15  }
0x1f9: {  	v60 =	vadd.s32 v3, v31;
	[tilespmem:v57+s23+$0x0] =	vst.idx.msk $0xffff, v56;
	v59 =	vld [tilespmem:s9+$0x70]  }
0x1fa: {  	v63 =	vadd.s32 v3, v21;
	[tilespmem:v53+s23+$0x0] =	vst.idx.msk $0xffff, v11;
	v5 =	vld [tilespmem:s9+$0xFFFFFFB0]  }
0x1fb: {  	v61 =	vadd.s32 v3, v19;
	[tilespmem:v55+s23+$0x0] =	vst.idx.msk $0xffff, v54;
	v11 =	vld [tilespmem:s9+$0xFFFFFFF0]  }
0x1fc: {  	v62 =	vadd.s32 v3, v20;
	[tilespmem:v4+s23+$0x0] =	vst.idx.msk $0xffff, v58;
	v6 =	vld [tilespmem:s9+$0x30]  }
0x1fd: {  	[tilespmem:v51+s23+$0x0] =	vst.idx.msk $0xffff, v50  }
0x1fe: {  	s30 =	sshll.u32 s30, $0x12;
	[tilespmem:v60+s23+$0x0] =	vst.idx.msk $0xffff, v59  }
0x1ff: {  	s0 =	sor.u32 s6, s30;
	[tilespmem:v63+s23+$0x0] =	vst.idx.msk $0xffff, v5  }
0x200: {  	s0 =	sshrl.u32 s0, $0x3;
	[tilespmem:v61+s23+$0x0] =	vst.idx.msk $0xffff, v11  }
0x201: {  	s31 =	simm.s32 $0x11800;
	s1 =	sadd.s32 s2, s0;
	[tilespmem:v62+s23+$0x0] =	vst.idx.msk $0xffff, v6  }
0x202: {  	[hbm4b:s1+s3] =	stream.linear.scatter [tilespmem:s31], [sflag:$0x8], $0x80, $0x38;
	[tilespmem:$0x13A00] =	vst v63  }
0x203: {  	s5 =	simm.s32 $0x11888;
	s7 =	sadd.s32 $0x10, s1  }
0x204: {  	[hbm4b:s7+s3] =	stream.linear.scatter [tilespmem:s5], [sflag:$0x8], $0x80, $0x38;
	[tilespmem:$0x13A00] =	vst v63  }
0x205: {  	s30 =	simm.s32 $0x11998;
	s10 =	sadd.s32 $0x20, s1;
	s9 =	simm.s32 $0x11910  }
0x206: {  	[hbm4b:s10+s3] =	stream.linear.scatter [tilespmem:s9], [sflag:$0x8], $0x80, $0x38;
	[tilespmem:$0x13A00] =	vst v63  }
0x207: {  	s0 =	simm.s32 $0x440;
	s31 =	sadd.s32 $0x30, s1;
	s5 =	simm.s32 $0x11A20  }
0x208: {  	[hbm4b:s31+s3] =	stream.linear.scatter [tilespmem:s30], [sflag:$0x8], $0x80, $0x38;
	[tilespmem:$0x13A00] =	vst v63  }
0x209: {  	s7 =	sadd.s32 $0x40, s1;
	s9 =	simm.s32 $0x11AA8;
	s10 =	sadd.s32 $0x50, s1  }
0x20a: {  	[hbm4b:s7+s3] =	stream.linear.scatter [tilespmem:s5], [sflag:$0x8], $0x80, $0x38;
	[tilespmem:$0x13A00] =	vst v63  }
0x20b: {  	s30 =	simm.s32 $0x11B30;
	s31 =	sadd.s32 $0x60, s1;
	s5 =	simm.s32 $0x2200  }
0x20c: {  	[hbm4b:s10+s3] =	stream.linear.scatter [tilespmem:s9], [sflag:$0x8], $0x80, $0x38;
	[tilespmem:$0x13A00] =	vst v63  }
0x20d: {  	s7 =	simm.s32 $0x11BB8;
	s9 =	sadd.s32 $0x70, s1;
	s1 =	sadd.s32 $0x1000, s1  }
0x20e: {  	[hbm4b:s31+s3] =	stream.linear.scatter [tilespmem:s30], [sflag:$0x8], $0x80, $0x38;
	[tilespmem:$0x13A00] =	vst v63  }
.LBB2_21:
0x20f: {  	[hbm4b:s9+s3] =	stream.linear.scatter [tilespmem:s7], [sflag:$0x8], $0x80, $0x38;
	[tilespmem:$0x13A00] =	vst v63  }
0x210: {  	s7 =	smov.u32 s0;
	s0 =	smov.u32 s5  }
0x211: {  	s10 =	sadd.s32 $0x1100, s5;
	s0 =	sshra.s32 s0, $0x2;
	s9 =	sadd.s32 $0x11800, s7  }
0x212: {  	[hbm4b:s1+s3] =	stream.linear.scatter [tilespmem:s9], [sflag:$0x8], $0x80, $0x38;
	[tilespmem:$0x13A00] =	vst v63  }
0x213: {  	p0 =	sne.s32 s5, $0x7700;
	s5 =	sadd.s32 $0x11888, s7;
	s9 =	sadd.s32 $0x10, s1  }
0x214: {  	[hbm4b:s9+s3] =	stream.linear.scatter [tilespmem:s5], [sflag:$0x8], $0x80, $0x38;
	[tilespmem:$0x13A00] =	vst v63  }
0x215: {  	s5 =	sadd.s32 $0x11910, s7;
	s9 =	sadd.s32 $0x20, s1  }
0x216: {  	[hbm4b:s9+s3] =	stream.linear.scatter [tilespmem:s5], [sflag:$0x8], $0x80, $0x38;
	[tilespmem:$0x13A00] =	vst v63  }
0x217: {  	s5 =	sadd.s32 $0x11998, s7;
	s9 =	sadd.s32 $0x30, s1  }
0x218: {  	[hbm4b:s9+s3] =	stream.linear.scatter [tilespmem:s5], [sflag:$0x8], $0x80, $0x38;
	[tilespmem:$0x13A00] =	vst v63  }
0x219: {  	s5 =	sadd.s32 $0x11A20, s7;
	s9 =	sadd.s32 $0x40, s1  }
0x21a: {  	[hbm4b:s9+s3] =	stream.linear.scatter [tilespmem:s5], [sflag:$0x8], $0x80, $0x38;
	[tilespmem:$0x13A00] =	vst v63  }
.Ltmp10:
0x21b: {  	s5 =	sadd.s32 $0x11AA8, s7;
	s9 =	sadd.s32 $0x50, s1;
	(pc) =	sbr.rel @p0 .LBB2_21-.Ltmp10, $4  }
0x21c: {  	[hbm4b:s9+s3] =	stream.linear.scatter [tilespmem:s5], [sflag:$0x8], $0x80, $0x38;
	[tilespmem:$0x13A00] =	vst v63  }
0x21d: {  	s5 =	sadd.s32 $0x11B30, s7;
	s9 =	sadd.s32 $0x60, s1;
	s7 =	sadd.s32 $0x11BB8, s7  }
0x21e: {  	[hbm4b:s9+s3] =	stream.linear.scatter [tilespmem:s5], [sflag:$0x8], $0x80, $0x38;
	[tilespmem:$0x13A00] =	vst v63  }
0x21f: {  	s9 =	sadd.s32 $0x70, s1;
	s1 =	sadd.s32 $0x1000, s1;
	s5 =	smov.u32 s10  }
0x220: {  	[hbm4b:s9+s3] =	stream.linear.scatter [tilespmem:s7], [sflag:$0x8], $0x80, $0x38;
	[tilespmem:$0x13A00] =	vst v63  }
0x221: {  	s5 =	sadd.s32 $0x11800, s0  }
0x222: {  	[hbm4b:s1+s3] =	stream.linear.scatter [tilespmem:s5], [sflag:$0x8], $0x80, $0x38;
	[tilespmem:$0x13A00] =	vst v63  }
0x223: {  	s30 =	sadd.s32 $0x11888, s0;
	s31 =	sadd.s32 $0x10, s1  }
0x224: {  	[hbm4b:s31+s3] =	stream.linear.scatter [tilespmem:s30], [sflag:$0x8], $0x80, $0x38;
	[tilespmem:$0x13A00] =	vst v63  }
0x225: {  	s9 =	sadd.s32 $0x11910, s0;
	s10 =	sadd.s32 $0x20, s1  }
0x226: {  	[hbm4b:s10+s3] =	stream.linear.scatter [tilespmem:s9], [sflag:$0x8], $0x80, $0x38;
	[tilespmem:$0x13A00] =	vst v63  }
0x227: {  	s30 =	sadd.s32 $0x11998, s0;
	s31 =	sadd.s32 $0x30, s1  }
0x228: {  	[hbm4b:s31+s3] =	stream.linear.scatter [tilespmem:s30], [sflag:$0x8], $0x80, $0x38;
	[tilespmem:$0x13A00] =	vst v63  }
0x229: {  	s29 =	sadd.s32 $0x1, s29;
	s9 =	sadd.s32 $0x11A20, s0;
	s10 =	sadd.s32 $0x40, s1  }
0x22a: {  	[hbm4b:s10+s3] =	stream.linear.scatter [tilespmem:s9], [sflag:$0x8], $0x80, $0x38;
	[tilespmem:$0x13A00] =	vst v63  }
0x22b: {  	p0 =	sne.s32 s29, $0x19;
	s30 =	sadd.s32 $0x11AA8, s0;
	s31 =	sadd.s32 $0x50, s1  }
0x22c: {  	[hbm4b:s31+s3] =	stream.linear.scatter [tilespmem:s30], [sflag:$0x8], $0x80, $0x38;
	[tilespmem:$0x13A00] =	vst v63  }
.Ltmp11:
0x22d: {  	_ = 	snop;
	(pc) =	sbr.rel @p0 .LBB2_2-.Ltmp11, $4  }
0x22e: {  	s9 =	sadd.s32 $0x11B30, s0;
	s10 =	sadd.s32 $0x60, s1  }
0x22f: {  	[hbm4b:s10+s3] =	stream.linear.scatter [tilespmem:s9], [sflag:$0x8], $0x80, $0x38;
	[tilespmem:$0x13A00] =	vst v63  }
0x230: {  	s30 =	sadd.s32 $0x11BB8, s0;
	s31 =	sadd.s32 $0x70, s1  }
0x231: {  	[hbm4b:s31+s3] =	stream.linear.scatter [tilespmem:s30], [sflag:$0x8], $0x80, $0x38;
	[tilespmem:$0x13A00] =	vst v63  }
0x232: {  	_ =	swait.ge [sflag:s24], $0x2000  }
0x233: {  	[sflag:s24] =	ssyncset.done $0x0  }
0x234: {  	[sflag:s24] =	ssyncadd.s32 $0xFFFFE000  }
0x235: {  	_ =	swait.ge [sflag:s25], $0x2000  }
0x236: {  	[sflag:s25] =	ssyncset.done $0x0  }
0x237: {  	[sflag:s25] =	ssyncadd.s32 $0xFFFFE000  }
0x238: {  	_ =	swait.ge [sflag:s26], $0x2000  }
0x239: {  	[sflag:s26] =	ssyncset.done $0x0  }
0x23a: {  	[sflag:s26] =	ssyncadd.s32 $0xFFFFE000  }
0x23b: {  	_ =	swait.ge [sflag:s22], $0x2000  }
0x23c: {  	s28 =	sadd.s32 $0x1, s28;
	s0 =	rddreg [dreg:$0x4]  }
0x23d: {  	p0 =	sne.s32 s28, s0  }
.Ltmp12:
0x23e: {  	_ = 	snop;
	(pc) =	sbr.rel @p0 .LBB2_1-.Ltmp12, $3  }
0x23f: {  	_ =	sdelay $0x1  }
0x240: {  	[sflag:s22] =	ssyncset.done $0x0  }
0x241: {  	[sflag:s22] =	ssyncadd.s32 $0xFFFFE000  }
0x242: {  	_ =	sfence.sel $0x180000  }
0x243: {  	[bflag:$0x0] =	sbarrier.arrive $0xFFFF  }
0x244: {  	_ =	strace $0x90000047  }
0x245: {  	s0 =	stileid.u32;
	[bflag:$0x2] =	sbarrier.arrive $0xFFFF  }
0x246: {  	p0 =	sne.s32 s0, $0x0;
	s0 =	rddreg [dreg:$0x2]  }
0x247: {  	s0 =	sadd.s32 @!p0 $0x100000, s0  }
0x248: {  	[sflag:s0] =	ssyncadd.tile.s32 @!p0 $0x1;
	_ =	shalt  }
.Lfunc_end2:
_tile_overlayer_lowered:
.L_overlay_start_2:
0x249: {  	(tag) =	ssettag $0x2  }
0x24a: {  	s0 =	rddreg [dreg:$0x0];
	s2 =	stileid.u32  }
0x24b: {  	s1 =	rddreg [dreg:$0x1];
	p0 =	sne.s32 s2, $0x0  }
0x24c: {  	s3 =	rddreg [dreg:$0x2];
	[bflag:$0x3] =	sbarrier.arrive $0xFFFF;
	s2 =	simm.s32 @!p0 $0x1C09  }
0x24d: {  	[timem:s3], [sflag:s2] =	dma.local @!p0 [hbm:s0], s1  }
0x24e: {  	s0 =	simm.s32 @!p0 $0x9  }
0x24f: {  	_ =	swait.ge @!p0 [sflag:s0], s1  }
0x250: {  	s1 =	ssub.s32 @!p0 $0x0, s1;
	[sflag:s0] =	ssyncset.done @!p0 $0x0  }
0x251: {  	[sflag:s0] =	ssyncadd.s32 @!p0 s1  }
0x252: {  	[bflag:$0x3] =	sbarrier.arrive $0xFFFF  }
0x253: {  	_ =	shalt  }

</sc_bundles>
